<compile_context>
chip_gen: v7x
topology: tpu7x:2x2x1
jax: 0.10.2.dev20260603
libtpu: 0.0.44.dev20260713+nightly
codegen_flags: <defaults>
</compile_context>

<pallas_src>
import functools

import jax
import jax.numpy as jnp
from jax import lax
from jax.experimental import pallas as pl
from jax.experimental.pallas import tpu as pltpu
from jax.experimental.pallas import tpu_sc as plsc

_N = 10000
_E = 320000
_H = 128
_G = 100
_NW = 32
_CK = 128
_CHUNKS = 80
_EP = _NW * _CHUNKS * _CK
_NP = 10240
_EB = 1024
_NB = _EP // _EB
_W = 256
_SENT = _NP + 64



def _gather_body(row_hbm, y_hbm, out_hbm, row_v,
                 buf0, buf1, buf2, buf3,
                 g0, g1, g2, g3, w0, w1, w2, w3):
    cid = lax.axis_index("c")
    sid = lax.axis_index("s")
    wid = sid * 2 + cid
    pltpu.sync_copy(row_hbm.at[wid], row_v)
    bufs = (buf0, buf1, buf2, buf3)
    gs = (g0, g1, g2, g3)
    ws = (w0, w1, w2, w3)

    def _obase(j):
        return out_hbm.at[pl.ds((wid * _CHUNKS + j) * _CK, _CK)]

    n_quads = _CHUNKS // 4

    def _body(i, _):
        j0 = 4 * i
        for p in range(4):
            @pl.when(i > 0)
            def _():
                pltpu.make_async_copy(bufs[p], _obase(j0 + p - 4),
                                      ws[p]).wait()
            pltpu.async_copy(y_hbm.at[row_v.at[j0 + p]], bufs[p], gs[p])
        for p in range(4):
            pltpu.make_async_copy(y_hbm.at[row_v.at[j0 + p]], bufs[p],
                                  gs[p]).wait()
            pltpu.async_copy(bufs[p], _obase(j0 + p), ws[p])
        return 0

    lax.fori_loop(0, n_quads, _body, 0)
    for p in range(4):
        pltpu.make_async_copy(bufs[p], _obase(_CHUNKS - 4 + p), ws[p]).wait()


@functools.lru_cache(maxsize=1)
def _sc_gather():
    mesh = plsc.VectorSubcoreMesh(core_axis_name="c", subcore_axis_name="s")
    return pl.kernel(
        _gather_body,
        out_type=jax.ShapeDtypeStruct((_EP, _H), jnp.float32),
        mesh=mesh,
        scratch_types=(
            [pltpu.VMEM((_CHUNKS, _CK), jnp.int32)]
            + [pltpu.VMEM((_CK, _H), jnp.float32)] * 4
            + [pltpu.SemaphoreType.DMA] * 8
        ),
    )




def _deg_body(nb_ref, colb_ref, deg_ref, dacc_ref):
    b = pl.program_id(0)

    @pl.when(b == 0)
    def _():
        dacc_ref[...] = jnp.zeros((_NP, _H), jnp.float32)

    nb = nb_ref[b]
    lid = colb_ref[0, 0:1, :] - nb
    rows = lax.broadcasted_iota(jnp.int32, (_W, _EB), 0)
    oh = jnp.where(rows == jnp.broadcast_to(lid, (_W, _EB)), 1.0, 0.0)
    dsum = jnp.sum(oh, axis=1, keepdims=True)
    dacc_ref[pl.ds(nb, _W), :] += jnp.broadcast_to(dsum, (_W, _H))

    @pl.when(b == pl.num_programs(0) - 1)
    def _():
        deg_ref[...] = dacc_ref[...]


def _agg_body(nb_ref, colb_ref, msg_ref, agg_ref, acc_ref):
    b = pl.program_id(0)

    @pl.when(b == 0)
    def _():
        acc_ref[...] = jnp.zeros((_NP, _H), jnp.float32)

    nb = nb_ref[b]
    lid = colb_ref[0, 0:1, :] - nb
    rows = lax.broadcasted_iota(jnp.int32, (_W, _EB), 0)
    oh = jnp.where(rows == jnp.broadcast_to(lid, (_W, _EB)), 1.0, 0.0)
    acc_ref[pl.ds(nb, _W), :] += jnp.dot(
        oh, msg_ref[...], preferred_element_type=jnp.float32)

    @pl.when(b == pl.num_programs(0) - 1)
    def _():
        agg_ref[...] = acc_ref[...]


_BLK = 2048


def _pre_body(x_ref, w_init_ref, b_init_ref, w0_ref, deg_ref,
              y0_ref, dinv_ref):
    dinv = jax.lax.rsqrt(deg_ref[...] + 1.0)
    dinv_ref[...] = dinv
    x1 = jnp.dot(x_ref[...], w_init_ref[...],
                 preferred_element_type=jnp.float32) + b_init_ref[0:1, :]
    y0_ref[...] = jnp.dot(x1, w0_ref[...],
                          preferred_element_type=jnp.float32) * dinv


def _mid_body(p_ref, y_ref, dinv_ref, b_ref, g_ref, bb_ref, w_ref, yn_ref):
    dinv = dinv_ref[...]
    h = (p_ref[...] + y_ref[...]) * dinv + b_ref[0:1, :]
    h = jnp.maximum(h, 0.0)
    m = jnp.mean(h, axis=-1, keepdims=True)
    c = h - m
    v = jnp.mean(c * c, axis=-1, keepdims=True)
    h = c * jax.lax.rsqrt(v + 1e-5) * g_ref[0:1, :] + bb_ref[0:1, :]
    yn_ref[...] = jnp.dot(h, w_ref[...],
                          preferred_element_type=jnp.float32) * dinv


_FBLK = 1000


def _final_body(p_ref, y_ref, dinv_ref, b_ref, batch_ref,
                wcls_ref, bcls_ref, emb_ref, logp_ref, pool_ref, cnt_ref):
    pid = pl.program_id(0)

    @pl.when(pid == 0)
    def _():
        pool_ref[...] = jnp.zeros((_H, _H), jnp.float32)
        cnt_ref[...] = jnp.zeros((_H, _H), jnp.float32)

    x3 = (p_ref[...] + y_ref[...]) * dinv_ref[...] + b_ref[0:1, :]
    gids = lax.broadcasted_iota(jnp.int32, (_H, _FBLK), 0)
    bb = jnp.broadcast_to(batch_ref[0, 0:1, :], (_H, _FBLK))
    oh = jnp.where(gids == bb, 1.0, 0.0)
    pool_ref[...] += jnp.dot(oh, x3, preferred_element_type=jnp.float32)
    cnt_ref[...] += jnp.broadcast_to(
        jnp.sum(oh, axis=1, keepdims=True), (_H, _H))

    @pl.when(pid == pl.num_programs(0) - 1)
    def _():
        mean = pool_ref[...] / jnp.maximum(cnt_ref[...], 1.0)
        logits = jnp.dot(mean, wcls_ref[...],
                         preferred_element_type=jnp.float32) + bcls_ref[0:1, :]
        emb_ref[...] = logits
        cmask = lax.broadcasted_iota(jnp.int32, (_H, _H), 1) < 10
        ml = jnp.where(cmask, logits, -1e30)
        mx = jnp.max(ml, axis=-1, keepdims=True)
        lse = mx + jnp.log(jnp.sum(jnp.exp(ml - mx), axis=-1, keepdims=True))
        logp_ref[...] = logits - lse


def _row_spec(blk):
    return pl.BlockSpec((blk, _H), lambda i: (i, 0))


def _full_spec(shape):
    return pl.BlockSpec(shape, lambda i: tuple(0 for _ in shape))


def _rep8(v):
    return jnp.tile(v[None, :], (8, 1))




def kernel(x, edge_index, batch, ptr, centrality, W_init, b_init, W0, b0,
           W1, b1, W2, b2, ln0_g, ln0_b, ln1_g, ln1_b, W_cls, b_cls):
    f32 = jnp.float32
    pad_e = _EP - _E
    rowp = jnp.concatenate(
        [edge_index[0].astype(jnp.int32), jnp.zeros((pad_e,), jnp.int32)])
    colp = jnp.concatenate(
        [edge_index[1].astype(jnp.int32),
         jnp.full((pad_e,), _SENT, jnp.int32)])
    order = jnp.argsort(colp)
    row_s = rowp[order]
    col_s = colp[order]
    row_s3 = row_s.reshape(_NW, _CHUNKS, _CK)
    col_s3 = col_s.reshape(_NB, 1, _EB)
    nb = jnp.minimum((col_s[::_EB] // 8) * 8, _NP - _W).astype(jnp.int32)

    xp = jnp.zeros((_NP, _H), f32).at[:_N].set(x)

    deg = pl.pallas_call(
        _deg_body,
        grid_spec=pltpu.PrefetchScalarGridSpec(
            num_scalar_prefetch=1,
            grid=(_NB,),
            in_specs=[pl.BlockSpec((1, 1, _EB), lambda b, nbr: (b, 0, 0))],
            out_specs=pl.BlockSpec((_NP, _H), lambda b, nbr: (0, 0)),
            scratch_shapes=[pltpu.VMEM((_NP, _H), f32)],
        ),
        out_shape=jax.ShapeDtypeStruct((_NP, _H), f32),
    )(nb, col_s3)

    y0, dinv = pl.pallas_call(
        _pre_body,
        grid=(_NP // _BLK,),
        in_specs=[
            _row_spec(_BLK), _full_spec((_H, _H)), _full_spec((8, _H)),
            _full_spec((_H, _H)), _row_spec(_BLK),
        ],
        out_specs=[_row_spec(_BLK), _row_spec(_BLK)],
        out_shape=[jax.ShapeDtypeStruct((_NP, _H), f32),
                   jax.ShapeDtypeStruct((_NP, _H), f32)],
    )(xp, W_init, _rep8(b_init), W0, deg)

    gather_k = _sc_gather()

    def agg_layer(y):
        msg = gather_k(row_s3, y)
        return pl.pallas_call(
            _agg_body,
            grid_spec=pltpu.PrefetchScalarGridSpec(
                num_scalar_prefetch=1,
                grid=(_NB,),
                in_specs=[
                    pl.BlockSpec((1, 1, _EB), lambda b, nbr: (b, 0, 0)),
                    pl.BlockSpec((_EB, _H), lambda b, nbr: (b, 0)),
                ],
                out_specs=pl.BlockSpec((_NP, _H), lambda b, nbr: (0, 0)),
                scratch_shapes=[pltpu.VMEM((_NP, _H), f32)],
            ),
            out_shape=jax.ShapeDtypeStruct((_NP, _H), f32),
        )(nb, col_s3, msg)

    def mid(p, y_prev, b_prev, g, bbeta, w_next):
        return pl.pallas_call(
            _mid_body,
            grid=(_NP // _BLK,),
            in_specs=[
                _row_spec(_BLK), _row_spec(_BLK), _row_spec(_BLK),
                _full_spec((8, _H)), _full_spec((8, _H)),
                _full_spec((8, _H)), _full_spec((_H, _H)),
            ],
            out_specs=_row_spec(_BLK),
            out_shape=jax.ShapeDtypeStruct((_NP, _H), f32),
        )(p, y_prev, dinv, _rep8(b_prev), _rep8(g), _rep8(bbeta), w_next)

    agg0 = agg_layer(y0)
    y1 = mid(agg0, y0, b0, ln0_g, ln0_b, W1)
    agg1 = agg_layer(y1)
    y2 = mid(agg1, y1, b1, ln1_g, ln1_b, W2)
    agg2 = agg_layer(y2)

    wcls_p = jnp.zeros((_H, _H), f32).at[:, :10].set(W_cls)
    bcls_p = jnp.zeros((_H,), f32).at[:10].set(b_cls)
    batch3 = batch.astype(jnp.int32).reshape(_N // _FBLK, 1, _FBLK)

    emb, logp = pl.pallas_call(
        _final_body,
        grid=(_N // _FBLK,),
        in_specs=[
            _row_spec(_FBLK), _row_spec(_FBLK), _row_spec(_FBLK),
            _full_spec((8, _H)),
            pl.BlockSpec((1, 1, _FBLK), lambda i: (i, 0, 0)),
            _full_spec((_H, _H)), _full_spec((8, _H)),
        ],
        out_specs=[_full_spec((_H, _H)), _full_spec((_H, _H))],
        out_shape=[jax.ShapeDtypeStruct((_H, _H), f32),
                   jax.ShapeDtypeStruct((_H, _H), f32)],
        scratch_shapes=[pltpu.VMEM((_H, _H), f32),
                        pltpu.VMEM((_H, _H), f32)],
    )(agg2, y2, dinv, _rep8(b2), batch3, wcls_p, _rep8(bcls_p))

    return (emb[:_G, :10], logp[:_G, :10])

# --- scband reference (transcript-rebuilt; emitter-appended) ---
"""Pipeline reference for scband-mol-gnn-11905649344551 (READ-ONLY COPY).

The authoritative reference and input builder live on the scoring server;
editing this copy changes nothing except your own understanding.
"""

import jax, jax.numpy as jnp
import numpy as np

N = 10000
E = 320000
D_IN = 128
H = 128
C = 10
G = 100
NUM_LAYERS = 3


def setup_inputs(seed: int = 0) -> dict:
    key = jax.random.key(seed)
    ks = jax.random.split(key, 12)
    sc = 0.05
    inp = {}
    inp['x'] = jax.random.normal(ks[0], (N, D_IN), dtype=jnp.float32)
    inp['edge_index'] = jax.random.randint(ks[1], (2, E), 0, N)
    inp['batch'] = jnp.sort(jax.random.randint(ks[2], (N,), 0, G))
    inp['ptr'] = jnp.arange(G + 1)
    inp['centrality'] = jnp.arange(N)
    inp['W_init'] = jax.random.normal(ks[3], (D_IN, H), dtype=jnp.float32) * sc
    inp['b_init'] = jnp.zeros((H,), dtype=jnp.float32)
    inp['W0'] = jax.random.normal(ks[4], (H, H), dtype=jnp.float32) * sc
    inp['b0'] = jnp.zeros((H,), dtype=jnp.float32)
    inp['W1'] = jax.random.normal(ks[5], (H, H), dtype=jnp.float32) * sc
    inp['b1'] = jnp.zeros((H,), dtype=jnp.float32)
    inp['W2'] = jax.random.normal(ks[6], (H, H), dtype=jnp.float32) * sc
    inp['b2'] = jnp.zeros((H,), dtype=jnp.float32)
    inp['ln0_g'] = jnp.ones((H,), dtype=jnp.float32)
    inp['ln0_b'] = jnp.zeros((H,), dtype=jnp.float32)
    inp['ln1_g'] = jnp.ones((H,), dtype=jnp.float32)
    inp['ln1_b'] = jnp.zeros((H,), dtype=jnp.float32)
    inp['W_cls'] = jax.random.normal(ks[7], (H, C), dtype=jnp.float32) * sc
    inp['b_cls'] = jnp.zeros((C,), dtype=jnp.float32)
    return inp


def _gcn_conv(x, edge_index, W, b):
    # GCNConv: symmetric-normalized aggregation with self-loops
    n = x.shape[0]
    xw = x @ W
    loop = jnp.arange(n)
    row = jnp.concatenate([edge_index[0], loop])
    col = jnp.concatenate([edge_index[1], loop])
    deg = jax.ops.segment_sum(jnp.ones(row.shape[0], dtype=xw.dtype), col, num_segments=n)
    dinv = jnp.where(deg > 0, 1.0 / jnp.sqrt(deg), 0.0)
    norm = dinv[row] * dinv[col]
    msg = xw[row] * norm[:, None]
    out = jax.ops.segment_sum(msg, col, num_segments=n)
    return out + b


def _layer_norm(x, g, b, eps=1e-5):
    m = jnp.mean(x, axis=-1, keepdims=True)
    v = jnp.var(x, axis=-1, keepdims=True)
    return (x - m) / jnp.sqrt(v + eps) * g + b


def reference(x, edge_index, batch, ptr, centrality, W_init, b_init, W0, b0, W1, b1, W2, b2, ln0_g, ln0_b, ln1_g, ln1_b, W_cls, b_cls):
    x = x @ W_init + b_init
    edge_batch = batch[edge_index[0]]  # computed in original forward (gather)
    node_counts = jnp.bincount(batch, length=G)
    Ws = [(W0, b0), (W1, b1), (W2, b2)]
    lns = [(ln0_g, ln0_b), (ln1_g, ln1_b)]
    for i in range(NUM_LAYERS):
        x = _gcn_conv(x, edge_index, Ws[i][0], Ws[i][1])
        if i != NUM_LAYERS - 1:
            x = jax.nn.relu(x)
            x = _layer_norm(x, lns[i][0], lns[i][1])
            # F.dropout with p=0.0 is identity
        # batch_frac == 0 -> async_update path skipped
    sums = jax.ops.segment_sum(x, batch, num_segments=G)
    counts = jnp.maximum(node_counts, 1).astype(x.dtype)
    x = sums / counts[:, None]  # global_mean_pool
    x = x @ W_cls + b_cls
    embedding = x
    logp = jax.nn.log_softmax(x, axis=1)
    return (embedding, logp)

if __name__ == "__main__":
    import jax
    _d = setup_inputs()
    print(jax.jit(kernel)(*tuple(_d.values())))

</pallas_src>

<mosaic_0001>
#map = affine_map<(d0, d1) -> (0, 0, 0)>
#map1 = affine_map<(d0, d1) -> (0, 0)>
module attributes {stable_mosaic.version = 14 : i64} {
  func.func @_gather_body(%arg0: i32, %arg1: i32, %arg2: memref<32x80x128xi32, #tpu.memory_space<hbm>>, %arg3: memref<10240x128xf32, #tpu.memory_space<hbm>>, %arg4: memref<327680x128xf32, #tpu.memory_space<hbm>>, %arg5: memref<80x128xi32, #tpu.memory_space<vmem>>, %arg6: memref<128x128xf32, #tpu.memory_space<vmem>>, %arg7: memref<128x128xf32, #tpu.memory_space<vmem>>, %arg8: memref<128x128xf32, #tpu.memory_space<vmem>>, %arg9: memref<128x128xf32, #tpu.memory_space<vmem>>, %arg10: memref<!tpu.dma_semaphore, #tpu.memory_space<semaphore_mem>>, %arg11: memref<!tpu.dma_semaphore, #tpu.memory_space<semaphore_mem>>, %arg12: memref<!tpu.dma_semaphore, #tpu.memory_space<semaphore_mem>>, %arg13: memref<!tpu.dma_semaphore, #tpu.memory_space<semaphore_mem>>, %arg14: memref<!tpu.dma_semaphore, #tpu.memory_space<semaphore_mem>>, %arg15: memref<!tpu.dma_semaphore, #tpu.memory_space<semaphore_mem>>, %arg16: memref<!tpu.dma_semaphore, #tpu.memory_space<semaphore_mem>>, %arg17: memref<!tpu.dma_semaphore, #tpu.memory_space<semaphore_mem>>) attributes {dimension_semantics = [#tpu.dimension_semantics<core_parallel>, #tpu.dimension_semantics<subcore_parallel>], iteration_bounds = array<i64: 2, 16>, scalar_prefetch = 0 : i64, scratch_operands = 13 : i64, tpu.core_type = #tpu.core_type<sc_vector_subcore>, window_params = [{transform_indices = #map}, {transform_indices = #map1}, {transform_indices = #map1}]} {
    %mul3A = arith.constant 2 : i32
    %mul3A_0 = arith.muli %arg1, %mul3A : i32
    %add3A = arith.addi %mul3A_0, %arg0 : i32
    "tpu.region"() ({
      %run_scoped3A = tpu.sem_alloc : memref<!tpu.dma_semaphore, #tpu.memory_space<semaphore_mem>>
      %dma_start3A = arith.constant 0 : i32
      %dma_start3A_46 = arith.constant 0 : i32
      %dma_start3A_47 = tpu.memref_slice %arg2[%add3A, %dma_start3A, %dma_start3A_46] : memref<32x80x128xi32, #tpu.memory_space<hbm>> -> memref<1x80x128xi32, #tpu.memory_space<hbm>>
      %dma_start3A_48 = tpu.memref_squeeze %dma_start3A_47 : memref<1x80x128xi32, #tpu.memory_space<hbm>> -> memref<80x128xi32, #tpu.memory_space<hbm>>
      %dma_start3A_49 = arith.constant 0 : i32
      %dma_start3A_50 = arith.constant 0 : i32
      %dma_start3A_51 = tpu.memref_slice %arg2[%add3A, %dma_start3A_49, %dma_start3A_50] : memref<32x80x128xi32, #tpu.memory_space<hbm>> -> memref<1x80x128xi32, #tpu.memory_space<hbm>>
      %dma_start3A_52 = tpu.memref_squeeze %dma_start3A_51 : memref<1x80x128xi32, #tpu.memory_space<hbm>> -> memref<80x128xi32, #tpu.memory_space<hbm>>
      tpu.enqueue_dma source(%dma_start3A_52 : memref<80x128xi32, #tpu.memory_space<hbm>>) target(%arg5 : memref<80x128xi32, #tpu.memory_space<vmem>>) target_semaphore(%run_scoped3A : memref<!tpu.dma_semaphore, #tpu.memory_space<semaphore_mem>>)
      %dma_wait3A_53 = arith.constant 0 : i32
      %dma_wait3A_54 = arith.constant 0 : i32
      %dma_wait3A_55 = tpu.memref_slice %arg2[%add3A, %dma_wait3A_53, %dma_wait3A_54] : memref<32x80x128xi32, #tpu.memory_space<hbm>> -> memref<1x80x128xi32, #tpu.memory_space<hbm>>
      %dma_wait3A_56 = tpu.memref_squeeze %dma_wait3A_55 : memref<1x80x128xi32, #tpu.memory_space<hbm>> -> memref<80x128xi32, #tpu.memory_space<hbm>>
      %dma_wait3A_57 = arith.constant 0 : i32
      %dma_wait3A_58 = arith.constant 0 : i32
      %dma_wait3A_59 = tpu.memref_slice %arg2[%add3A, %dma_wait3A_57, %dma_wait3A_58] : memref<32x80x128xi32, #tpu.memory_space<hbm>> -> memref<1x80x128xi32, #tpu.memory_space<hbm>>
      %dma_wait3A_60 = tpu.memref_squeeze %dma_wait3A_59 : memref<1x80x128xi32, #tpu.memory_space<hbm>> -> memref<80x128xi32, #tpu.memory_space<hbm>>
      tpu.wait_dma2 semaphore(%run_scoped3A : memref<!tpu.dma_semaphore, #tpu.memory_space<semaphore_mem>>) src(%dma_wait3A_60 : memref<80x128xi32, #tpu.memory_space<hbm>>) dst(%arg5 : memref<80x128xi32, #tpu.memory_space<vmem>>)
      tpu.yield
    }) : () -> ()
    %scan3A = arith.constant 0 : i32
    %scan3A_1 = arith.constant 0 : i32
    %scan3A_2 = arith.constant 20 : i32
    %scan3A_3 = arith.addi %scan3A_1, %scan3A_2 : i32
    %scan3A_4 = arith.constant 1 : i32
    %scan3A_5 = scf.for %scan3A_46 = %scan3A_1 to %scan3A_3 step %scan3A_4 iter_args(%scan3A_47 = %scan3A) -> (i32)  : i32 {
      %mul3A_48 = arith.constant 4 : i32
      %mul3A_49 = arith.muli %mul3A_48, %scan3A_46 : i32
      %gt3A = arith.constant 0 : i32
      %gt3A_50 = arith.cmpi sgt, %scan3A_46, %gt3A : i32
      %convert_element_type3A = arith.extui %gt3A_50 : i1 to i32
      %cond3A = arith.constant 0 : i32
      %cond3A_51 = arith.cmpi ne, %convert_element_type3A, %cond3A : i32
      scf.if %cond3A_51 {
        %add3A_175 = arith.constant 0 : i32
        %add3A_176 = arith.addi %mul3A_49, %add3A_175 : i32
        %sub3A = arith.constant 4 : i32
        %sub3A_177 = arith.subi %add3A_176, %sub3A : i32
        %mul3A_178 = arith.constant 80 : i32
        %mul3A_179 = arith.muli %add3A, %mul3A_178 : i32
        %add3A_180 = arith.addi %mul3A_179, %sub3A_177 : i32
        %mul3A_181 = arith.constant 128 : i32
        %mul3A_182 = arith.muli %add3A_180, %mul3A_181 : i32
        %dma_wait3A_183 = arith.constant 0 : i32
        %dma_wait3A_184 = tpu.memref_slice %arg4[%mul3A_182, %dma_wait3A_183] : memref<327680x128xf32, #tpu.memory_space<hbm>> -> memref<128x128xf32, #tpu.memory_space<hbm>>
        %dma_wait3A_185 = arith.constant 0 : i32
        %dma_wait3A_186 = tpu.memref_slice %arg4[%mul3A_182, %dma_wait3A_185] : memref<327680x128xf32, #tpu.memory_space<hbm>> -> memref<128x128xf32, #tpu.memory_space<hbm>>
        tpu.wait_dma2 semaphore(%arg14 : memref<!tpu.dma_semaphore, #tpu.memory_space<semaphore_mem>>) src(%arg6 : memref<128x128xf32, #tpu.memory_space<vmem>>) dst(%dma_wait3A_186 : memref<128x128xf32, #tpu.memory_space<hbm>>)
      } else {
      }
      %add3A_52 = arith.constant 0 : i32
      %add3A_53 = arith.addi %mul3A_49, %add3A_52 : i32
      %dma_start3A = arith.constant 0 : i32
      %dma_start3A_54 = tpu.memref_slice %arg5[%add3A_53, %dma_start3A] : memref<80x128xi32, #tpu.memory_space<vmem>> -> memref<1x128xi32, #tpu.memory_space<vmem>>
      %dma_start3A_55 = tpu.memref_squeeze %dma_start3A_54 : memref<1x128xi32, #tpu.memory_space<vmem>> -> memref<128xi32, #tpu.memory_space<vmem>>
      %dma_start3A_56 = arith.constant 0 : i32
      %dma_start3A_57 = arith.constant 0 : i32
      %dma_start3A_58 = tpu.memref_slice %arg3[%dma_start3A_56, %dma_start3A_57] : memref<10240x128xf32, #tpu.memory_space<hbm>> -> memref<10240x128xf32, #tpu.memory_space<hbm>>
      tpu.enqueue_indirect_dma source(%dma_start3A_58 : memref<10240x128xf32, #tpu.memory_space<hbm>>) target(%arg6 : memref<128x128xf32, #tpu.memory_space<vmem>>) offsets(%dma_start3A_55 : memref<128xi32, #tpu.memory_space<vmem>>) semaphore(%arg10 : memref<!tpu.dma_semaphore, #tpu.memory_space<semaphore_mem>>)
      %gt3A_59 = arith.constant 0 : i32
      %gt3A_60 = arith.cmpi sgt, %scan3A_46, %gt3A_59 : i32
      %convert_element_type3A_61 = arith.extui %gt3A_60 : i1 to i32
      %cond3A_62 = arith.constant 0 : i32
      %cond3A_63 = arith.cmpi ne, %convert_element_type3A_61, %cond3A_62 : i32
      scf.if %cond3A_63 {
        %add3A_175 = arith.constant 1 : i32
        %add3A_176 = arith.addi %mul3A_49, %add3A_175 : i32
        %sub3A = arith.constant 4 : i32
        %sub3A_177 = arith.subi %add3A_176, %sub3A : i32
        %mul3A_178 = arith.constant 80 : i32
        %mul3A_179 = arith.muli %add3A, %mul3A_178 : i32
        %add3A_180 = arith.addi %mul3A_179, %sub3A_177 : i32
        %mul3A_181 = arith.constant 128 : i32
        %mul3A_182 = arith.muli %add3A_180, %mul3A_181 : i32
        %dma_wait3A_183 = arith.constant 0 : i32
        %dma_wait3A_184 = tpu.memref_slice %arg4[%mul3A_182, %dma_wait3A_183] : memref<327680x128xf32, #tpu.memory_space<hbm>> -> memref<128x128xf32, #tpu.memory_space<hbm>>
        %dma_wait3A_185 = arith.constant 0 : i32
        %dma_wait3A_186 = tpu.memref_slice %arg4[%mul3A_182, %dma_wait3A_185] : memref<327680x128xf32, #tpu.memory_space<hbm>> -> memref<128x128xf32, #tpu.memory_space<hbm>>
        tpu.wait_dma2 semaphore(%arg15 : memref<!tpu.dma_semaphore, #tpu.memory_space<semaphore_mem>>) src(%arg7 : memref<128x128xf32, #tpu.memory_space<vmem>>) dst(%dma_wait3A_186 : memref<128x128xf32, #tpu.memory_space<hbm>>)
      } else {
      }
      %add3A_64 = arith.constant 1 : i32
      %add3A_65 = arith.addi %mul3A_49, %add3A_64 : i32
      %dma_start3A_66 = arith.constant 0 : i32
      %dma_start3A_67 = tpu.memref_slice %arg5[%add3A_65, %dma_start3A_66] : memref<80x128xi32, #tpu.memory_space<vmem>> -> memref<1x128xi32, #tpu.memory_space<vmem>>
      %dma_start3A_68 = tpu.memref_squeeze %dma_start3A_67 : memref<1x128xi32, #tpu.memory_space<vmem>> -> memref<128xi32, #tpu.memory_space<vmem>>
      %dma_start3A_69 = arith.constant 0 : i32
      %dma_start3A_70 = arith.constant 0 : i32
      %dma_start3A_71 = tpu.memref_slice %arg3[%dma_start3A_69, %dma_start3A_70] : memref<10240x128xf32, #tpu.memory_space<hbm>> -> memref<10240x128xf32, #tpu.memory_space<hbm>>
      tpu.enqueue_indirect_dma source(%dma_start3A_71 : memref<10240x128xf32, #tpu.memory_space<hbm>>) target(%arg7 : memref<128x128xf32, #tpu.memory_space<vmem>>) offsets(%dma_start3A_68 : memref<128xi32, #tpu.memory_space<vmem>>) semaphore(%arg11 : memref<!tpu.dma_semaphore, #tpu.memory_space<semaphore_mem>>)
      %gt3A_72 = arith.constant 0 : i32
      %gt3A_73 = arith.cmpi sgt, %scan3A_46, %gt3A_72 : i32
      %convert_element_type3A_74 = arith.extui %gt3A_73 : i1 to i32
      %cond3A_75 = arith.constant 0 : i32
      %cond3A_76 = arith.cmpi ne, %convert_element_type3A_74, %cond3A_75 : i32
      scf.if %cond3A_76 {
        %add3A_175 = arith.constant 2 : i32
        %add3A_176 = arith.addi %mul3A_49, %add3A_175 : i32
        %sub3A = arith.constant 4 : i32
        %sub3A_177 = arith.subi %add3A_176, %sub3A : i32
        %mul3A_178 = arith.constant 80 : i32
        %mul3A_179 = arith.muli %add3A, %mul3A_178 : i32
        %add3A_180 = arith.addi %mul3A_179, %sub3A_177 : i32
        %mul3A_181 = arith.constant 128 : i32
        %mul3A_182 = arith.muli %add3A_180, %mul3A_181 : i32
        %dma_wait3A_183 = arith.constant 0 : i32
        %dma_wait3A_184 = tpu.memref_slice %arg4[%mul3A_182, %dma_wait3A_183] : memref<327680x128xf32, #tpu.memory_space<hbm>> -> memref<128x128xf32, #tpu.memory_space<hbm>>
        %dma_wait3A_185 = arith.constant 0 : i32
        %dma_wait3A_186 = tpu.memref_slice %arg4[%mul3A_182, %dma_wait3A_185] : memref<327680x128xf32, #tpu.memory_space<hbm>> -> memref<128x128xf32, #tpu.memory_space<hbm>>
        tpu.wait_dma2 semaphore(%arg16 : memref<!tpu.dma_semaphore, #tpu.memory_space<semaphore_mem>>) src(%arg8 : memref<128x128xf32, #tpu.memory_space<vmem>>) dst(%dma_wait3A_186 : memref<128x128xf32, #tpu.memory_space<hbm>>)
      } else {
      }
      %add3A_77 = arith.constant 2 : i32
      %add3A_78 = arith.addi %mul3A_49, %add3A_77 : i32
      %dma_start3A_79 = arith.constant 0 : i32
      %dma_start3A_80 = tpu.memref_slice %arg5[%add3A_78, %dma_start3A_79] : memref<80x128xi32, #tpu.memory_space<vmem>> -> memref<1x128xi32, #tpu.memory_space<vmem>>
      %dma_start3A_81 = tpu.memref_squeeze %dma_start3A_80 : memref<1x128xi32, #tpu.memory_space<vmem>> -> memref<128xi32, #tpu.memory_space<vmem>>
      %dma_start3A_82 = arith.constant 0 : i32
      %dma_start3A_83 = arith.constant 0 : i32
      %dma_start3A_84 = tpu.memref_slice %arg3[%dma_start3A_82, %dma_start3A_83] : memref<10240x128xf32, #tpu.memory_space<hbm>> -> memref<10240x128xf32, #tpu.memory_space<hbm>>
      tpu.enqueue_indirect_dma source(%dma_start3A_84 : memref<10240x128xf32, #tpu.memory_space<hbm>>) target(%arg8 : memref<128x128xf32, #tpu.memory_space<vmem>>) offsets(%dma_start3A_81 : memref<128xi32, #tpu.memory_space<vmem>>) semaphore(%arg12 : memref<!tpu.dma_semaphore, #tpu.memory_space<semaphore_mem>>)
      %gt3A_85 = arith.constant 0 : i32
      %gt3A_86 = arith.cmpi sgt, %scan3A_46, %gt3A_85 : i32
      %convert_element_type3A_87 = arith.extui %gt3A_86 : i1 to i32
      %cond3A_88 = arith.constant 0 : i32
      %cond3A_89 = arith.cmpi ne, %convert_element_type3A_87, %cond3A_88 : i32
      scf.if %cond3A_89 {
        %add3A_175 = arith.constant 3 : i32
        %add3A_176 = arith.addi %mul3A_49, %add3A_175 : i32
        %sub3A = arith.constant 4 : i32
        %sub3A_177 = arith.subi %add3A_176, %sub3A : i32
        %mul3A_178 = arith.constant 80 : i32
        %mul3A_179 = arith.muli %add3A, %mul3A_178 : i32
        %add3A_180 = arith.addi %mul3A_179, %sub3A_177 : i32
        %mul3A_181 = arith.constant 128 : i32
        %mul3A_182 = arith.muli %add3A_180, %mul3A_181 : i32
        %dma_wait3A_183 = arith.constant 0 : i32
        %dma_wait3A_184 = tpu.memref_slice %arg4[%mul3A_182, %dma_wait3A_183] : memref<327680x128xf32, #tpu.memory_space<hbm>> -> memref<128x128xf32, #tpu.memory_space<hbm>>
        %dma_wait3A_185 = arith.constant 0 : i32
        %dma_wait3A_186 = tpu.memref_slice %arg4[%mul3A_182, %dma_wait3A_185] : memref<327680x128xf32, #tpu.memory_space<hbm>> -> memref<128x128xf32, #tpu.memory_space<hbm>>
        tpu.wait_dma2 semaphore(%arg17 : memref<!tpu.dma_semaphore, #tpu.memory_space<semaphore_mem>>) src(%arg9 : memref<128x128xf32, #tpu.memory_space<vmem>>) dst(%dma_wait3A_186 : memref<128x128xf32, #tpu.memory_space<hbm>>)
      } else {
      }
      %add3A_90 = arith.constant 3 : i32
      %add3A_91 = arith.addi %mul3A_49, %add3A_90 : i32
      %dma_start3A_92 = arith.constant 0 : i32
      %dma_start3A_93 = tpu.memref_slice %arg5[%add3A_91, %dma_start3A_92] : memref<80x128xi32, #tpu.memory_space<vmem>> -> memref<1x128xi32, #tpu.memory_space<vmem>>
      %dma_start3A_94 = tpu.memref_squeeze %dma_start3A_93 : memref<1x128xi32, #tpu.memory_space<vmem>> -> memref<128xi32, #tpu.memory_space<vmem>>
      %dma_start3A_95 = arith.constant 0 : i32
      %dma_start3A_96 = arith.constant 0 : i32
      %dma_start3A_97 = tpu.memref_slice %arg3[%dma_start3A_95, %dma_start3A_96] : memref<10240x128xf32, #tpu.memory_space<hbm>> -> memref<10240x128xf32, #tpu.memory_space<hbm>>
      tpu.enqueue_indirect_dma source(%dma_start3A_97 : memref<10240x128xf32, #tpu.memory_space<hbm>>) target(%arg9 : memref<128x128xf32, #tpu.memory_space<vmem>>) offsets(%dma_start3A_94 : memref<128xi32, #tpu.memory_space<vmem>>) semaphore(%arg13 : memref<!tpu.dma_semaphore, #tpu.memory_space<semaphore_mem>>)
      %add3A_98 = arith.constant 0 : i32
      %add3A_99 = arith.addi %mul3A_49, %add3A_98 : i32
      %dma_wait3A_100 = arith.constant 0 : i32
      %dma_wait3A_101 = tpu.memref_slice %arg5[%add3A_99, %dma_wait3A_100] : memref<80x128xi32, #tpu.memory_space<vmem>> -> memref<1x128xi32, #tpu.memory_space<vmem>>
      %dma_wait3A_102 = tpu.memref_squeeze %dma_wait3A_101 : memref<1x128xi32, #tpu.memory_space<vmem>> -> memref<128xi32, #tpu.memory_space<vmem>>
      %dma_wait3A_103 = arith.constant 0 : i32
      %dma_wait3A_104 = arith.constant 0 : i32
      %dma_wait3A_105 = tpu.memref_slice %arg3[%dma_wait3A_103, %dma_wait3A_104] : memref<10240x128xf32, #tpu.memory_space<hbm>> -> memref<10240x128xf32, #tpu.memory_space<hbm>>
      tpu.wait_indirect_dma semaphore(%arg10 : memref<!tpu.dma_semaphore, #tpu.memory_space<semaphore_mem>>) src(%dma_wait3A_105 : memref<10240x128xf32, #tpu.memory_space<hbm>>) dst(%arg6 : memref<128x128xf32, #tpu.memory_space<vmem>>)
      %add3A_106 = arith.constant 0 : i32
      %add3A_107 = arith.addi %mul3A_49, %add3A_106 : i32
      %mul3A_108 = arith.constant 80 : i32
      %mul3A_109 = arith.muli %add3A, %mul3A_108 : i32
      %add3A_110 = arith.addi %mul3A_109, %add3A_107 : i32
      %mul3A_111 = arith.constant 128 : i32
      %mul3A_112 = arith.muli %add3A_110, %mul3A_111 : i32
      %dma_start3A_113 = arith.constant 0 : i32
      %dma_start3A_114 = tpu.memref_slice %arg4[%mul3A_112, %dma_start3A_113] : memref<327680x128xf32, #tpu.memory_space<hbm>> -> memref<128x128xf32, #tpu.memory_space<hbm>>
      %dma_start3A_115 = arith.constant 0 : i32
      %dma_start3A_116 = tpu.memref_slice %arg4[%mul3A_112, %dma_start3A_115] : memref<327680x128xf32, #tpu.memory_space<hbm>> -> memref<128x128xf32, #tpu.memory_space<hbm>>
      tpu.enqueue_dma source(%arg6 : memref<128x128xf32, #tpu.memory_space<vmem>>) target(%dma_start3A_116 : memref<128x128xf32, #tpu.memory_space<hbm>>) target_semaphore(%arg14 : memref<!tpu.dma_semaphore, #tpu.memory_space<semaphore_mem>>)
      %add3A_117 = arith.constant 1 : i32
      %add3A_118 = arith.addi %mul3A_49, %add3A_117 : i32
      %dma_wait3A_119 = arith.constant 0 : i32
      %dma_wait3A_120 = tpu.memref_slice %arg5[%add3A_118, %dma_wait3A_119] : memref<80x128xi32, #tpu.memory_space<vmem>> -> memref<1x128xi32, #tpu.memory_space<vmem>>
      %dma_wait3A_121 = tpu.memref_squeeze %dma_wait3A_120 : memref<1x128xi32, #tpu.memory_space<vmem>> -> memref<128xi32, #tpu.memory_space<vmem>>
      %dma_wait3A_122 = arith.constant 0 : i32
      %dma_wait3A_123 = arith.constant 0 : i32
      %dma_wait3A_124 = tpu.memref_slice %arg3[%dma_wait3A_122, %dma_wait3A_123] : memref<10240x128xf32, #tpu.memory_space<hbm>> -> memref<10240x128xf32, #tpu.memory_space<hbm>>
      tpu.wait_indirect_dma semaphore(%arg11 : memref<!tpu.dma_semaphore, #tpu.memory_space<semaphore_mem>>) src(%dma_wait3A_124 : memref<10240x128xf32, #tpu.memory_space<hbm>>) dst(%arg7 : memref<128x128xf32, #tpu.memory_space<vmem>>)
      %add3A_125 = arith.constant 1 : i32
      %add3A_126 = arith.addi %mul3A_49, %add3A_125 : i32
      %mul3A_127 = arith.constant 80 : i32
      %mul3A_128 = arith.muli %add3A, %mul3A_127 : i32
      %add3A_129 = arith.addi %mul3A_128, %add3A_126 : i32
      %mul3A_130 = arith.constant 128 : i32
      %mul3A_131 = arith.muli %add3A_129, %mul3A_130 : i32
      %dma_start3A_132 = arith.constant 0 : i32
      %dma_start3A_133 = tpu.memref_slice %arg4[%mul3A_131, %dma_start3A_132] : memref<327680x128xf32, #tpu.memory_space<hbm>> -> memref<128x128xf32, #tpu.memory_space<hbm>>
      %dma_start3A_134 = arith.constant 0 : i32
      %dma_start3A_135 = tpu.memref_slice %arg4[%mul3A_131, %dma_start3A_134] : memref<327680x128xf32, #tpu.memory_space<hbm>> -> memref<128x128xf32, #tpu.memory_space<hbm>>
      tpu.enqueue_dma source(%arg7 : memref<128x128xf32, #tpu.memory_space<vmem>>) target(%dma_start3A_135 : memref<128x128xf32, #tpu.memory_space<hbm>>) target_semaphore(%arg15 : memref<!tpu.dma_semaphore, #tpu.memory_space<semaphore_mem>>)
      %add3A_136 = arith.constant 2 : i32
      %add3A_137 = arith.addi %mul3A_49, %add3A_136 : i32
      %dma_wait3A_138 = arith.constant 0 : i32
      %dma_wait3A_139 = tpu.memref_slice %arg5[%add3A_137, %dma_wait3A_138] : memref<80x128xi32, #tpu.memory_space<vmem>> -> memref<1x128xi32, #tpu.memory_space<vmem>>
      %dma_wait3A_140 = tpu.memref_squeeze %dma_wait3A_139 : memref<1x128xi32, #tpu.memory_space<vmem>> -> memref<128xi32, #tpu.memory_space<vmem>>
      %dma_wait3A_141 = arith.constant 0 : i32
      %dma_wait3A_142 = arith.constant 0 : i32
      %dma_wait3A_143 = tpu.memref_slice %arg3[%dma_wait3A_141, %dma_wait3A_142] : memref<10240x128xf32, #tpu.memory_space<hbm>> -> memref<10240x128xf32, #tpu.memory_space<hbm>>
      tpu.wait_indirect_dma semaphore(%arg12 : memref<!tpu.dma_semaphore, #tpu.memory_space<semaphore_mem>>) src(%dma_wait3A_143 : memref<10240x128xf32, #tpu.memory_space<hbm>>) dst(%arg8 : memref<128x128xf32, #tpu.memory_space<vmem>>)
      %add3A_144 = arith.constant 2 : i32
      %add3A_145 = arith.addi %mul3A_49, %add3A_144 : i32
      %mul3A_146 = arith.constant 80 : i32
      %mul3A_147 = arith.muli %add3A, %mul3A_146 : i32
      %add3A_148 = arith.addi %mul3A_147, %add3A_145 : i32
      %mul3A_149 = arith.constant 128 : i32
      %mul3A_150 = arith.muli %add3A_148, %mul3A_149 : i32
      %dma_start3A_151 = arith.constant 0 : i32
      %dma_start3A_152 = tpu.memref_slice %arg4[%mul3A_150, %dma_start3A_151] : memref<327680x128xf32, #tpu.memory_space<hbm>> -> memref<128x128xf32, #tpu.memory_space<hbm>>
      %dma_start3A_153 = arith.constant 0 : i32
      %dma_start3A_154 = tpu.memref_slice %arg4[%mul3A_150, %dma_start3A_153] : memref<327680x128xf32, #tpu.memory_space<hbm>> -> memref<128x128xf32, #tpu.memory_space<hbm>>
      tpu.enqueue_dma source(%arg8 : memref<128x128xf32, #tpu.memory_space<vmem>>) target(%dma_start3A_154 : memref<128x128xf32, #tpu.memory_space<hbm>>) target_semaphore(%arg16 : memref<!tpu.dma_semaphore, #tpu.memory_space<semaphore_mem>>)
      %add3A_155 = arith.constant 3 : i32
      %add3A_156 = arith.addi %mul3A_49, %add3A_155 : i32
      %dma_wait3A_157 = arith.constant 0 : i32
      %dma_wait3A_158 = tpu.memref_slice %arg5[%add3A_156, %dma_wait3A_157] : memref<80x128xi32, #tpu.memory_space<vmem>> -> memref<1x128xi32, #tpu.memory_space<vmem>>
      %dma_wait3A_159 = tpu.memref_squeeze %dma_wait3A_158 : memref<1x128xi32, #tpu.memory_space<vmem>> -> memref<128xi32, #tpu.memory_space<vmem>>
      %dma_wait3A_160 = arith.constant 0 : i32
      %dma_wait3A_161 = arith.constant 0 : i32
      %dma_wait3A_162 = tpu.memref_slice %arg3[%dma_wait3A_160, %dma_wait3A_161] : memref<10240x128xf32, #tpu.memory_space<hbm>> -> memref<10240x128xf32, #tpu.memory_space<hbm>>
      tpu.wait_indirect_dma semaphore(%arg13 : memref<!tpu.dma_semaphore, #tpu.memory_space<semaphore_mem>>) src(%dma_wait3A_162 : memref<10240x128xf32, #tpu.memory_space<hbm>>) dst(%arg9 : memref<128x128xf32, #tpu.memory_space<vmem>>)
      %add3A_163 = arith.constant 3 : i32
      %add3A_164 = arith.addi %mul3A_49, %add3A_163 : i32
      %mul3A_165 = arith.constant 80 : i32
      %mul3A_166 = arith.muli %add3A, %mul3A_165 : i32
      %add3A_167 = arith.addi %mul3A_166, %add3A_164 : i32
      %mul3A_168 = arith.constant 128 : i32
      %mul3A_169 = arith.muli %add3A_167, %mul3A_168 : i32
      %dma_start3A_170 = arith.constant 0 : i32
      %dma_start3A_171 = tpu.memref_slice %arg4[%mul3A_169, %dma_start3A_170] : memref<327680x128xf32, #tpu.memory_space<hbm>> -> memref<128x128xf32, #tpu.memory_space<hbm>>
      %dma_start3A_172 = arith.constant 0 : i32
      %dma_start3A_173 = tpu.memref_slice %arg4[%mul3A_169, %dma_start3A_172] : memref<327680x128xf32, #tpu.memory_space<hbm>> -> memref<128x128xf32, #tpu.memory_space<hbm>>
      tpu.enqueue_dma source(%arg9 : memref<128x128xf32, #tpu.memory_space<vmem>>) target(%dma_start3A_173 : memref<128x128xf32, #tpu.memory_space<hbm>>) target_semaphore(%arg17 : memref<!tpu.dma_semaphore, #tpu.memory_space<semaphore_mem>>)
      %scan3A_174 = arith.constant 0 : i32
      scf.yield %scan3A_174 : i32
    }
    %scan3A_6 = arith.constant 20 : i32
    %mul3A_7 = arith.constant 80 : i32
    %mul3A_8 = arith.muli %add3A, %mul3A_7 : i32
    %add3A_9 = arith.constant 76 : i32
    %add3A_10 = arith.addi %mul3A_8, %add3A_9 : i32
    %mul3A_11 = arith.constant 128 : i32
    %mul3A_12 = arith.muli %add3A_10, %mul3A_11 : i32
    %dma_wait3A = arith.constant 0 : i32
    %dma_wait3A_13 = tpu.memref_slice %arg4[%mul3A_12, %dma_wait3A] : memref<327680x128xf32, #tpu.memory_space<hbm>> -> memref<128x128xf32, #tpu.memory_space<hbm>>
    %dma_wait3A_14 = arith.constant 0 : i32
    %dma_wait3A_15 = tpu.memref_slice %arg4[%mul3A_12, %dma_wait3A_14] : memref<327680x128xf32, #tpu.memory_space<hbm>> -> memref<128x128xf32, #tpu.memory_space<hbm>>
    tpu.wait_dma2 semaphore(%arg14 : memref<!tpu.dma_semaphore, #tpu.memory_space<semaphore_mem>>) src(%arg6 : memref<128x128xf32, #tpu.memory_space<vmem>>) dst(%dma_wait3A_15 : memref<128x128xf32, #tpu.memory_space<hbm>>)
    %mul3A_16 = arith.constant 80 : i32
    %mul3A_17 = arith.muli %add3A, %mul3A_16 : i32
    %add3A_18 = arith.constant 77 : i32
    %add3A_19 = arith.addi %mul3A_17, %add3A_18 : i32
    %mul3A_20 = arith.constant 128 : i32
    %mul3A_21 = arith.muli %add3A_19, %mul3A_20 : i32
    %dma_wait3A_22 = arith.constant 0 : i32
    %dma_wait3A_23 = tpu.memref_slice %arg4[%mul3A_21, %dma_wait3A_22] : memref<327680x128xf32, #tpu.memory_space<hbm>> -> memref<128x128xf32, #tpu.memory_space<hbm>>
    %dma_wait3A_24 = arith.constant 0 : i32
    %dma_wait3A_25 = tpu.memref_slice %arg4[%mul3A_21, %dma_wait3A_24] : memref<327680x128xf32, #tpu.memory_space<hbm>> -> memref<128x128xf32, #tpu.memory_space<hbm>>
    tpu.wait_dma2 semaphore(%arg15 : memref<!tpu.dma_semaphore, #tpu.memory_space<semaphore_mem>>) src(%arg7 : memref<128x128xf32, #tpu.memory_space<vmem>>) dst(%dma_wait3A_25 : memref<128x128xf32, #tpu.memory_space<hbm>>)
    %mul3A_26 = arith.constant 80 : i32
    %mul3A_27 = arith.muli %add3A, %mul3A_26 : i32
    %add3A_28 = arith.constant 78 : i32
    %add3A_29 = arith.addi %mul3A_27, %add3A_28 : i32
    %mul3A_30 = arith.constant 128 : i32
    %mul3A_31 = arith.muli %add3A_29, %mul3A_30 : i32
    %dma_wait3A_32 = arith.constant 0 : i32
    %dma_wait3A_33 = tpu.memref_slice %arg4[%mul3A_31, %dma_wait3A_32] : memref<327680x128xf32, #tpu.memory_space<hbm>> -> memref<128x128xf32, #tpu.memory_space<hbm>>
    %dma_wait3A_34 = arith.constant 0 : i32
    %dma_wait3A_35 = tpu.memref_slice %arg4[%mul3A_31, %dma_wait3A_34] : memref<327680x128xf32, #tpu.memory_space<hbm>> -> memref<128x128xf32, #tpu.memory_space<hbm>>
    tpu.wait_dma2 semaphore(%arg16 : memref<!tpu.dma_semaphore, #tpu.memory_space<semaphore_mem>>) src(%arg8 : memref<128x128xf32, #tpu.memory_space<vmem>>) dst(%dma_wait3A_35 : memref<128x128xf32, #tpu.memory_space<hbm>>)
    %mul3A_36 = arith.constant 80 : i32
    %mul3A_37 = arith.muli %add3A, %mul3A_36 : i32
    %add3A_38 = arith.constant 79 : i32
    %add3A_39 = arith.addi %mul3A_37, %add3A_38 : i32
    %mul3A_40 = arith.constant 128 : i32
    %mul3A_41 = arith.muli %add3A_39, %mul3A_40 : i32
    %dma_wait3A_42 = arith.constant 0 : i32
    %dma_wait3A_43 = tpu.memref_slice %arg4[%mul3A_41, %dma_wait3A_42] : memref<327680x128xf32, #tpu.memory_space<hbm>> -> memref<128x128xf32, #tpu.memory_space<hbm>>
    %dma_wait3A_44 = arith.constant 0 : i32
    %dma_wait3A_45 = tpu.memref_slice %arg4[%mul3A_41, %dma_wait3A_44] : memref<327680x128xf32, #tpu.memory_space<hbm>> -> memref<128x128xf32, #tpu.memory_space<hbm>>
    tpu.wait_dma2 semaphore(%arg17 : memref<!tpu.dma_semaphore, #tpu.memory_space<semaphore_mem>>) src(%arg9 : memref<128x128xf32, #tpu.memory_space<vmem>>) dst(%dma_wait3A_45 : memref<128x128xf32, #tpu.memory_space<hbm>>)
    return
  }
}

#map = affine_map<(d0, d1) -> (0, 0, 0)>
#map1 = affine_map<(d0, d1) -> (0, 0)>
module attributes {stable_mosaic.version = 14 : i64} {
  func.func @_gather_body(%arg0: i32, %arg1: i32, %arg2: memref<32x80x128xi32, #tpu.memory_space<hbm>>, %arg3: memref<10240x128xf32, #tpu.memory_space<hbm>>, %arg4: memref<327680x128xf32, #tpu.memory_space<hbm>>, %arg5: memref<80x128xi32, #tpu.memory_space<vmem>>, %arg6: memref<128x128xf32, #tpu.memory_space<vmem>>, %arg7: memref<128x128xf32, #tpu.memory_space<vmem>>, %arg8: memref<128x128xf32, #tpu.memory_space<vmem>>, %arg9: memref<128x128xf32, #tpu.memory_space<vmem>>, %arg10: memref<!tpu.dma_semaphore, #tpu.memory_space<semaphore_mem>>, %arg11: memref<!tpu.dma_semaphore, #tpu.memory_space<semaphore_mem>>, %arg12: memref<!tpu.dma_semaphore, #tpu.memory_space<semaphore_mem>>, %arg13: memref<!tpu.dma_semaphore, #tpu.memory_space<semaphore_mem>>, %arg14: memref<!tpu.dma_semaphore, #tpu.memory_space<semaphore_mem>>, %arg15: memref<!tpu.dma_semaphore, #tpu.memory_space<semaphore_mem>>, %arg16: memref<!tpu.dma_semaphore, #tpu.memory_space<semaphore_mem>>, %arg17: memref<!tpu.dma_semaphore, #tpu.memory_space<semaphore_mem>>) attributes {dimension_semantics = [#tpu.dimension_semantics<core_parallel>, #tpu.dimension_semantics<subcore_parallel>], iteration_bounds = array<i64: 2, 16>, scalar_prefetch = 0 : i64, scratch_operands = 13 : i64, tpu.core_type = #tpu.core_type<sc_vector_subcore>, window_params = [{transform_indices = #map}, {transform_indices = #map1}, {transform_indices = #map1}]} {
    %mul3A = arith.constant 2 : i32
    %mul3A_0 = arith.muli %arg1, %mul3A : i32
    %add3A = arith.addi %mul3A_0, %arg0 : i32
    "tpu.region"() ({
      %run_scoped3A = tpu.sem_alloc : memref<!tpu.dma_semaphore, #tpu.memory_space<semaphore_mem>>
      %dma_start3A = arith.constant 0 : i32
      %dma_start3A_46 = arith.constant 0 : i32
      %dma_start3A_47 = tpu.memref_slice %arg2[%add3A, %dma_start3A, %dma_start3A_46] : memref<32x80x128xi32, #tpu.memory_space<hbm>> -> memref<1x80x128xi32, #tpu.memory_space<hbm>>
      %dma_start3A_48 = tpu.memref_squeeze %dma_start3A_47 : memref<1x80x128xi32, #tpu.memory_space<hbm>> -> memref<80x128xi32, #tpu.memory_space<hbm>>
      %dma_start3A_49 = arith.constant 0 : i32
      %dma_start3A_50 = arith.constant 0 : i32
      %dma_start3A_51 = tpu.memref_slice %arg2[%add3A, %dma_start3A_49, %dma_start3A_50] : memref<32x80x128xi32, #tpu.memory_space<hbm>> -> memref<1x80x128xi32, #tpu.memory_space<hbm>>
      %dma_start3A_52 = tpu.memref_squeeze %dma_start3A_51 : memref<1x80x128xi32, #tpu.memory_space<hbm>> -> memref<80x128xi32, #tpu.memory_space<hbm>>
      tpu.enqueue_dma source(%dma_start3A_52 : memref<80x128xi32, #tpu.memory_space<hbm>>) target(%arg5 : memref<80x128xi32, #tpu.memory_space<vmem>>) target_semaphore(%run_scoped3A : memref<!tpu.dma_semaphore, #tpu.memory_space<semaphore_mem>>)
      %dma_wait3A_53 = arith.constant 0 : i32
      %dma_wait3A_54 = arith.constant 0 : i32
      %dma_wait3A_55 = tpu.memref_slice %arg2[%add3A, %dma_wait3A_53, %dma_wait3A_54] : memref<32x80x128xi32, #tpu.memory_space<hbm>> -> memref<1x80x128xi32, #tpu.memory_space<hbm>>
      %dma_wait3A_56 = tpu.memref_squeeze %dma_wait3A_55 : memref<1x80x128xi32, #tpu.memory_space<hbm>> -> memref<80x128xi32, #tpu.memory_space<hbm>>
      %dma_wait3A_57 = arith.constant 0 : i32
      %dma_wait3A_58 = arith.constant 0 : i32
      %dma_wait3A_59 = tpu.memref_slice %arg2[%add3A, %dma_wait3A_57, %dma_wait3A_58] : memref<32x80x128xi32, #tpu.memory_space<hbm>> -> memref<1x80x128xi32, #tpu.memory_space<hbm>>
      %dma_wait3A_60 = tpu.memref_squeeze %dma_wait3A_59 : memref<1x80x128xi32, #tpu.memory_space<hbm>> -> memref<80x128xi32, #tpu.memory_space<hbm>>
      tpu.wait_dma2 semaphore(%run_scoped3A : memref<!tpu.dma_semaphore, #tpu.memory_space<semaphore_mem>>) src(%dma_wait3A_60 : memref<80x128xi32, #tpu.memory_space<hbm>>) dst(%arg5 : memref<80x128xi32, #tpu.memory_space<vmem>>)
      tpu.yield
    }) : () -> ()
    %scan3A = arith.constant 0 : i32
    %scan3A_1 = arith.constant 0 : i32
    %scan3A_2 = arith.constant 20 : i32
    %scan3A_3 = arith.addi %scan3A_1, %scan3A_2 : i32
    %scan3A_4 = arith.constant 1 : i32
    %scan3A_5 = scf.for %scan3A_46 = %scan3A_1 to %scan3A_3 step %scan3A_4 iter_args(%scan3A_47 = %scan3A) -> (i32)  : i32 {
      %mul3A_48 = arith.constant 4 : i32
      %mul3A_49 = arith.muli %mul3A_48, %scan3A_46 : i32
      %gt3A = arith.constant 0 : i32
      %gt3A_50 = arith.cmpi sgt, %scan3A_46, %gt3A : i32
      %convert_element_type3A = arith.extui %gt3A_50 : i1 to i32
      %cond3A = arith.constant 0 : i32
      %cond3A_51 = arith.cmpi ne, %convert_element_type3A, %cond3A : i32
      scf.if %cond3A_51 {
        %add3A_175 = arith.constant 0 : i32
        %add3A_176 = arith.addi %mul3A_49, %add3A_175 : i32
        %sub3A = arith.constant 4 : i32
        %sub3A_177 = arith.subi %add3A_176, %sub3A : i32
        %mul3A_178 = arith.constant 80 : i32
        %mul3A_179 = arith.muli %add3A, %mul3A_178 : i32
        %add3A_180 = arith.addi %mul3A_179, %sub3A_177 : i32
        %mul3A_181 = arith.constant 128 : i32
        %mul3A_182 = arith.muli %add3A_180, %mul3A_181 : i32
        %dma_wait3A_183 = arith.constant 0 : i32
        %dma_wait3A_184 = tpu.memref_slice %arg4[%mul3A_182, %dma_wait3A_183] : memref<327680x128xf32, #tpu.memory_space<hbm>> -> memref<128x128xf32, #tpu.memory_space<hbm>>
        %dma_wait3A_185 = arith.constant 0 : i32
        %dma_wait3A_186 = tpu.memref_slice %arg4[%mul3A_182, %dma_wait3A_185] : memref<327680x128xf32, #tpu.memory_space<hbm>> -> memref<128x128xf32, #tpu.memory_space<hbm>>
        tpu.wait_dma2 semaphore(%arg14 : memref<!tpu.dma_semaphore, #tpu.memory_space<semaphore_mem>>) src(%arg6 : memref<128x128xf32, #tpu.memory_space<vmem>>) dst(%dma_wait3A_186 : memref<128x128xf32, #tpu.memory_space<hbm>>)
      } else {
      }
      %add3A_52 = arith.constant 0 : i32
      %add3A_53 = arith.addi %mul3A_49, %add3A_52 : i32
      %dma_start3A = arith.constant 0 : i32
      %dma_start3A_54 = tpu.memref_slice %arg5[%add3A_53, %dma_start3A] : memref<80x128xi32, #tpu.memory_space<vmem>> -> memref<1x128xi32, #tpu.memory_space<vmem>>
      %dma_start3A_55 = tpu.memref_squeeze %dma_start3A_54 : memref<1x128xi32, #tpu.memory_space<vmem>> -> memref<128xi32, #tpu.memory_space<vmem>>
      %dma_start3A_56 = arith.constant 0 : i32
      %dma_start3A_57 = arith.constant 0 : i32
      %dma_start3A_58 = tpu.memref_slice %arg3[%dma_start3A_56, %dma_start3A_57] : memref<10240x128xf32, #tpu.memory_space<hbm>> -> memref<10240x128xf32, #tpu.memory_space<hbm>>
      tpu.enqueue_indirect_dma source(%dma_start3A_58 : memref<10240x128xf32, #tpu.memory_space<hbm>>) target(%arg6 : memref<128x128xf32, #tpu.memory_space<vmem>>) offsets(%dma_start3A_55 : memref<128xi32, #tpu.memory_space<vmem>>) semaphore(%arg10 : memref<!tpu.dma_semaphore, #tpu.memory_space<semaphore_mem>>)
      %gt3A_59 = arith.constant 0 : i32
      %gt3A_60 = arith.cmpi sgt, %scan3A_46, %gt3A_59 : i32
      %convert_element_type3A_61 = arith.extui %gt3A_60 : i1 to i32
      %cond3A_62 = arith.constant 0 : i32
      %cond3A_63 = arith.cmpi ne, %convert_element_type3A_61, %cond3A_62 : i32
      scf.if %cond3A_63 {
        %add3A_175 = arith.constant 1 : i32
        %add3A_176 = arith.addi %mul3A_49, %add3A_175 : i32
        %sub3A = arith.constant 4 : i32
        %sub3A_177 = arith.subi %add3A_176, %sub3A : i32
        %mul3A_178 = arith.constant 80 : i32
        %mul3A_179 = arith.muli %add3A, %mul3A_178 : i32
        %add3A_180 = arith.addi %mul3A_179, %sub3A_177 : i32
        %mul3A_181 = arith.constant 128 : i32
        %mul3A_182 = arith.muli %add3A_180, %mul3A_181 : i32
        %dma_wait3A_183 = arith.constant 0 : i32
        %dma_wait3A_184 = tpu.memref_slice %arg4[%mul3A_182, %dma_wait3A_183] : memref<327680x128xf32, #tpu.memory_space<hbm>> -> memref<128x128xf32, #tpu.memory_space<hbm>>
        %dma_wait3A_185 = arith.constant 0 : i32
        %dma_wait3A_186 = tpu.memref_slice %arg4[%mul3A_182, %dma_wait3A_185] : memref<327680x128xf32, #tpu.memory_space<hbm>> -> memref<128x128xf32, #tpu.memory_space<hbm>>
        tpu.wait_dma2 semaphore(%arg15 : memref<!tpu.dma_semaphore, #tpu.memory_space<semaphore_mem>>) src(%arg7 : memref<128x128xf32, #tpu.memory_space<vmem>>) dst(%dma_wait3A_186 : memref<128x128xf32, #tpu.memory_space<hbm>>)
      } else {
      }
      %add3A_64 = arith.constant 1 : i32
      %add3A_65 = arith.addi %mul3A_49, %add3A_64 : i32
      %dma_start3A_66 = arith.constant 0 : i32
      %dma_start3A_67 = tpu.memref_slice %arg5[%add3A_65, %dma_start3A_66] : memref<80x128xi32, #tpu.memory_space<vmem>> -> memref<1x128xi32, #tpu.memory_space<vmem>>
      %dma_start3A_68 = tpu.memref_squeeze %dma_start3A_67 : memref<1x128xi32, #tpu.memory_space<vmem>> -> memref<128xi32, #tpu.memory_space<vmem>>
      %dma_start3A_69 = arith.constant 0 : i32
      %dma_start3A_70 = arith.constant 0 : i32
      %dma_start3A_71 = tpu.memref_slice %arg3[%dma_start3A_69, %dma_start3A_70] : memref<10240x128xf32, #tpu.memory_space<hbm>> -> memref<10240x128xf32, #tpu.memory_space<hbm>>
      tpu.enqueue_indirect_dma source(%dma_start3A_71 : memref<10240x128xf32, #tpu.memory_space<hbm>>) target(%arg7 : memref<128x128xf32, #tpu.memory_space<vmem>>) offsets(%dma_start3A_68 : memref<128xi32, #tpu.memory_space<vmem>>) semaphore(%arg11 : memref<!tpu.dma_semaphore, #tpu.memory_space<semaphore_mem>>)
      %gt3A_72 = arith.constant 0 : i32
      %gt3A_73 = arith.cmpi sgt, %scan3A_46, %gt3A_72 : i32
      %convert_element_type3A_74 = arith.extui %gt3A_73 : i1 to i32
      %cond3A_75 = arith.constant 0 : i32
      %cond3A_76 = arith.cmpi ne, %convert_element_type3A_74, %cond3A_75 : i32
      scf.if %cond3A_76 {
        %add3A_175 = arith.constant 2 : i32
        %add3A_176 = arith.addi %mul3A_49, %add3A_175 : i32
        %sub3A = arith.constant 4 : i32
        %sub3A_177 = arith.subi %add3A_176, %sub3A : i32
        %mul3A_178 = arith.constant 80 : i32
        %mul3A_179 = arith.muli %add3A, %mul3A_178 : i32
        %add3A_180 = arith.addi %mul3A_179, %sub3A_177 : i32
        %mul3A_181 = arith.constant 128 : i32
        %mul3A_182 = arith.muli %add3A_180, %mul3A_181 : i32
        %dma_wait3A_183 = arith.constant 0 : i32
        %dma_wait3A_184 = tpu.memref_slice %arg4[%mul3A_182, %dma_wait3A_183] : memref<327680x128xf32, #tpu.memory_space<hbm>> -> memref<128x128xf32, #tpu.memory_space<hbm>>
        %dma_wait3A_185 = arith.constant 0 : i32
        %dma_wait3A_186 = tpu.memref_slice %arg4[%mul3A_182, %dma_wait3A_185] : memref<327680x128xf32, #tpu.memory_space<hbm>> -> memref<128x128xf32, #tpu.memory_space<hbm>>
        tpu.wait_dma2 semaphore(%arg16 : memref<!tpu.dma_semaphore, #tpu.memory_space<semaphore_mem>>) src(%arg8 : memref<128x128xf32, #tpu.memory_space<vmem>>) dst(%dma_wait3A_186 : memref<128x128xf32, #tpu.memory_space<hbm>>)
      } else {
      }
      %add3A_77 = arith.constant 2 : i32
      %add3A_78 = arith.addi %mul3A_49, %add3A_77 : i32
      %dma_start3A_79 = arith.constant 0 : i32
      %dma_start3A_80 = tpu.memref_slice %arg5[%add3A_78, %dma_start3A_79] : memref<80x128xi32, #tpu.memory_space<vmem>> -> memref<1x128xi32, #tpu.memory_space<vmem>>
      %dma_start3A_81 = tpu.memref_squeeze %dma_start3A_80 : memref<1x128xi32, #tpu.memory_space<vmem>> -> memref<128xi32, #tpu.memory_space<vmem>>
      %dma_start3A_82 = arith.constant 0 : i32
      %dma_start3A_83 = arith.constant 0 : i32
      %dma_start3A_84 = tpu.memref_slice %arg3[%dma_start3A_82, %dma_start3A_83] : memref<10240x128xf32, #tpu.memory_space<hbm>> -> memref<10240x128xf32, #tpu.memory_space<hbm>>
      tpu.enqueue_indirect_dma source(%dma_start3A_84 : memref<10240x128xf32, #tpu.memory_space<hbm>>) target(%arg8 : memref<128x128xf32, #tpu.memory_space<vmem>>) offsets(%dma_start3A_81 : memref<128xi32, #tpu.memory_space<vmem>>) semaphore(%arg12 : memref<!tpu.dma_semaphore, #tpu.memory_space<semaphore_mem>>)
      %gt3A_85 = arith.constant 0 : i32
      %gt3A_86 = arith.cmpi sgt, %scan3A_46, %gt3A_85 : i32
      %convert_element_type3A_87 = arith.extui %gt3A_86 : i1 to i32
      %cond3A_88 = arith.constant 0 : i32
      %cond3A_89 = arith.cmpi ne, %convert_element_type3A_87, %cond3A_88 : i32
      scf.if %cond3A_89 {
        %add3A_175 = arith.constant 3 : i32
        %add3A_176 = arith.addi %mul3A_49, %add3A_175 : i32
        %sub3A = arith.constant 4 : i32
        %sub3A_177 = arith.subi %add3A_176, %sub3A : i32
        %mul3A_178 = arith.constant 80 : i32
        %mul3A_179 = arith.muli %add3A, %mul3A_178 : i32
        %add3A_180 = arith.addi %mul3A_179, %sub3A_177 : i32
        %mul3A_181 = arith.constant 128 : i32
        %mul3A_182 = arith.muli %add3A_180, %mul3A_181 : i32
        %dma_wait3A_183 = arith.constant 0 : i32
        %dma_wait3A_184 = tpu.memref_slice %arg4[%mul3A_182, %dma_wait3A_183] : memref<327680x128xf32, #tpu.memory_space<hbm>> -> memref<128x128xf32, #tpu.memory_space<hbm>>
        %dma_wait3A_185 = arith.constant 0 : i32
        %dma_wait3A_186 = tpu.memref_slice %arg4[%mul3A_182, %dma_wait3A_185] : memref<327680x128xf32, #tpu.memory_space<hbm>> -> memref<128x128xf32, #tpu.memory_space<hbm>>
        tpu.wait_dma2 semaphore(%arg17 : memref<!tpu.dma_semaphore, #tpu.memory_space<semaphore_mem>>) src(%arg9 : memref<128x128xf32, #tpu.memory_space<vmem>>) dst(%dma_wait3A_186 : memref<128x128xf32, #tpu.memory_space<hbm>>)
      } else {
      }
      %add3A_90 = arith.constant 3 : i32
      %add3A_91 = arith.addi %mul3A_49, %add3A_90 : i32
      %dma_start3A_92 = arith.constant 0 : i32
      %dma_start3A_93 = tpu.memref_slice %arg5[%add3A_91, %dma_start3A_92] : memref<80x128xi32, #tpu.memory_space<vmem>> -> memref<1x128xi32, #tpu.memory_space<vmem>>
      %dma_start3A_94 = tpu.memref_squeeze %dma_start3A_93 : memref<1x128xi32, #tpu.memory_space<vmem>> -> memref<128xi32, #tpu.memory_space<vmem>>
      %dma_start3A_95 = arith.constant 0 : i32
      %dma_start3A_96 = arith.constant 0 : i32
      %dma_start3A_97 = tpu.memref_slice %arg3[%dma_start3A_95, %dma_start3A_96] : memref<10240x128xf32, #tpu.memory_space<hbm>> -> memref<10240x128xf32, #tpu.memory_space<hbm>>
      tpu.enqueue_indirect_dma source(%dma_start3A_97 : memref<10240x128xf32, #tpu.memory_space<hbm>>) target(%arg9 : memref<128x128xf32, #tpu.memory_space<vmem>>) offsets(%dma_start3A_94 : memref<128xi32, #tpu.memory_space<vmem>>) semaphore(%arg13 : memref<!tpu.dma_semaphore, #tpu.memory_space<semaphore_mem>>)
      %add3A_98 = arith.constant 0 : i32
      %add3A_99 = arith.addi %mul3A_49, %add3A_98 : i32
      %dma_wait3A_100 = arith.constant 0 : i32
      %dma_wait3A_101 = tpu.memref_slice %arg5[%add3A_99, %dma_wait3A_100] : memref<80x128xi32, #tpu.memory_space<vmem>> -> memref<1x128xi32, #tpu.memory_space<vmem>>
      %dma_wait3A_102 = tpu.memref_squeeze %dma_wait3A_101 : memref<1x128xi32, #tpu.memory_space<vmem>> -> memref<128xi32, #tpu.memory_space<vmem>>
      %dma_wait3A_103 = arith.constant 0 : i32
      %dma_wait3A_104 = arith.constant 0 : i32
      %dma_wait3A_105 = tpu.memref_slice %arg3[%dma_wait3A_103, %dma_wait3A_104] : memref<10240x128xf32, #tpu.memory_space<hbm>> -> memref<10240x128xf32, #tpu.memory_space<hbm>>
      tpu.wait_indirect_dma semaphore(%arg10 : memref<!tpu.dma_semaphore, #tpu.memory_space<semaphore_mem>>) src(%dma_wait3A_105 : memref<10240x128xf32, #tpu.memory_space<hbm>>) dst(%arg6 : memref<128x128xf32, #tpu.memory_space<vmem>>)
      %add3A_106 = arith.constant 0 : i32
      %add3A_107 = arith.addi %mul3A_49, %add3A_106 : i32
      %mul3A_108 = arith.constant 80 : i32
      %mul3A_109 = arith.muli %add3A, %mul3A_108 : i32
      %add3A_110 = arith.addi %mul3A_109, %add3A_107 : i32
      %mul3A_111 = arith.constant 128 : i32
      %mul3A_112 = arith.muli %add3A_110, %mul3A_111 : i32
      %dma_start3A_113 = arith.constant 0 : i32
      %dma_start3A_114 = tpu.memref_slice %arg4[%mul3A_112, %dma_start3A_113] : memref<327680x128xf32, #tpu.memory_space<hbm>> -> memref<128x128xf32, #tpu.memory_space<hbm>>
      %dma_start3A_115 = arith.constant 0 : i32
      %dma_start3A_116 = tpu.memref_slice %arg4[%mul3A_112, %dma_start3A_115] : memref<327680x128xf32, #tpu.memory_space<hbm>> -> memref<128x128xf32, #tpu.memory_space<hbm>>
      tpu.enqueue_dma source(%arg6 : memref<128x128xf32, #tpu.memory_space<vmem>>) target(%dma_start3A_116 : memref<128x128xf32, #tpu.memory_space<hbm>>) target_semaphore(%arg14 : memref<!tpu.dma_semaphore, #tpu.memory_space<semaphore_mem>>)
      %add3A_117 = arith.constant 1 : i32
      %add3A_118 = arith.addi %mul3A_49, %add3A_117 : i32
      %dma_wait3A_119 = arith.constant 0 : i32
      %dma_wait3A_120 = tpu.memref_slice %arg5[%add3A_118, %dma_wait3A_119] : memref<80x128xi32, #tpu.memory_space<vmem>> -> memref<1x128xi32, #tpu.memory_space<vmem>>
      %dma_wait3A_121 = tpu.memref_squeeze %dma_wait3A_120 : memref<1x128xi32, #tpu.memory_space<vmem>> -> memref<128xi32, #tpu.memory_space<vmem>>
      %dma_wait3A_122 = arith.constant 0 : i32
      %dma_wait3A_123 = arith.constant 0 : i32
      %dma_wait3A_124 = tpu.memref_slice %arg3[%dma_wait3A_122, %dma_wait3A_123] : memref<10240x128xf32, #tpu.memory_space<hbm>> -> memref<10240x128xf32, #tpu.memory_space<hbm>>
      tpu.wait_indirect_dma semaphore(%arg11 : memref<!tpu.dma_semaphore, #tpu.memory_space<semaphore_mem>>) src(%dma_wait3A_124 : memref<10240x128xf32, #tpu.memory_space<hbm>>) dst(%arg7 : memref<128x128xf32, #tpu.memory_space<vmem>>)
      %add3A_125 = arith.constant 1 : i32
      %add3A_126 = arith.addi %mul3A_49, %add3A_125 : i32
      %mul3A_127 = arith.constant 80 : i32
      %mul3A_128 = arith.muli %add3A, %mul3A_127 : i32
      %add3A_129 = arith.addi %mul3A_128, %add3A_126 : i32
      %mul3A_130 = arith.constant 128 : i32
      %mul3A_131 = arith.muli %add3A_129, %mul3A_130 : i32
      %dma_start3A_132 = arith.constant 0 : i32
      %dma_start3A_133 = tpu.memref_slice %arg4[%mul3A_131, %dma_start3A_132] : memref<327680x128xf32, #tpu.memory_space<hbm>> -> memref<128x128xf32, #tpu.memory_space<hbm>>
      %dma_start3A_134 = arith.constant 0 : i32
      %dma_start3A_135 = tpu.memref_slice %arg4[%mul3A_131, %dma_start3A_134] : memref<327680x128xf32, #tpu.memory_space<hbm>> -> memref<128x128xf32, #tpu.memory_space<hbm>>
      tpu.enqueue_dma source(%arg7 : memref<128x128xf32, #tpu.memory_space<vmem>>) target(%dma_start3A_135 : memref<128x128xf32, #tpu.memory_space<hbm>>) target_semaphore(%arg15 : memref<!tpu.dma_semaphore, #tpu.memory_space<semaphore_mem>>)
      %add3A_136 = arith.constant 2 : i32
      %add3A_137 = arith.addi %mul3A_49, %add3A_136 : i32
      %dma_wait3A_138 = arith.constant 0 : i32
      %dma_wait3A_139 = tpu.memref_slice %arg5[%add3A_137, %dma_wait3A_138] : memref<80x128xi32, #tpu.memory_space<vmem>> -> memref<1x128xi32, #tpu.memory_space<vmem>>
      %dma_wait3A_140 = tpu.memref_squeeze %dma_wait3A_139 : memref<1x128xi32, #tpu.memory_space<vmem>> -> memref<128xi32, #tpu.memory_space<vmem>>
      %dma_wait3A_141 = arith.constant 0 : i32
      %dma_wait3A_142 = arith.constant 0 : i32
      %dma_wait3A_143 = tpu.memref_slice %arg3[%dma_wait3A_141, %dma_wait3A_142] : memref<10240x128xf32, #tpu.memory_space<hbm>> -> memref<10240x128xf32, #tpu.memory_space<hbm>>
      tpu.wait_indirect_dma semaphore(%arg12 : memref<!tpu.dma_semaphore, #tpu.memory_space<semaphore_mem>>) src(%dma_wait3A_143 : memref<10240x128xf32, #tpu.memory_space<hbm>>) dst(%arg8 : memref<128x128xf32, #tpu.memory_space<vmem>>)
      %add3A_144 = arith.constant 2 : i32
      %add3A_145 = arith.addi %mul3A_49, %add3A_144 : i32
      %mul3A_146 = arith.constant 80 : i32
      %mul3A_147 = arith.muli %add3A, %mul3A_146 : i32
      %add3A_148 = arith.addi %mul3A_147, %add3A_145 : i32
      %mul3A_149 = arith.constant 128 : i32
      %mul3A_150 = arith.muli %add3A_148, %mul3A_149 : i32
      %dma_start3A_151 = arith.constant 0 : i32
      %dma_start3A_152 = tpu.memref_slice %arg4[%mul3A_150, %dma_start3A_151] : memref<327680x128xf32, #tpu.memory_space<hbm>> -> memref<128x128xf32, #tpu.memory_space<hbm>>
      %dma_start3A_153 = arith.constant 0 : i32
      %dma_start3A_154 = tpu.memref_slice %arg4[%mul3A_150, %dma_start3A_153] : memref<327680x128xf32, #tpu.memory_space<hbm>> -> memref<128x128xf32, #tpu.memory_space<hbm>>
      tpu.enqueue_dma source(%arg8 : memref<128x128xf32, #tpu.memory_space<vmem>>) target(%dma_start3A_154 : memref<128x128xf32, #tpu.memory_space<hbm>>) target_semaphore(%arg16 : memref<!tpu.dma_semaphore, #tpu.memory_space<semaphore_mem>>)
      %add3A_155 = arith.constant 3 : i32
      %add3A_156 = arith.addi %mul3A_49, %add3A_155 : i32
      %dma_wait3A_157 = arith.constant 0 : i32
      %dma_wait3A_158 = tpu.memref_slice %arg5[%add3A_156, %dma_wait3A_157] : memref<80x128xi32, #tpu.memory_space<vmem>> -> memref<1x128xi32, #tpu.memory_space<vmem>>
      %dma_wait3A_159 = tpu.memref_squeeze %dma_wait3A_158 : memref<1x128xi32, #tpu.memory_space<vmem>> -> memref<128xi32, #tpu.memory_space<vmem>>
      %dma_wait3A_160 = arith.constant 0 : i32
      %dma_wait3A_161 = arith.constant 0 : i32
      %dma_wait3A_162 = tpu.memref_slice %arg3[%dma_wait3A_160, %dma_wait3A_161] : memref<10240x128xf32, #tpu.memory_space<hbm>> -> memref<10240x128xf32, #tpu.memory_space<hbm>>
      tpu.wait_indirect_dma semaphore(%arg13 : memref<!tpu.dma_semaphore, #tpu.memory_space<semaphore_mem>>) src(%dma_wait3A_162 : memref<10240x128xf32, #tpu.memory_space<hbm>>) dst(%arg9 : memref<128x128xf32, #tpu.memory_space<vmem>>)
      %add3A_163 = arith.constant 3 : i32
      %add3A_164 = arith.addi %mul3A_49, %add3A_163 : i32
      %mul3A_165 = arith.constant 80 : i32
      %mul3A_166 = arith.muli %add3A, %mul3A_165 : i32
      %add3A_167 = arith.addi %mul3A_166, %add3A_164 : i32
      %mul3A_168 = arith.constant 128 : i32
      %mul3A_169 = arith.muli %add3A_167, %mul3A_168 : i32
      %dma_start3A_170 = arith.constant 0 : i32
      %dma_start3A_171 = tpu.memref_slice %arg4[%mul3A_169, %dma_start3A_170] : memref<327680x128xf32, #tpu.memory_space<hbm>> -> memref<128x128xf32, #tpu.memory_space<hbm>>
      %dma_start3A_172 = arith.constant 0 : i32
      %dma_start3A_173 = tpu.memref_slice %arg4[%mul3A_169, %dma_start3A_172] : memref<327680x128xf32, #tpu.memory_space<hbm>> -> memref<128x128xf32, #tpu.memory_space<hbm>>
      tpu.enqueue_dma source(%arg9 : memref<128x128xf32, #tpu.memory_space<vmem>>) target(%dma_start3A_173 : memref<128x128xf32, #tpu.memory_space<hbm>>) target_semaphore(%arg17 : memref<!tpu.dma_semaphore, #tpu.memory_space<semaphore_mem>>)
      %scan3A_174 = arith.constant 0 : i32
      scf.yield %scan3A_174 : i32
    }
    %scan3A_6 = arith.constant 20 : i32
    %mul3A_7 = arith.constant 80 : i32
    %mul3A_8 = arith.muli %add3A, %mul3A_7 : i32
    %add3A_9 = arith.constant 76 : i32
    %add3A_10 = arith.addi %mul3A_8, %add3A_9 : i32
    %mul3A_11 = arith.constant 128 : i32
    %mul3A_12 = arith.muli %add3A_10, %mul3A_11 : i32
    %dma_wait3A = arith.constant 0 : i32
    %dma_wait3A_13 = tpu.memref_slice %arg4[%mul3A_12, %dma_wait3A] : memref<327680x128xf32, #tpu.memory_space<hbm>> -> memref<128x128xf32, #tpu.memory_space<hbm>>
    %dma_wait3A_14 = arith.constant 0 : i32
    %dma_wait3A_15 = tpu.memref_slice %arg4[%mul3A_12, %dma_wait3A_14] : memref<327680x128xf32, #tpu.memory_space<hbm>> -> memref<128x128xf32, #tpu.memory_space<hbm>>
    tpu.wait_dma2 semaphore(%arg14 : memref<!tpu.dma_semaphore, #tpu.memory_space<semaphore_mem>>) src(%arg6 : memref<128x128xf32, #tpu.memory_space<vmem>>) dst(%dma_wait3A_15 : memref<128x128xf32, #tpu.memory_space<hbm>>)
    %mul3A_16 = arith.constant 80 : i32
    %mul3A_17 = arith.muli %add3A, %mul3A_16 : i32
    %add3A_18 = arith.constant 77 : i32
    %add3A_19 = arith.addi %mul3A_17, %add3A_18 : i32
    %mul3A_20 = arith.constant 128 : i32
    %mul3A_21 = arith.muli %add3A_19, %mul3A_20 : i32
    %dma_wait3A_22 = arith.constant 0 : i32
    %dma_wait3A_23 = tpu.memref_slice %arg4[%mul3A_21, %dma_wait3A_22] : memref<327680x128xf32, #tpu.memory_space<hbm>> -> memref<128x128xf32, #tpu.memory_space<hbm>>
    %dma_wait3A_24 = arith.constant 0 : i32
    %dma_wait3A_25 = tpu.memref_slice %arg4[%mul3A_21, %dma_wait3A_24] : memref<327680x128xf32, #tpu.memory_space<hbm>> -> memref<128x128xf32, #tpu.memory_space<hbm>>
    tpu.wait_dma2 semaphore(%arg15 : memref<!tpu.dma_semaphore, #tpu.memory_space<semaphore_mem>>) src(%arg7 : memref<128x128xf32, #tpu.memory_space<vmem>>) dst(%dma_wait3A_25 : memref<128x128xf32, #tpu.memory_space<hbm>>)
    %mul3A_26 = arith.constant 80 : i32
    %mul3A_27 = arith.muli %add3A, %mul3A_26 : i32
    %add3A_28 = arith.constant 78 : i32
    %add3A_29 = arith.addi %mul3A_27, %add3A_28 : i32
    %mul3A_30 = arith.constant 128 : i32
    %mul3A_31 = arith.muli %add3A_29, %mul3A_30 : i32
    %dma_wait3A_32 = arith.constant 0 : i32
    %dma_wait3A_33 = tpu.memref_slice %arg4[%mul3A_31, %dma_wait3A_32] : memref<327680x128xf32, #tpu.memory_space<hbm>> -> memref<128x128xf32, #tpu.memory_space<hbm>>
    %dma_wait3A_34 = arith.constant 0 : i32
    %dma_wait3A_35 = tpu.memref_slice %arg4[%mul3A_31, %dma_wait3A_34] : memref<327680x128xf32, #tpu.memory_space<hbm>> -> memref<128x128xf32, #tpu.memory_space<hbm>>
    tpu.wait_dma2 semaphore(%arg16 : memref<!tpu.dma_semaphore, #tpu.memory_space<semaphore_mem>>) src(%arg8 : memref<128x128xf32, #tpu.memory_space<vmem>>) dst(%dma_wait3A_35 : memref<128x128xf32, #tpu.memory_space<hbm>>)
    %mul3A_36 = arith.constant 80 : i32
    %mul3A_37 = arith.muli %add3A, %mul3A_36 : i32
    %add3A_38 = arith.constant 79 : i32
    %add3A_39 = arith.addi %mul3A_37, %add3A_38 : i32
    %mul3A_40 = arith.constant 128 : i32
    %mul3A_41 = arith.muli %add3A_39, %mul3A_40 : i32
    %dma_wait3A_42 = arith.constant 0 : i32
    %dma_wait3A_43 = tpu.memref_slice %arg4[%mul3A_41, %dma_wait3A_42] : memref<327680x128xf32, #tpu.memory_space<hbm>> -> memref<128x128xf32, #tpu.memory_space<hbm>>
    %dma_wait3A_44 = arith.constant 0 : i32
    %dma_wait3A_45 = tpu.memref_slice %arg4[%mul3A_41, %dma_wait3A_44] : memref<327680x128xf32, #tpu.memory_space<hbm>> -> memref<128x128xf32, #tpu.memory_space<hbm>>
    tpu.wait_dma2 semaphore(%arg17 : memref<!tpu.dma_semaphore, #tpu.memory_space<semaphore_mem>>) src(%arg9 : memref<128x128xf32, #tpu.memory_space<vmem>>) dst(%dma_wait3A_45 : memref<128x128xf32, #tpu.memory_space<hbm>>)
    return
  }
}

#map = affine_map<(d0, d1) -> (0, 0, 0)>
#map1 = affine_map<(d0, d1) -> (0, 0)>
module attributes {stable_mosaic.version = 14 : i64} {
  func.func @_gather_body(%arg0: i32, %arg1: i32, %arg2: memref<32x80x128xi32, #tpu.memory_space<hbm>>, %arg3: memref<10240x128xf32, #tpu.memory_space<hbm>>, %arg4: memref<327680x128xf32, #tpu.memory_space<hbm>>, %arg5: memref<80x128xi32, #tpu.memory_space<vmem>>, %arg6: memref<128x128xf32, #tpu.memory_space<vmem>>, %arg7: memref<128x128xf32, #tpu.memory_space<vmem>>, %arg8: memref<128x128xf32, #tpu.memory_space<vmem>>, %arg9: memref<128x128xf32, #tpu.memory_space<vmem>>, %arg10: memref<!tpu.dma_semaphore, #tpu.memory_space<semaphore_mem>>, %arg11: memref<!tpu.dma_semaphore, #tpu.memory_space<semaphore_mem>>, %arg12: memref<!tpu.dma_semaphore, #tpu.memory_space<semaphore_mem>>, %arg13: memref<!tpu.dma_semaphore, #tpu.memory_space<semaphore_mem>>, %arg14: memref<!tpu.dma_semaphore, #tpu.memory_space<semaphore_mem>>, %arg15: memref<!tpu.dma_semaphore, #tpu.memory_space<semaphore_mem>>, %arg16: memref<!tpu.dma_semaphore, #tpu.memory_space<semaphore_mem>>, %arg17: memref<!tpu.dma_semaphore, #tpu.memory_space<semaphore_mem>>) attributes {dimension_semantics = [#tpu.dimension_semantics<core_parallel>, #tpu.dimension_semantics<subcore_parallel>], iteration_bounds = array<i64: 2, 16>, scalar_prefetch = 0 : i64, scratch_operands = 13 : i64, tpu.core_type = #tpu.core_type<sc_vector_subcore>, window_params = [{transform_indices = #map}, {transform_indices = #map1}, {transform_indices = #map1}]} {
    %mul3A = arith.constant 2 : i32
    %mul3A_0 = arith.muli %arg1, %mul3A : i32
    %add3A = arith.addi %mul3A_0, %arg0 : i32
    "tpu.region"() ({
      %run_scoped3A = tpu.sem_alloc : memref<!tpu.dma_semaphore, #tpu.memory_space<semaphore_mem>>
      %dma_start3A = arith.constant 0 : i32
      %dma_start3A_46 = arith.constant 0 : i32
      %dma_start3A_47 = tpu.memref_slice %arg2[%add3A, %dma_start3A, %dma_start3A_46] : memref<32x80x128xi32, #tpu.memory_space<hbm>> -> memref<1x80x128xi32, #tpu.memory_space<hbm>>
      %dma_start3A_48 = tpu.memref_squeeze %dma_start3A_47 : memref<1x80x128xi32, #tpu.memory_space<hbm>> -> memref<80x128xi32, #tpu.memory_space<hbm>>
      %dma_start3A_49 = arith.constant 0 : i32
      %dma_start3A_50 = arith.constant 0 : i32
      %dma_start3A_51 = tpu.memref_slice %arg2[%add3A, %dma_start3A_49, %dma_start3A_50] : memref<32x80x128xi32, #tpu.memory_space<hbm>> -> memref<1x80x128xi32, #tpu.memory_space<hbm>>
      %dma_start3A_52 = tpu.memref_squeeze %dma_start3A_51 : memref<1x80x128xi32, #tpu.memory_space<hbm>> -> memref<80x128xi32, #tpu.memory_space<hbm>>
      tpu.enqueue_dma source(%dma_start3A_52 : memref<80x128xi32, #tpu.memory_space<hbm>>) target(%arg5 : memref<80x128xi32, #tpu.memory_space<vmem>>) target_semaphore(%run_scoped3A : memref<!tpu.dma_semaphore, #tpu.memory_space<semaphore_mem>>)
      %dma_wait3A_53 = arith.constant 0 : i32
      %dma_wait3A_54 = arith.constant 0 : i32
      %dma_wait3A_55 = tpu.memref_slice %arg2[%add3A, %dma_wait3A_53, %dma_wait3A_54] : memref<32x80x128xi32, #tpu.memory_space<hbm>> -> memref<1x80x128xi32, #tpu.memory_space<hbm>>
      %dma_wait3A_56 = tpu.memref_squeeze %dma_wait3A_55 : memref<1x80x128xi32, #tpu.memory_space<hbm>> -> memref<80x128xi32, #tpu.memory_space<hbm>>
      %dma_wait3A_57 = arith.constant 0 : i32
      %dma_wait3A_58 = arith.constant 0 : i32
      %dma_wait3A_59 = tpu.memref_slice %arg2[%add3A, %dma_wait3A_57, %dma_wait3A_58] : memref<32x80x128xi32, #tpu.memory_space<hbm>> -> memref<1x80x128xi32, #tpu.memory_space<hbm>>
      %dma_wait3A_60 = tpu.memref_squeeze %dma_wait3A_59 : memref<1x80x128xi32, #tpu.memory_space<hbm>> -> memref<80x128xi32, #tpu.memory_space<hbm>>
      tpu.wait_dma2 semaphore(%run_scoped3A : memref<!tpu.dma_semaphore, #tpu.memory_space<semaphore_mem>>) src(%dma_wait3A_60 : memref<80x128xi32, #tpu.memory_space<hbm>>) dst(%arg5 : memref<80x128xi32, #tpu.memory_space<vmem>>)
      tpu.yield
    }) : () -> ()
    %scan3A = arith.constant 0 : i32
    %scan3A_1 = arith.constant 0 : i32
    %scan3A_2 = arith.constant 20 : i32
    %scan3A_3 = arith.addi %scan3A_1, %scan3A_2 : i32
    %scan3A_4 = arith.constant 1 : i32
    %scan3A_5 = scf.for %scan3A_46 = %scan3A_1 to %scan3A_3 step %scan3A_4 iter_args(%scan3A_47 = %scan3A) -> (i32)  : i32 {
      %mul3A_48 = arith.constant 4 : i32
      %mul3A_49 = arith.muli %mul3A_48, %scan3A_46 : i32
      %gt3A = arith.constant 0 : i32
      %gt3A_50 = arith.cmpi sgt, %scan3A_46, %gt3A : i32
      %convert_element_type3A = arith.extui %gt3A_50 : i1 to i32
      %cond3A = arith.constant 0 : i32
      %cond3A_51 = arith.cmpi ne, %convert_element_type3A, %cond3A : i32
      scf.if %cond3A_51 {
        %add3A_175 = arith.constant 0 : i32
        %add3A_176 = arith.addi %mul3A_49, %add3A_175 : i32
        %sub3A = arith.constant 4 : i32
        %sub3A_177 = arith.subi %add3A_176, %sub3A : i32
        %mul3A_178 = arith.constant 80 : i32
        %mul3A_179 = arith.muli %add3A, %mul3A_178 : i32
        %add3A_180 = arith.addi %mul3A_179, %sub3A_177 : i32
        %mul3A_181 = arith.constant 128 : i32
        %mul3A_182 = arith.muli %add3A_180, %mul3A_181 : i32
        %dma_wait3A_183 = arith.constant 0 : i32
        %dma_wait3A_184 = tpu.memref_slice %arg4[%mul3A_182, %dma_wait3A_183] : memref<327680x128xf32, #tpu.memory_space<hbm>> -> memref<128x128xf32, #tpu.memory_space<hbm>>
        %dma_wait3A_185 = arith.constant 0 : i32
        %dma_wait3A_186 = tpu.memref_slice %arg4[%mul3A_182, %dma_wait3A_185] : memref<327680x128xf32, #tpu.memory_space<hbm>> -> memref<128x128xf32, #tpu.memory_space<hbm>>
        tpu.wait_dma2 semaphore(%arg14 : memref<!tpu.dma_semaphore, #tpu.memory_space<semaphore_mem>>) src(%arg6 : memref<128x128xf32, #tpu.memory_space<vmem>>) dst(%dma_wait3A_186 : memref<128x128xf32, #tpu.memory_space<hbm>>)
      } else {
      }
      %add3A_52 = arith.constant 0 : i32
      %add3A_53 = arith.addi %mul3A_49, %add3A_52 : i32
      %dma_start3A = arith.constant 0 : i32
      %dma_start3A_54 = tpu.memref_slice %arg5[%add3A_53, %dma_start3A] : memref<80x128xi32, #tpu.memory_space<vmem>> -> memref<1x128xi32, #tpu.memory_space<vmem>>
      %dma_start3A_55 = tpu.memref_squeeze %dma_start3A_54 : memref<1x128xi32, #tpu.memory_space<vmem>> -> memref<128xi32, #tpu.memory_space<vmem>>
      %dma_start3A_56 = arith.constant 0 : i32
      %dma_start3A_57 = arith.constant 0 : i32
      %dma_start3A_58 = tpu.memref_slice %arg3[%dma_start3A_56, %dma_start3A_57] : memref<10240x128xf32, #tpu.memory_space<hbm>> -> memref<10240x128xf32, #tpu.memory_space<hbm>>
      tpu.enqueue_indirect_dma source(%dma_start3A_58 : memref<10240x128xf32, #tpu.memory_space<hbm>>) target(%arg6 : memref<128x128xf32, #tpu.memory_space<vmem>>) offsets(%dma_start3A_55 : memref<128xi32, #tpu.memory_space<vmem>>) semaphore(%arg10 : memref<!tpu.dma_semaphore, #tpu.memory_space<semaphore_mem>>)
      %gt3A_59 = arith.constant 0 : i32
      %gt3A_60 = arith.cmpi sgt, %scan3A_46, %gt3A_59 : i32
      %convert_element_type3A_61 = arith.extui %gt3A_60 : i1 to i32
      %cond3A_62 = arith.constant 0 : i32
      %cond3A_63 = arith.cmpi ne, %convert_element_type3A_61, %cond3A_62 : i32
      scf.if %cond3A_63 {
        %add3A_175 = arith.constant 1 : i32
        %add3A_176 = arith.addi %mul3A_49, %add3A_175 : i32
        %sub3A = arith.constant 4 : i32
        %sub3A_177 = arith.subi %add3A_176, %sub3A : i32
        %mul3A_178 = arith.constant 80 : i32
        %mul3A_179 = arith.muli %add3A, %mul3A_178 : i32
        %add3A_180 = arith.addi %mul3A_179, %sub3A_177 : i32
        %mul3A_181 = arith.constant 128 : i32
        %mul3A_182 = arith.muli %add3A_180, %mul3A_181 : i32
        %dma_wait3A_183 = arith.constant 0 : i32
        %dma_wait3A_184 = tpu.memref_slice %arg4[%mul3A_182, %dma_wait3A_183] : memref<327680x128xf32, #tpu.memory_space<hbm>> -> memref<128x128xf32, #tpu.memory_space<hbm>>
        %dma_wait3A_185 = arith.constant 0 : i32
        %dma_wait3A_186 = tpu.memref_slice %arg4[%mul3A_182, %dma_wait3A_185] : memref<327680x128xf32, #tpu.memory_space<hbm>> -> memref<128x128xf32, #tpu.memory_space<hbm>>
        tpu.wait_dma2 semaphore(%arg15 : memref<!tpu.dma_semaphore, #tpu.memory_space<semaphore_mem>>) src(%arg7 : memref<128x128xf32, #tpu.memory_space<vmem>>) dst(%dma_wait3A_186 : memref<128x128xf32, #tpu.memory_space<hbm>>)
      } else {
      }
      %add3A_64 = arith.constant 1 : i32
      %add3A_65 = arith.addi %mul3A_49, %add3A_64 : i32
      %dma_start3A_66 = arith.constant 0 : i32
      %dma_start3A_67 = tpu.memref_slice %arg5[%add3A_65, %dma_start3A_66] : memref<80x128xi32, #tpu.memory_space<vmem>> -> memref<1x128xi32, #tpu.memory_space<vmem>>
      %dma_start3A_68 = tpu.memref_squeeze %dma_start3A_67 : memref<1x128xi32, #tpu.memory_space<vmem>> -> memref<128xi32, #tpu.memory_space<vmem>>
      %dma_start3A_69 = arith.constant 0 : i32
      %dma_start3A_70 = arith.constant 0 : i32
      %dma_start3A_71 = tpu.memref_slice %arg3[%dma_start3A_69, %dma_start3A_70] : memref<10240x128xf32, #tpu.memory_space<hbm>> -> memref<10240x128xf32, #tpu.memory_space<hbm>>
      tpu.enqueue_indirect_dma source(%dma_start3A_71 : memref<10240x128xf32, #tpu.memory_space<hbm>>) target(%arg7 : memref<128x128xf32, #tpu.memory_space<vmem>>) offsets(%dma_start3A_68 : memref<128xi32, #tpu.memory_space<vmem>>) semaphore(%arg11 : memref<!tpu.dma_semaphore, #tpu.memory_space<semaphore_mem>>)
      %gt3A_72 = arith.constant 0 : i32
      %gt3A_73 = arith.cmpi sgt, %scan3A_46, %gt3A_72 : i32
      %convert_element_type3A_74 = arith.extui %gt3A_73 : i1 to i32
      %cond3A_75 = arith.constant 0 : i32
      %cond3A_76 = arith.cmpi ne, %convert_element_type3A_74, %cond3A_75 : i32
      scf.if %cond3A_76 {
        %add3A_175 = arith.constant 2 : i32
        %add3A_176 = arith.addi %mul3A_49, %add3A_175 : i32
        %sub3A = arith.constant 4 : i32
        %sub3A_177 = arith.subi %add3A_176, %sub3A : i32
        %mul3A_178 = arith.constant 80 : i32
        %mul3A_179 = arith.muli %add3A, %mul3A_178 : i32
        %add3A_180 = arith.addi %mul3A_179, %sub3A_177 : i32
        %mul3A_181 = arith.constant 128 : i32
        %mul3A_182 = arith.muli %add3A_180, %mul3A_181 : i32
        %dma_wait3A_183 = arith.constant 0 : i32
        %dma_wait3A_184 = tpu.memref_slice %arg4[%mul3A_182, %dma_wait3A_183] : memref<327680x128xf32, #tpu.memory_space<hbm>> -> memref<128x128xf32, #tpu.memory_space<hbm>>
        %dma_wait3A_185 = arith.constant 0 : i32
        %dma_wait3A_186 = tpu.memref_slice %arg4[%mul3A_182, %dma_wait3A_185] : memref<327680x128xf32, #tpu.memory_space<hbm>> -> memref<128x128xf32, #tpu.memory_space<hbm>>
        tpu.wait_dma2 semaphore(%arg16 : memref<!tpu.dma_semaphore, #tpu.memory_space<semaphore_mem>>) src(%arg8 : memref<128x128xf32, #tpu.memory_space<vmem>>) dst(%dma_wait3A_186 : memref<128x128xf32, #tpu.memory_space<hbm>>)
      } else {
      }
      %add3A_77 = arith.constant 2 : i32
      %add3A_78 = arith.addi %mul3A_49, %add3A_77 : i32
      %dma_start3A_79 = arith.constant 0 : i32
      %dma_start3A_80 = tpu.memref_slice %arg5[%add3A_78, %dma_start3A_79] : memref<80x128xi32, #tpu.memory_space<vmem>> -> memref<1x128xi32, #tpu.memory_space<vmem>>
      %dma_start3A_81 = tpu.memref_squeeze %dma_start3A_80 : memref<1x128xi32, #tpu.memory_space<vmem>> -> memref<128xi32, #tpu.memory_space<vmem>>
      %dma_start3A_82 = arith.constant 0 : i32
      %dma_start3A_83 = arith.constant 0 : i32
      %dma_start3A_84 = tpu.memref_slice %arg3[%dma_start3A_82, %dma_start3A_83] : memref<10240x128xf32, #tpu.memory_space<hbm>> -> memref<10240x128xf32, #tpu.memory_space<hbm>>
      tpu.enqueue_indirect_dma source(%dma_start3A_84 : memref<10240x128xf32, #tpu.memory_space<hbm>>) target(%arg8 : memref<128x128xf32, #tpu.memory_space<vmem>>) offsets(%dma_start3A_81 : memref<128xi32, #tpu.memory_space<vmem>>) semaphore(%arg12 : memref<!tpu.dma_semaphore, #tpu.memory_space<semaphore_mem>>)
      %gt3A_85 = arith.constant 0 : i32
      %gt3A_86 = arith.cmpi sgt, %scan3A_46, %gt3A_85 : i32
      %convert_element_type3A_87 = arith.extui %gt3A_86 : i1 to i32
      %cond3A_88 = arith.constant 0 : i32
      %cond3A_89 = arith.cmpi ne, %convert_element_type3A_87, %cond3A_88 : i32
      scf.if %cond3A_89 {
        %add3A_175 = arith.constant 3 : i32
        %add3A_176 = arith.addi %mul3A_49, %add3A_175 : i32
        %sub3A = arith.constant 4 : i32
        %sub3A_177 = arith.subi %add3A_176, %sub3A : i32
        %mul3A_178 = arith.constant 80 : i32
        %mul3A_179 = arith.muli %add3A, %mul3A_178 : i32
        %add3A_180 = arith.addi %mul3A_179, %sub3A_177 : i32
        %mul3A_181 = arith.constant 128 : i32
        %mul3A_182 = arith.muli %add3A_180, %mul3A_181 : i32
        %dma_wait3A_183 = arith.constant 0 : i32
        %dma_wait3A_184 = tpu.memref_slice %arg4[%mul3A_182, %dma_wait3A_183] : memref<327680x128xf32, #tpu.memory_space<hbm>> -> memref<128x128xf32, #tpu.memory_space<hbm>>
        %dma_wait3A_185 = arith.constant 0 : i32
        %dma_wait3A_186 = tpu.memref_slice %arg4[%mul3A_182, %dma_wait3A_185] : memref<327680x128xf32, #tpu.memory_space<hbm>> -> memref<128x128xf32, #tpu.memory_space<hbm>>
        tpu.wait_dma2 semaphore(%arg17 : memref<!tpu.dma_semaphore, #tpu.memory_space<semaphore_mem>>) src(%arg9 : memref<128x128xf32, #tpu.memory_space<vmem>>) dst(%dma_wait3A_186 : memref<128x128xf32, #tpu.memory_space<hbm>>)
      } else {
      }
      %add3A_90 = arith.constant 3 : i32
      %add3A_91 = arith.addi %mul3A_49, %add3A_90 : i32
      %dma_start3A_92 = arith.constant 0 : i32
      %dma_start3A_93 = tpu.memref_slice %arg5[%add3A_91, %dma_start3A_92] : memref<80x128xi32, #tpu.memory_space<vmem>> -> memref<1x128xi32, #tpu.memory_space<vmem>>
      %dma_start3A_94 = tpu.memref_squeeze %dma_start3A_93 : memref<1x128xi32, #tpu.memory_space<vmem>> -> memref<128xi32, #tpu.memory_space<vmem>>
      %dma_start3A_95 = arith.constant 0 : i32
      %dma_start3A_96 = arith.constant 0 : i32
      %dma_start3A_97 = tpu.memref_slice %arg3[%dma_start3A_95, %dma_start3A_96] : memref<10240x128xf32, #tpu.memory_space<hbm>> -> memref<10240x128xf32, #tpu.memory_space<hbm>>
      tpu.enqueue_indirect_dma source(%dma_start3A_97 : memref<10240x128xf32, #tpu.memory_space<hbm>>) target(%arg9 : memref<128x128xf32, #tpu.memory_space<vmem>>) offsets(%dma_start3A_94 : memref<128xi32, #tpu.memory_space<vmem>>) semaphore(%arg13 : memref<!tpu.dma_semaphore, #tpu.memory_space<semaphore_mem>>)
      %add3A_98 = arith.constant 0 : i32
      %add3A_99 = arith.addi %mul3A_49, %add3A_98 : i32
      %dma_wait3A_100 = arith.constant 0 : i32
      %dma_wait3A_101 = tpu.memref_slice %arg5[%add3A_99, %dma_wait3A_100] : memref<80x128xi32, #tpu.memory_space<vmem>> -> memref<1x128xi32, #tpu.memory_space<vmem>>
      %dma_wait3A_102 = tpu.memref_squeeze %dma_wait3A_101 : memref<1x128xi32, #tpu.memory_space<vmem>> -> memref<128xi32, #tpu.memory_space<vmem>>
      %dma_wait3A_103 = arith.constant 0 : i32
      %dma_wait3A_104 = arith.constant 0 : i32
      %dma_wait3A_105 = tpu.memref_slice %arg3[%dma_wait3A_103, %dma_wait3A_104] : memref<10240x128xf32, #tpu.memory_space<hbm>> -> memref<10240x128xf32, #tpu.memory_space<hbm>>
      tpu.wait_indirect_dma semaphore(%arg10 : memref<!tpu.dma_semaphore, #tpu.memory_space<semaphore_mem>>) src(%dma_wait3A_105 : memref<10240x128xf32, #tpu.memory_space<hbm>>) dst(%arg6 : memref<128x128xf32, #tpu.memory_space<vmem>>)
      %add3A_106 = arith.constant 0 : i32
      %add3A_107 = arith.addi %mul3A_49, %add3A_106 : i32
      %mul3A_108 = arith.constant 80 : i32
      %mul3A_109 = arith.muli %add3A, %mul3A_108 : i32
      %add3A_110 = arith.addi %mul3A_109, %add3A_107 : i32
      %mul3A_111 = arith.constant 128 : i32
      %mul3A_112 = arith.muli %add3A_110, %mul3A_111 : i32
      %dma_start3A_113 = arith.constant 0 : i32
      %dma_start3A_114 = tpu.memref_slice %arg4[%mul3A_112, %dma_start3A_113] : memref<327680x128xf32, #tpu.memory_space<hbm>> -> memref<128x128xf32, #tpu.memory_space<hbm>>
      %dma_start3A_115 = arith.constant 0 : i32
      %dma_start3A_116 = tpu.memref_slice %arg4[%mul3A_112, %dma_start3A_115] : memref<327680x128xf32, #tpu.memory_space<hbm>> -> memref<128x128xf32, #tpu.memory_space<hbm>>
      tpu.enqueue_dma source(%arg6 : memref<128x128xf32, #tpu.memory_space<vmem>>) target(%dma_start3A_116 : memref<128x128xf32, #tpu.memory_space<hbm>>) target_semaphore(%arg14 : memref<!tpu.dma_semaphore, #tpu.memory_space<semaphore_mem>>)
      %add3A_117 = arith.constant 1 : i32
      %add3A_118 = arith.addi %mul3A_49, %add3A_117 : i32
      %dma_wait3A_119 = arith.constant 0 : i32
      %dma_wait3A_120 = tpu.memref_slice %arg5[%add3A_118, %dma_wait3A_119] : memref<80x128xi32, #tpu.memory_space<vmem>> -> memref<1x128xi32, #tpu.memory_space<vmem>>
      %dma_wait3A_121 = tpu.memref_squeeze %dma_wait3A_120 : memref<1x128xi32, #tpu.memory_space<vmem>> -> memref<128xi32, #tpu.memory_space<vmem>>
      %dma_wait3A_122 = arith.constant 0 : i32
      %dma_wait3A_123 = arith.constant 0 : i32
      %dma_wait3A_124 = tpu.memref_slice %arg3[%dma_wait3A_122, %dma_wait3A_123] : memref<10240x128xf32, #tpu.memory_space<hbm>> -> memref<10240x128xf32, #tpu.memory_space<hbm>>
      tpu.wait_indirect_dma semaphore(%arg11 : memref<!tpu.dma_semaphore, #tpu.memory_space<semaphore_mem>>) src(%dma_wait3A_124 : memref<10240x128xf32, #tpu.memory_space<hbm>>) dst(%arg7 : memref<128x128xf32, #tpu.memory_space<vmem>>)
      %add3A_125 = arith.constant 1 : i32
      %add3A_126 = arith.addi %mul3A_49, %add3A_125 : i32
      %mul3A_127 = arith.constant 80 : i32
      %mul3A_128 = arith.muli %add3A, %mul3A_127 : i32
      %add3A_129 = arith.addi %mul3A_128, %add3A_126 : i32
      %mul3A_130 = arith.constant 128 : i32
      %mul3A_131 = arith.muli %add3A_129, %mul3A_130 : i32
      %dma_start3A_132 = arith.constant 0 : i32
      %dma_start3A_133 = tpu.memref_slice %arg4[%mul3A_131, %dma_start3A_132] : memref<327680x128xf32, #tpu.memory_space<hbm>> -> memref<128x128xf32, #tpu.memory_space<hbm>>
      %dma_start3A_134 = arith.constant 0 : i32
      %dma_start3A_135 = tpu.memref_slice %arg4[%mul3A_131, %dma_start3A_134] : memref<327680x128xf32, #tpu.memory_space<hbm>> -> memref<128x128xf32, #tpu.memory_space<hbm>>
      tpu.enqueue_dma source(%arg7 : memref<128x128xf32, #tpu.memory_space<vmem>>) target(%dma_start3A_135 : memref<128x128xf32, #tpu.memory_space<hbm>>) target_semaphore(%arg15 : memref<!tpu.dma_semaphore, #tpu.memory_space<semaphore_mem>>)
      %add3A_136 = arith.constant 2 : i32
      %add3A_137 = arith.addi %mul3A_49, %add3A_136 : i32
      %dma_wait3A_138 = arith.constant 0 : i32
      %dma_wait3A_139 = tpu.memref_slice %arg5[%add3A_137, %dma_wait3A_138] : memref<80x128xi32, #tpu.memory_space<vmem>> -> memref<1x128xi32, #tpu.memory_space<vmem>>
      %dma_wait3A_140 = tpu.memref_squeeze %dma_wait3A_139 : memref<1x128xi32, #tpu.memory_space<vmem>> -> memref<128xi32, #tpu.memory_space<vmem>>
      %dma_wait3A_141 = arith.constant 0 : i32
      %dma_wait3A_142 = arith.constant 0 : i32
      %dma_wait3A_143 = tpu.memref_slice %arg3[%dma_wait3A_141, %dma_wait3A_142] : memref<10240x128xf32, #tpu.memory_space<hbm>> -> memref<10240x128xf32, #tpu.memory_space<hbm>>
      tpu.wait_indirect_dma semaphore(%arg12 : memref<!tpu.dma_semaphore, #tpu.memory_space<semaphore_mem>>) src(%dma_wait3A_143 : memref<10240x128xf32, #tpu.memory_space<hbm>>) dst(%arg8 : memref<128x128xf32, #tpu.memory_space<vmem>>)
      %add3A_144 = arith.constant 2 : i32
      %add3A_145 = arith.addi %mul3A_49, %add3A_144 : i32
      %mul3A_146 = arith.constant 80 : i32
      %mul3A_147 = arith.muli %add3A, %mul3A_146 : i32
      %add3A_148 = arith.addi %mul3A_147, %add3A_145 : i32
      %mul3A_149 = arith.constant 128 : i32
      %mul3A_150 = arith.muli %add3A_148, %mul3A_149 : i32
      %dma_start3A_151 = arith.constant 0 : i32
      %dma_start3A_152 = tpu.memref_slice %arg4[%mul3A_150, %dma_start3A_151] : memref<327680x128xf32, #tpu.memory_space<hbm>> -> memref<128x128xf32, #tpu.memory_space<hbm>>
      %dma_start3A_153 = arith.constant 0 : i32
      %dma_start3A_154 = tpu.memref_slice %arg4[%mul3A_150, %dma_start3A_153] : memref<327680x128xf32, #tpu.memory_space<hbm>> -> memref<128x128xf32, #tpu.memory_space<hbm>>
      tpu.enqueue_dma source(%arg8 : memref<128x128xf32, #tpu.memory_space<vmem>>) target(%dma_start3A_154 : memref<128x128xf32, #tpu.memory_space<hbm>>) target_semaphore(%arg16 : memref<!tpu.dma_semaphore, #tpu.memory_space<semaphore_mem>>)
      %add3A_155 = arith.constant 3 : i32
      %add3A_156 = arith.addi %mul3A_49, %add3A_155 : i32
      %dma_wait3A_157 = arith.constant 0 : i32
      %dma_wait3A_158 = tpu.memref_slice %arg5[%add3A_156, %dma_wait3A_157] : memref<80x128xi32, #tpu.memory_space<vmem>> -> memref<1x128xi32, #tpu.memory_space<vmem>>
      %dma_wait3A_159 = tpu.memref_squeeze %dma_wait3A_158 : memref<1x128xi32, #tpu.memory_space<vmem>> -> memref<128xi32, #tpu.memory_space<vmem>>
      %dma_wait3A_160 = arith.constant 0 : i32
      %dma_wait3A_161 = arith.constant 0 : i32
      %dma_wait3A_162 = tpu.memref_slice %arg3[%dma_wait3A_160, %dma_wait3A_161] : memref<10240x128xf32, #tpu.memory_space<hbm>> -> memref<10240x128xf32, #tpu.memory_space<hbm>>
      tpu.wait_indirect_dma semaphore(%arg13 : memref<!tpu.dma_semaphore, #tpu.memory_space<semaphore_mem>>) src(%dma_wait3A_162 : memref<10240x128xf32, #tpu.memory_space<hbm>>) dst(%arg9 : memref<128x128xf32, #tpu.memory_space<vmem>>)
      %add3A_163 = arith.constant 3 : i32
      %add3A_164 = arith.addi %mul3A_49, %add3A_163 : i32
      %mul3A_165 = arith.constant 80 : i32
      %mul3A_166 = arith.muli %add3A, %mul3A_165 : i32
      %add3A_167 = arith.addi %mul3A_166, %add3A_164 : i32
      %mul3A_168 = arith.constant 128 : i32
      %mul3A_169 = arith.muli %add3A_167, %mul3A_168 : i32
      %dma_start3A_170 = arith.constant 0 : i32
      %dma_start3A_171 = tpu.memref_slice %arg4[%mul3A_169, %dma_start3A_170] : memref<327680x128xf32, #tpu.memory_space<hbm>> -> memref<128x128xf32, #tpu.memory_space<hbm>>
      %dma_start3A_172 = arith.constant 0 : i32
      %dma_start3A_173 = tpu.memref_slice %arg4[%mul3A_169, %dma_start3A_172] : memref<327680x128xf32, #tpu.memory_space<hbm>> -> memref<128x128xf32, #tpu.memory_space<hbm>>
      tpu.enqueue_dma source(%arg9 : memref<128x128xf32, #tpu.memory_space<vmem>>) target(%dma_start3A_173 : memref<128x128xf32, #tpu.memory_space<hbm>>) target_semaphore(%arg17 : memref<!tpu.dma_semaphore, #tpu.memory_space<semaphore_mem>>)
      %scan3A_174 = arith.constant 0 : i32
      scf.yield %scan3A_174 : i32
    }
    %scan3A_6 = arith.constant 20 : i32
    %mul3A_7 = arith.constant 80 : i32
    %mul3A_8 = arith.muli %add3A, %mul3A_7 : i32
    %add3A_9 = arith.constant 76 : i32
    %add3A_10 = arith.addi %mul3A_8, %add3A_9 : i32
    %mul3A_11 = arith.constant 128 : i32
    %mul3A_12 = arith.muli %add3A_10, %mul3A_11 : i32
    %dma_wait3A = arith.constant 0 : i32
    %dma_wait3A_13 = tpu.memref_slice %arg4[%mul3A_12, %dma_wait3A] : memref<327680x128xf32, #tpu.memory_space<hbm>> -> memref<128x128xf32, #tpu.memory_space<hbm>>
    %dma_wait3A_14 = arith.constant 0 : i32
    %dma_wait3A_15 = tpu.memref_slice %arg4[%mul3A_12, %dma_wait3A_14] : memref<327680x128xf32, #tpu.memory_space<hbm>> -> memref<128x128xf32, #tpu.memory_space<hbm>>
    tpu.wait_dma2 semaphore(%arg14 : memref<!tpu.dma_semaphore, #tpu.memory_space<semaphore_mem>>) src(%arg6 : memref<128x128xf32, #tpu.memory_space<vmem>>) dst(%dma_wait3A_15 : memref<128x128xf32, #tpu.memory_space<hbm>>)
    %mul3A_16 = arith.constant 80 : i32
    %mul3A_17 = arith.muli %add3A, %mul3A_16 : i32
    %add3A_18 = arith.constant 77 : i32
    %add3A_19 = arith.addi %mul3A_17, %add3A_18 : i32
    %mul3A_20 = arith.constant 128 : i32
    %mul3A_21 = arith.muli %add3A_19, %mul3A_20 : i32
    %dma_wait3A_22 = arith.constant 0 : i32
    %dma_wait3A_23 = tpu.memref_slice %arg4[%mul3A_21, %dma_wait3A_22] : memref<327680x128xf32, #tpu.memory_space<hbm>> -> memref<128x128xf32, #tpu.memory_space<hbm>>
    %dma_wait3A_24 = arith.constant 0 : i32
    %dma_wait3A_25 = tpu.memref_slice %arg4[%mul3A_21, %dma_wait3A_24] : memref<327680x128xf32, #tpu.memory_space<hbm>> -> memref<128x128xf32, #tpu.memory_space<hbm>>
    tpu.wait_dma2 semaphore(%arg15 : memref<!tpu.dma_semaphore, #tpu.memory_space<semaphore_mem>>) src(%arg7 : memref<128x128xf32, #tpu.memory_space<vmem>>) dst(%dma_wait3A_25 : memref<128x128xf32, #tpu.memory_space<hbm>>)
    %mul3A_26 = arith.constant 80 : i32
    %mul3A_27 = arith.muli %add3A, %mul3A_26 : i32
    %add3A_28 = arith.constant 78 : i32
    %add3A_29 = arith.addi %mul3A_27, %add3A_28 : i32
    %mul3A_30 = arith.constant 128 : i32
    %mul3A_31 = arith.muli %add3A_29, %mul3A_30 : i32
    %dma_wait3A_32 = arith.constant 0 : i32
    %dma_wait3A_33 = tpu.memref_slice %arg4[%mul3A_31, %dma_wait3A_32] : memref<327680x128xf32, #tpu.memory_space<hbm>> -> memref<128x128xf32, #tpu.memory_space<hbm>>
    %dma_wait3A_34 = arith.constant 0 : i32
    %dma_wait3A_35 = tpu.memref_slice %arg4[%mul3A_31, %dma_wait3A_34] : memref<327680x128xf32, #tpu.memory_space<hbm>> -> memref<128x128xf32, #tpu.memory_space<hbm>>
    tpu.wait_dma2 semaphore(%arg16 : memref<!tpu.dma_semaphore, #tpu.memory_space<semaphore_mem>>) src(%arg8 : memref<128x128xf32, #tpu.memory_space<vmem>>) dst(%dma_wait3A_35 : memref<128x128xf32, #tpu.memory_space<hbm>>)
    %mul3A_36 = arith.constant 80 : i32
    %mul3A_37 = arith.muli %add3A, %mul3A_36 : i32
    %add3A_38 = arith.constant 79 : i32
    %add3A_39 = arith.addi %mul3A_37, %add3A_38 : i32
    %mul3A_40 = arith.constant 128 : i32
    %mul3A_41 = arith.muli %add3A_39, %mul3A_40 : i32
    %dma_wait3A_42 = arith.constant 0 : i32
    %dma_wait3A_43 = tpu.memref_slice %arg4[%mul3A_41, %dma_wait3A_42] : memref<327680x128xf32, #tpu.memory_space<hbm>> -> memref<128x128xf32, #tpu.memory_space<hbm>>
    %dma_wait3A_44 = arith.constant 0 : i32
    %dma_wait3A_45 = tpu.memref_slice %arg4[%mul3A_41, %dma_wait3A_44] : memref<327680x128xf32, #tpu.memory_space<hbm>> -> memref<128x128xf32, #tpu.memory_space<hbm>>
    tpu.wait_dma2 semaphore(%arg17 : memref<!tpu.dma_semaphore, #tpu.memory_space<semaphore_mem>>) src(%arg9 : memref<128x128xf32, #tpu.memory_space<vmem>>) dst(%dma_wait3A_45 : memref<128x128xf32, #tpu.memory_space<hbm>>)
    return
  }
}

module attributes {stable_mosaic.version = 14 : i64} {
  func.func @_deg_body(%arg0: i32, %arg1: memref<320xi32, #tpu.memory_space<smem>>, %arg2: memref<1x1x1024xi32, #tpu.memory_space<vmem>>, %arg3: memref<10240x128xf32, #tpu.memory_space<vmem>>, %arg4: memref<10240x128xf32, #tpu.memory_space<vmem>>) attributes {dimension_semantics = [#tpu.dimension_semantics<arbitrary>], iteration_bounds = array<i64: 320>, scalar_prefetch = 1 : i64, scratch_operands = 1 : i64, tpu.core_type = #tpu.core_type<tc>, window_params = [{transform_indices = @transform_0, window_bounds = array<i64: 1, 1, 1024>}, {pipeline_mode = #tpu.pipeline_mode<synchronous>, transform_indices = @transform_1, window_bounds = array<i64: 10240, 128>}]} {
    %eq3A = arith.constant 0 : i32
    %eq3A_0 = arith.cmpi eq, %arg0, %eq3A : i32
    %convert_element_type3A = arith.extui %eq3A_0 : i1 to i32
    %cond3A = arith.constant 0 : i32
    %cond3A_1 = arith.cmpi ne, %convert_element_type3A, %cond3A : i32
    scf.if %cond3A_1 {
      %broadcast_in_dim3A_28 = arith.constant 0.000000e+00 : f32
      %broadcast_in_dim3A_29 = vector.broadcast %broadcast_in_dim3A_28 : f32 to vector<10240x128xf32>
      %swap3A_30 = arith.constant 0 : index
      %swap3A_31 = arith.constant 0 : index
      %swap3A_32 = vector.load %arg4[%swap3A_30, %swap3A_31] : memref<10240x128xf32, #tpu.memory_space<vmem>>, vector<10240x128xf32>
      tpu.vector_store %arg4[%swap3A_30, %swap3A_31], %broadcast_in_dim3A_29 {strides = array<i32>} : memref<10240x128xf32, #tpu.memory_space<vmem>>, vector<10240x128xf32>,
    } else {
    }
    %get3A = arith.index_cast %arg0 : i32 to index
    %get3A_2 = memref.load %arg1[%get3A] : memref<320xi32, #tpu.memory_space<smem>>
    %get3A_3 = arith.constant 0 : index
    %get3A_4 = arith.constant 0 : index
    %get3A_5 = arith.constant 0 : index
    %get3A_6 = vector.load %arg2[%get3A_3, %get3A_4, %get3A_5] : memref<1x1x1024xi32, #tpu.memory_space<vmem>>, vector<1x1x1024xi32>
    %get3A_7 = vector.shape_cast %get3A_6 : vector<1x1x1024xi32> to vector<1x1024xi32>
    %sub3A = vector.broadcast %get3A_2 : i32 to vector<1x1024xi32>
    %sub3A_8 = arith.subi %get3A_7, %sub3A : vector<1x1024xi32>
    %iota3A = tpu.iota {dimensions = array<i32: 0>} : vector<256x1024xi32>
    %broadcast_in_dim3A = vector.shape_cast %sub3A_8 : vector<1x1024xi32> to vector<1x1024xi32>
    %broadcast_in_dim3A_9 = vector.broadcast %broadcast_in_dim3A : vector<1x1024xi32> to vector<256x1024xi32>
    %eq3A_10 = arith.cmpi eq, %iota3A, %broadcast_in_dim3A_9 : vector<256x1024xi32>
    %jit3A = arith.constant 1.000000e+00 : f32
    %jit3A_11 = arith.constant 0.000000e+00 : f32
    %broadcast_in_dim3A_12 = vector.broadcast %jit3A : f32 to vector<256x1024xf32>
    %broadcast_in_dim3A_13 = vector.broadcast %jit3A_11 : f32 to vector<256x1024xf32>
    %select_n3A = arith.select %eq3A_10, %broadcast_in_dim3A_12, %broadcast_in_dim3A_13 : vector<256x1024xi1>, vector<256x1024xf32>
    %reduce_sum3A = arith.constant dense<0.000000e+00> : vector<256xf32>
    %reduce_sum3A_14 = vector.multi_reduction <add>, %select_n3A, %reduce_sum3A [1] : vector<256x1024xf32> to vector<256xf32>
    %broadcast_in_dim3A_15 = vector.shape_cast %reduce_sum3A_14 : vector<256xf32> to vector<256x1xf32>
    %get3A_16 = arith.index_cast %get3A_2 : i32 to index
    %get3A_17 = arith.constant 0 : index
    %get3A_18 = vector.load %arg4[%get3A_16, %get3A_17] : memref<10240x128xf32, #tpu.memory_space<vmem>>, vector<256x128xf32>
    %broadcast_in_dim3A_19 = vector.shape_cast %broadcast_in_dim3A_15 : vector<256x1xf32> to vector<256x1xf32>
    %broadcast_in_dim3A_20 = vector.broadcast %broadcast_in_dim3A_19 : vector<256x1xf32> to vector<256x128xf32>
    %add3A = arith.addf %get3A_18, %broadcast_in_dim3A_20 : vector<256x128xf32>
    %swap3A = arith.index_cast %get3A_2 : i32 to index
    %swap3A_21 = arith.constant 0 : index
    %swap3A_22 = vector.load %arg4[%swap3A, %swap3A_21] : memref<10240x128xf32, #tpu.memory_space<vmem>>, vector<256x128xf32>
    tpu.vector_store %arg4[%swap3A, %swap3A_21], %add3A {strides = array<i32>} : memref<10240x128xf32, #tpu.memory_space<vmem>>, vector<256x128xf32>,
    %eq3A_23 = arith.constant 319 : i32
    %eq3A_24 = arith.cmpi eq, %arg0, %eq3A_23 : i32
    %convert_element_type3A_25 = arith.extui %eq3A_24 : i1 to i32
    %cond3A_26 = arith.constant 0 : i32
    %cond3A_27 = arith.cmpi ne, %convert_element_type3A_25, %cond3A_26 : i32
    scf.if %cond3A_27 {
      %get3A_28 = arith.constant 0 : index
      %get3A_29 = arith.constant 0 : index
      %get3A_30 = vector.load %arg4[%get3A_28, %get3A_29] : memref<10240x128xf32, #tpu.memory_space<vmem>>, vector<10240x128xf32>
      %swap3A_31 = arith.constant 0 : index
      %swap3A_32 = arith.constant 0 : index
      %swap3A_33 = vector.load %arg3[%swap3A_31, %swap3A_32] : memref<10240x128xf32, #tpu.memory_space<vmem>>, vector<10240x128xf32>
      tpu.vector_store %arg3[%swap3A_31, %swap3A_32], %get3A_30 {strides = array<i32>} : memref<10240x128xf32, #tpu.memory_space<vmem>>, vector<10240x128xf32>,
    } else {
    }
    return
  }
  func.func @transform_0(%arg0: i32, %arg1: memref<320xi32, #tpu.memory_space<smem>>) -> (i32, i32, i32) {
    %c0_i32 = arith.constant 0 : i32
    %c0_i32_0 = arith.constant 0 : i32
    %c0_i32_1 = arith.constant 0 : i32
    return %arg0, %c0_i32, %c0_i32_0 : i32, i32, i32
  }
  func.func @transform_1(%arg0: i32, %arg1: memref<320xi32, #tpu.memory_space<smem>>) -> (i32, i32) {
    %c0_i32 = arith.constant 0 : i32
    %c0_i32_0 = arith.constant 0 : i32
    %c0_i32_1 = arith.constant 0 : i32
    return %c0_i32, %c0_i32_0 : i32, i32
  }
}

module attributes {stable_mosaic.version = 14 : i64} {
  func.func @_pre_body(%arg0: i32, %arg1: memref<2048x128xf32, #tpu.memory_space<vmem>>, %arg2: memref<128x128xf32, #tpu.memory_space<vmem>>, %arg3: memref<8x128xf32, #tpu.memory_space<vmem>>, %arg4: memref<128x128xf32, #tpu.memory_space<vmem>>, %arg5: memref<2048x128xf32, #tpu.memory_space<vmem>>, %arg6: memref<2048x128xf32, #tpu.memory_space<vmem>>, %arg7: memref<2048x128xf32, #tpu.memory_space<vmem>>) attributes {dimension_semantics = [#tpu.dimension_semantics<arbitrary>], iteration_bounds = array<i64: 5>, scalar_prefetch = 0 : i64, scratch_operands = 0 : i64, tpu.core_type = #tpu.core_type<tc>, window_params = [{transform_indices = @transform_0, window_bounds = array<i64: 2048, 128>}, {pipeline_mode = #tpu.pipeline_mode<synchronous>, transform_indices = @transform_1, window_bounds = array<i64: 128, 128>}, {pipeline_mode = #tpu.pipeline_mode<synchronous>, transform_indices = @transform_2, window_bounds = array<i64: 8, 128>}, {pipeline_mode = #tpu.pipeline_mode<synchronous>, transform_indices = @transform_3, window_bounds = array<i64: 128, 128>}, {transform_indices = @transform_4, window_bounds = array<i64: 2048, 128>}, {transform_indices = @transform_5, window_bounds = array<i64: 2048, 128>}, {transform_indices = @transform_6, window_bounds = array<i64: 2048, 128>}]} {
    %get3A = arith.constant 0 : index
    %get3A_0 = arith.constant 0 : index
    %get3A_1 = vector.load %arg5[%get3A, %get3A_0] : memref<2048x128xf32, #tpu.memory_space<vmem>>, vector<2048x128xf32>
    %add3A = arith.constant 1.000000e+00 : f32
    %add3A_2 = vector.broadcast %add3A : f32 to vector<2048x128xf32>
    %add3A_3 = arith.addf %get3A_1, %add3A_2 : vector<2048x128xf32>
    %rsqrt3A = math.rsqrt %add3A_3 : vector<2048x128xf32>
    %swap3A = arith.constant 0 : index
    %swap3A_4 = arith.constant 0 : index
    %swap3A_5 = vector.load %arg7[%swap3A, %swap3A_4] : memref<2048x128xf32, #tpu.memory_space<vmem>>, vector<2048x128xf32>
    tpu.vector_store %arg7[%swap3A, %swap3A_4], %rsqrt3A {strides = array<i32>} : memref<2048x128xf32, #tpu.memory_space<vmem>>, vector<2048x128xf32>,
    %get3A_6 = arith.constant 0 : index
    %get3A_7 = arith.constant 0 : index
    %get3A_8 = vector.load %arg1[%get3A_6, %get3A_7] : memref<2048x128xf32, #tpu.memory_space<vmem>>, vector<2048x128xf32>
    %get3A_9 = arith.constant 0 : index
    %get3A_10 = arith.constant 0 : index
    %get3A_11 = vector.load %arg2[%get3A_9, %get3A_10] : memref<128x128xf32, #tpu.memory_space<vmem>>, vector<128x128xf32>
    %dot_general3A = arith.constant dense<0.000000e+00> : vector<2048x128xf32>
    %dot_general3A_12 = tpu.matmul %get3A_8, %get3A_11, %dot_general3A {dimension_numbers = #tpu.dot_dimension_numbers<[1], [0], [0], [1], [0, 0, 1, 1], [], []>, transpose_lhs_hint = false} : vector<2048x128xf32>, vector<128x128xf32>, vector<2048x128xf32> -> vector<2048x128xf32>
    %get3A_13 = arith.constant 0 : index
    %get3A_14 = arith.constant 0 : index
    %get3A_15 = vector.load %arg3[%get3A_13, %get3A_14] : memref<8x128xf32, #tpu.memory_space<vmem>>, vector<1x128xf32>
    %add3A_16 = vector.broadcast %get3A_15 : vector<1x128xf32> to vector<2048x128xf32>
    %add3A_17 = arith.addf %dot_general3A_12, %add3A_16 : vector<2048x128xf32>
    %get3A_18 = arith.constant 0 : index
    %get3A_19 = arith.constant 0 : index
    %get3A_20 = vector.load %arg4[%get3A_18, %get3A_19] : memref<128x128xf32, #tpu.memory_space<vmem>>, vector<128x128xf32>
    %dot_general3A_21 = arith.constant dense<0.000000e+00> : vector<2048x128xf32>
    %dot_general3A_22 = tpu.matmul %add3A_17, %get3A_20, %dot_general3A_21 {dimension_numbers = #tpu.dot_dimension_numbers<[1], [0], [0], [1], [0, 0, 1, 1], [], []>, transpose_lhs_hint = false} : vector<2048x128xf32>, vector<128x128xf32>, vector<2048x128xf32> -> vector<2048x128xf32>
    %mul3A = arith.mulf %dot_general3A_22, %rsqrt3A : vector<2048x128xf32>
    %swap3A_23 = arith.constant 0 : index
    %swap3A_24 = arith.constant 0 : index
    %swap3A_25 = vector.load %arg6[%swap3A_23, %swap3A_24] : memref<2048x128xf32, #tpu.memory_space<vmem>>, vector<2048x128xf32>
    tpu.vector_store %arg6[%swap3A_23, %swap3A_24], %mul3A {strides = array<i32>} : memref<2048x128xf32, #tpu.memory_space<vmem>>, vector<2048x128xf32>,
    return
  }
  func.func @transform_0(%arg0: i32) -> (i32, i32) {
    %c0_i32 = arith.constant 0 : i32
    %c0_i32_0 = arith.constant 0 : i32
    return %arg0, %c0_i32 : i32, i32
  }
  func.func @transform_1(%arg0: i32) -> (i32, i32) {
    %c0_i32 = arith.constant 0 : i32
    %c0_i32_0 = arith.constant 0 : i32
    %c0_i32_1 = arith.constant 0 : i32
    return %c0_i32, %c0_i32_0 : i32, i32
  }
  func.func @transform_2(%arg0: i32) -> (i32, i32) {
    %c0_i32 = arith.constant 0 : i32
    %c0_i32_0 = arith.constant 0 : i32
    %c0_i32_1 = arith.constant 0 : i32
    return %c0_i32, %c0_i32_0 : i32, i32
  }
  func.func @transform_3(%arg0: i32) -> (i32, i32) {
    %c0_i32 = arith.constant 0 : i32
    %c0_i32_0 = arith.constant 0 : i32
    %c0_i32_1 = arith.constant 0 : i32
    return %c0_i32, %c0_i32_0 : i32, i32
  }
  func.func @transform_4(%arg0: i32) -> (i32, i32) {
    %c0_i32 = arith.constant 0 : i32
    %c0_i32_0 = arith.constant 0 : i32
    return %arg0, %c0_i32 : i32, i32
  }
  func.func @transform_5(%arg0: i32) -> (i32, i32) {
    %c0_i32 = arith.constant 0 : i32
    %c0_i32_0 = arith.constant 0 : i32
    return %arg0, %c0_i32 : i32, i32
  }
  func.func @transform_6(%arg0: i32) -> (i32, i32) {
    %c0_i32 = arith.constant 0 : i32
    %c0_i32_0 = arith.constant 0 : i32
    return %arg0, %c0_i32 : i32, i32
  }
}

module attributes {stable_mosaic.version = 14 : i64} {
  func.func @_agg_body(%arg0: i32, %arg1: memref<320xi32, #tpu.memory_space<smem>>, %arg2: memref<1x1x1024xi32, #tpu.memory_space<vmem>>, %arg3: memref<1024x128xf32, #tpu.memory_space<vmem>>, %arg4: memref<10240x128xf32, #tpu.memory_space<vmem>>, %arg5: memref<10240x128xf32, #tpu.memory_space<vmem>>) attributes {dimension_semantics = [#tpu.dimension_semantics<arbitrary>], iteration_bounds = array<i64: 320>, scalar_prefetch = 1 : i64, scratch_operands = 1 : i64, tpu.core_type = #tpu.core_type<tc>, window_params = [{transform_indices = @transform_0, window_bounds = array<i64: 1, 1, 1024>}, {transform_indices = @transform_1, window_bounds = array<i64: 1024, 128>}, {pipeline_mode = #tpu.pipeline_mode<synchronous>, transform_indices = @transform_2, window_bounds = array<i64: 10240, 128>}]} {
    %eq3A = arith.constant 0 : i32
    %eq3A_0 = arith.cmpi eq, %arg0, %eq3A : i32
    %convert_element_type3A = arith.extui %eq3A_0 : i1 to i32
    %cond3A = arith.constant 0 : i32
    %cond3A_1 = arith.cmpi ne, %convert_element_type3A, %cond3A : i32
    scf.if %cond3A_1 {
      %broadcast_in_dim3A_28 = arith.constant 0.000000e+00 : f32
      %broadcast_in_dim3A_29 = vector.broadcast %broadcast_in_dim3A_28 : f32 to vector<10240x128xf32>
      %swap3A_30 = arith.constant 0 : index
      %swap3A_31 = arith.constant 0 : index
      %swap3A_32 = vector.load %arg5[%swap3A_30, %swap3A_31] : memref<10240x128xf32, #tpu.memory_space<vmem>>, vector<10240x128xf32>
      tpu.vector_store %arg5[%swap3A_30, %swap3A_31], %broadcast_in_dim3A_29 {strides = array<i32>} : memref<10240x128xf32, #tpu.memory_space<vmem>>, vector<10240x128xf32>,
    } else {
    }
    %get3A = arith.index_cast %arg0 : i32 to index
    %get3A_2 = memref.load %arg1[%get3A] : memref<320xi32, #tpu.memory_space<smem>>
    %get3A_3 = arith.constant 0 : index
    %get3A_4 = arith.constant 0 : index
    %get3A_5 = arith.constant 0 : index
    %get3A_6 = vector.load %arg2[%get3A_3, %get3A_4, %get3A_5] : memref<1x1x1024xi32, #tpu.memory_space<vmem>>, vector<1x1x1024xi32>
    %get3A_7 = vector.shape_cast %get3A_6 : vector<1x1x1024xi32> to vector<1x1024xi32>
    %sub3A = vector.broadcast %get3A_2 : i32 to vector<1x1024xi32>
    %sub3A_8 = arith.subi %get3A_7, %sub3A : vector<1x1024xi32>
    %iota3A = tpu.iota {dimensions = array<i32: 0>} : vector<256x1024xi32>
    %broadcast_in_dim3A = vector.shape_cast %sub3A_8 : vector<1x1024xi32> to vector<1x1024xi32>
    %broadcast_in_dim3A_9 = vector.broadcast %broadcast_in_dim3A : vector<1x1024xi32> to vector<256x1024xi32>
    %eq3A_10 = arith.cmpi eq, %iota3A, %broadcast_in_dim3A_9 : vector<256x1024xi32>
    %jit3A = arith.constant 1.000000e+00 : f32
    %jit3A_11 = arith.constant 0.000000e+00 : f32
    %broadcast_in_dim3A_12 = vector.broadcast %jit3A : f32 to vector<256x1024xf32>
    %broadcast_in_dim3A_13 = vector.broadcast %jit3A_11 : f32 to vector<256x1024xf32>
    %select_n3A = arith.select %eq3A_10, %broadcast_in_dim3A_12, %broadcast_in_dim3A_13 : vector<256x1024xi1>, vector<256x1024xf32>
    %get3A_14 = arith.index_cast %get3A_2 : i32 to index
    %get3A_15 = arith.constant 0 : index
    %get3A_16 = vector.load %arg5[%get3A_14, %get3A_15] : memref<10240x128xf32, #tpu.memory_space<vmem>>, vector<256x128xf32>
    %get3A_17 = arith.constant 0 : index
    %get3A_18 = arith.constant 0 : index
    %get3A_19 = vector.load %arg3[%get3A_17, %get3A_18] : memref<1024x128xf32, #tpu.memory_space<vmem>>, vector<1024x128xf32>
    %dot_general3A = arith.constant dense<0.000000e+00> : vector<256x128xf32>
    %dot_general3A_20 = tpu.matmul %select_n3A, %get3A_19, %dot_general3A {dimension_numbers = #tpu.dot_dimension_numbers<[1], [0], [0], [1], [0, 0, 1, 1], [], []>, transpose_lhs_hint = false} : vector<256x1024xf32>, vector<1024x128xf32>, vector<256x128xf32> -> vector<256x128xf32>
    %add3A = arith.addf %get3A_16, %dot_general3A_20 : vector<256x128xf32>
    %swap3A = arith.index_cast %get3A_2 : i32 to index
    %swap3A_21 = arith.constant 0 : index
    %swap3A_22 = vector.load %arg5[%swap3A, %swap3A_21] : memref<10240x128xf32, #tpu.memory_space<vmem>>, vector<256x128xf32>
    tpu.vector_store %arg5[%swap3A, %swap3A_21], %add3A {strides = array<i32>} : memref<10240x128xf32, #tpu.memory_space<vmem>>, vector<256x128xf32>,
    %eq3A_23 = arith.constant 319 : i32
    %eq3A_24 = arith.cmpi eq, %arg0, %eq3A_23 : i32
    %convert_element_type3A_25 = arith.extui %eq3A_24 : i1 to i32
    %cond3A_26 = arith.constant 0 : i32
    %cond3A_27 = arith.cmpi ne, %convert_element_type3A_25, %cond3A_26 : i32
    scf.if %cond3A_27 {
      %get3A_28 = arith.constant 0 : index
      %get3A_29 = arith.constant 0 : index
      %get3A_30 = vector.load %arg5[%get3A_28, %get3A_29] : memref<10240x128xf32, #tpu.memory_space<vmem>>, vector<10240x128xf32>
      %swap3A_31 = arith.constant 0 : index
      %swap3A_32 = arith.constant 0 : index
      %swap3A_33 = vector.load %arg4[%swap3A_31, %swap3A_32] : memref<10240x128xf32, #tpu.memory_space<vmem>>, vector<10240x128xf32>
      tpu.vector_store %arg4[%swap3A_31, %swap3A_32], %get3A_30 {strides = array<i32>} : memref<10240x128xf32, #tpu.memory_space<vmem>>, vector<10240x128xf32>,
    } else {
    }
    return
  }
  func.func @transform_0(%arg0: i32, %arg1: memref<320xi32, #tpu.memory_space<smem>>) -> (i32, i32, i32) {
    %c0_i32 = arith.constant 0 : i32
    %c0_i32_0 = arith.constant 0 : i32
    %c0_i32_1 = arith.constant 0 : i32
    return %arg0, %c0_i32, %c0_i32_0 : i32, i32, i32
  }
  func.func @transform_1(%arg0: i32, %arg1: memref<320xi32, #tpu.memory_space<smem>>) -> (i32, i32) {
    %c0_i32 = arith.constant 0 : i32
    %c0_i32_0 = arith.constant 0 : i32
    return %arg0, %c0_i32 : i32, i32
  }
  func.func @transform_2(%arg0: i32, %arg1: memref<320xi32, #tpu.memory_space<smem>>) -> (i32, i32) {
    %c0_i32 = arith.constant 0 : i32
    %c0_i32_0 = arith.constant 0 : i32
    %c0_i32_1 = arith.constant 0 : i32
    return %c0_i32, %c0_i32_0 : i32, i32
  }
}

module attributes {stable_mosaic.version = 14 : i64} {
  func.func @_mid_body(%arg0: i32, %arg1: memref<2048x128xf32, #tpu.memory_space<vmem>>, %arg2: memref<2048x128xf32, #tpu.memory_space<vmem>>, %arg3: memref<2048x128xf32, #tpu.memory_space<vmem>>, %arg4: memref<8x128xf32, #tpu.memory_space<vmem>>, %arg5: memref<8x128xf32, #tpu.memory_space<vmem>>, %arg6: memref<8x128xf32, #tpu.memory_space<vmem>>, %arg7: memref<128x128xf32, #tpu.memory_space<vmem>>, %arg8: memref<2048x128xf32, #tpu.memory_space<vmem>>) attributes {dimension_semantics = [#tpu.dimension_semantics<arbitrary>], iteration_bounds = array<i64: 5>, scalar_prefetch = 0 : i64, scratch_operands = 0 : i64, tpu.core_type = #tpu.core_type<tc>, window_params = [{transform_indices = @transform_0, window_bounds = array<i64: 2048, 128>}, {transform_indices = @transform_1, window_bounds = array<i64: 2048, 128>}, {transform_indices = @transform_2, window_bounds = array<i64: 2048, 128>}, {pipeline_mode = #tpu.pipeline_mode<synchronous>, transform_indices = @transform_3, window_bounds = array<i64: 8, 128>}, {pipeline_mode = #tpu.pipeline_mode<synchronous>, transform_indices = @transform_4, window_bounds = array<i64: 8, 128>}, {pipeline_mode = #tpu.pipeline_mode<synchronous>, transform_indices = @transform_5, window_bounds = array<i64: 8, 128>}, {pipeline_mode = #tpu.pipeline_mode<synchronous>, transform_indices = @transform_6, window_bounds = array<i64: 128, 128>}, {transform_indices = @transform_7, window_bounds = array<i64: 2048, 128>}]} {
    %get3A = arith.constant 0 : index
    %get3A_0 = arith.constant 0 : index
    %get3A_1 = vector.load %arg3[%get3A, %get3A_0] : memref<2048x128xf32, #tpu.memory_space<vmem>>, vector<2048x128xf32>
    %get3A_2 = arith.constant 0 : index
    %get3A_3 = arith.constant 0 : index
    %get3A_4 = vector.load %arg1[%get3A_2, %get3A_3] : memref<2048x128xf32, #tpu.memory_space<vmem>>, vector<2048x128xf32>
    %get3A_5 = arith.constant 0 : index
    %get3A_6 = arith.constant 0 : index
    %get3A_7 = vector.load %arg2[%get3A_5, %get3A_6] : memref<2048x128xf32, #tpu.memory_space<vmem>>, vector<2048x128xf32>
    %add3A = arith.addf %get3A_4, %get3A_7 : vector<2048x128xf32>
    %mul3A = arith.mulf %add3A, %get3A_1 : vector<2048x128xf32>
    %get3A_8 = arith.constant 0 : index
    %get3A_9 = arith.constant 0 : index
    %get3A_10 = vector.load %arg4[%get3A_8, %get3A_9] : memref<8x128xf32, #tpu.memory_space<vmem>>, vector<1x128xf32>
    %add3A_11 = vector.broadcast %get3A_10 : vector<1x128xf32> to vector<2048x128xf32>
    %add3A_12 = arith.addf %mul3A, %add3A_11 : vector<2048x128xf32>
    %max3A = arith.constant 0.000000e+00 : f32
    %max3A_13 = vector.broadcast %max3A : f32 to vector<2048x128xf32>
    %max3A_14 = arith.maximumf %add3A_12, %max3A_13 : vector<2048x128xf32>
    %reduce_sum3A = arith.constant dense<0.000000e+00> : vector<2048xf32>
    %reduce_sum3A_15 = vector.multi_reduction <add>, %max3A_14, %reduce_sum3A [1] : vector<2048x128xf32> to vector<2048xf32>
    %broadcast_in_dim3A = vector.shape_cast %reduce_sum3A_15 : vector<2048xf32> to vector<2048x1xf32>
    %div3A = arith.constant 1.280000e+02 : f32
    %div3A_16 = vector.broadcast %div3A : f32 to vector<2048x1xf32>
    %div3A_17 = arith.divf %broadcast_in_dim3A, %div3A_16 : vector<2048x1xf32>
    %sub3A = vector.broadcast %div3A_17 : vector<2048x1xf32> to vector<2048x128xf32>
    %sub3A_18 = arith.subf %max3A_14, %sub3A : vector<2048x128xf32>
    %mul3A_19 = arith.mulf %sub3A_18, %sub3A_18 : vector<2048x128xf32>
    %reduce_sum3A_20 = arith.constant dense<0.000000e+00> : vector<2048xf32>
    %reduce_sum3A_21 = vector.multi_reduction <add>, %mul3A_19, %reduce_sum3A_20 [1] : vector<2048x128xf32> to vector<2048xf32>
    %broadcast_in_dim3A_22 = vector.shape_cast %reduce_sum3A_21 : vector<2048xf32> to vector<2048x1xf32>
    %div3A_23 = arith.constant 1.280000e+02 : f32
    %div3A_24 = vector.broadcast %div3A_23 : f32 to vector<2048x1xf32>
    %div3A_25 = arith.divf %broadcast_in_dim3A_22, %div3A_24 : vector<2048x1xf32>
    %add3A_26 = arith.constant 9.99999974E-6 : f32
    %add3A_27 = vector.broadcast %add3A_26 : f32 to vector<2048x1xf32>
    %add3A_28 = arith.addf %div3A_25, %add3A_27 : vector<2048x1xf32>
    %rsqrt3A = math.rsqrt %add3A_28 : vector<2048x1xf32>
    %mul3A_29 = vector.broadcast %rsqrt3A : vector<2048x1xf32> to vector<2048x128xf32>
    %mul3A_30 = arith.mulf %sub3A_18, %mul3A_29 : vector<2048x128xf32>
    %get3A_31 = arith.constant 0 : index
    %get3A_32 = arith.constant 0 : index
    %get3A_33 = vector.load %arg5[%get3A_31, %get3A_32] : memref<8x128xf32, #tpu.memory_space<vmem>>, vector<1x128xf32>
    %mul3A_34 = vector.broadcast %get3A_33 : vector<1x128xf32> to vector<2048x128xf32>
    %mul3A_35 = arith.mulf %mul3A_30, %mul3A_34 : vector<2048x128xf32>
    %get3A_36 = arith.constant 0 : index
    %get3A_37 = arith.constant 0 : index
    %get3A_38 = vector.load %arg6[%get3A_36, %get3A_37] : memref<8x128xf32, #tpu.memory_space<vmem>>, vector<1x128xf32>
    %add3A_39 = vector.broadcast %get3A_38 : vector<1x128xf32> to vector<2048x128xf32>
    %add3A_40 = arith.addf %mul3A_35, %add3A_39 : vector<2048x128xf32>
    %get3A_41 = arith.constant 0 : index
    %get3A_42 = arith.constant 0 : index
    %get3A_43 = vector.load %arg7[%get3A_41, %get3A_42] : memref<128x128xf32, #tpu.memory_space<vmem>>, vector<128x128xf32>
    %dot_general3A = arith.constant dense<0.000000e+00> : vector<2048x128xf32>
    %dot_general3A_44 = tpu.matmul %add3A_40, %get3A_43, %dot_general3A {dimension_numbers = #tpu.dot_dimension_numbers<[1], [0], [0], [1], [0, 0, 1, 1], [], []>, transpose_lhs_hint = false} : vector<2048x128xf32>, vector<128x128xf32>, vector<2048x128xf32> -> vector<2048x128xf32>
    %mul3A_45 = arith.mulf %dot_general3A_44, %get3A_1 : vector<2048x128xf32>
    %swap3A = arith.constant 0 : index
    %swap3A_46 = arith.constant 0 : index
    %swap3A_47 = vector.load %arg8[%swap3A, %swap3A_46] : memref<2048x128xf32, #tpu.memory_space<vmem>>, vector<2048x128xf32>
    tpu.vector_store %arg8[%swap3A, %swap3A_46], %mul3A_45 {strides = array<i32>} : memref<2048x128xf32, #tpu.memory_space<vmem>>, vector<2048x128xf32>,
    return
  }
  func.func @transform_0(%arg0: i32) -> (i32, i32) {
    %c0_i32 = arith.constant 0 : i32
    %c0_i32_0 = arith.constant 0 : i32
    return %arg0, %c0_i32 : i32, i32
  }
  func.func @transform_1(%arg0: i32) -> (i32, i32) {
    %c0_i32 = arith.constant 0 : i32
    %c0_i32_0 = arith.constant 0 : i32
    return %arg0, %c0_i32 : i32, i32
  }
  func.func @transform_2(%arg0: i32) -> (i32, i32) {
    %c0_i32 = arith.constant 0 : i32
    %c0_i32_0 = arith.constant 0 : i32
    return %arg0, %c0_i32 : i32, i32
  }
  func.func @transform_3(%arg0: i32) -> (i32, i32) {
    %c0_i32 = arith.constant 0 : i32
    %c0_i32_0 = arith.constant 0 : i32
    %c0_i32_1 = arith.constant 0 : i32
    return %c0_i32, %c0_i32_0 : i32, i32
  }
  func.func @transform_4(%arg0: i32) -> (i32, i32) {
    %c0_i32 = arith.constant 0 : i32
    %c0_i32_0 = arith.constant 0 : i32
    %c0_i32_1 = arith.constant 0 : i32
    return %c0_i32, %c0_i32_0 : i32, i32
  }
  func.func @transform_5(%arg0: i32) -> (i32, i32) {
    %c0_i32 = arith.constant 0 : i32
    %c0_i32_0 = arith.constant 0 : i32
    %c0_i32_1 = arith.constant 0 : i32
    return %c0_i32, %c0_i32_0 : i32, i32
  }
  func.func @transform_6(%arg0: i32) -> (i32, i32) {
    %c0_i32 = arith.constant 0 : i32
    %c0_i32_0 = arith.constant 0 : i32
    %c0_i32_1 = arith.constant 0 : i32
    return %c0_i32, %c0_i32_0 : i32, i32
  }
  func.func @transform_7(%arg0: i32) -> (i32, i32) {
    %c0_i32 = arith.constant 0 : i32
    %c0_i32_0 = arith.constant 0 : i32
    return %arg0, %c0_i32 : i32, i32
  }
}

module attributes {stable_mosaic.version = 14 : i64} {
  func.func @_final_body(%arg0: i32, %arg1: memref<1000x128xf32, #tpu.memory_space<vmem>>, %arg2: memref<1000x128xf32, #tpu.memory_space<vmem>>, %arg3: memref<1000x128xf32, #tpu.memory_space<vmem>>, %arg4: memref<8x128xf32, #tpu.memory_space<vmem>>, %arg5: memref<1x1x1000xi32, #tpu.memory_space<vmem>>, %arg6: memref<128x128xf32, #tpu.memory_space<vmem>>, %arg7: memref<8x128xf32, #tpu.memory_space<vmem>>, %arg8: memref<128x128xf32, #tpu.memory_space<vmem>>, %arg9: memref<128x128xf32, #tpu.memory_space<vmem>>, %arg10: memref<128x128xf32, #tpu.memory_space<vmem>>, %arg11: memref<128x128xf32, #tpu.memory_space<vmem>>) attributes {dimension_semantics = [#tpu.dimension_semantics<arbitrary>], iteration_bounds = array<i64: 10>, scalar_prefetch = 0 : i64, scratch_operands = 2 : i64, tpu.core_type = #tpu.core_type<tc>, window_params = [{transform_indices = @transform_0, window_bounds = array<i64: 1000, 128>}, {transform_indices = @transform_1, window_bounds = array<i64: 1000, 128>}, {transform_indices = @transform_2, window_bounds = array<i64: 1000, 128>}, {pipeline_mode = #tpu.pipeline_mode<synchronous>, transform_indices = @transform_3, window_bounds = array<i64: 8, 128>}, {transform_indices = @transform_4, window_bounds = array<i64: 1, 1, 1000>}, {pipeline_mode = #tpu.pipeline_mode<synchronous>, transform_indices = @transform_5, window_bounds = array<i64: 128, 128>}, {pipeline_mode = #tpu.pipeline_mode<synchronous>, transform_indices = @transform_6, window_bounds = array<i64: 8, 128>}, {pipeline_mode = #tpu.pipeline_mode<synchronous>, transform_indices = @transform_7, window_bounds = array<i64: 128, 128>}, {pipeline_mode = #tpu.pipeline_mode<synchronous>, transform_indices = @transform_8, window_bounds = array<i64: 128, 128>}]} {
    %eq3A = arith.constant 0 : i32
    %eq3A_0 = arith.cmpi eq, %arg0, %eq3A : i32
    %convert_element_type3A = arith.extui %eq3A_0 : i1 to i32
    %cond3A = arith.constant 0 : i32
    %cond3A_1 = arith.cmpi ne, %convert_element_type3A, %cond3A : i32
    scf.if %cond3A_1 {
      %broadcast_in_dim3A_48 = arith.constant 0.000000e+00 : f32
      %broadcast_in_dim3A_49 = vector.broadcast %broadcast_in_dim3A_48 : f32 to vector<128x128xf32>
      %swap3A_50 = arith.constant 0 : index
      %swap3A_51 = arith.constant 0 : index
      %swap3A_52 = vector.load %arg10[%swap3A_50, %swap3A_51] : memref<128x128xf32, #tpu.memory_space<vmem>>, vector<128x128xf32>
      tpu.vector_store %arg10[%swap3A_50, %swap3A_51], %broadcast_in_dim3A_49 {strides = array<i32>} : memref<128x128xf32, #tpu.memory_space<vmem>>, vector<128x128xf32>,
      %broadcast_in_dim3A_53 = arith.constant 0.000000e+00 : f32
      %broadcast_in_dim3A_54 = vector.broadcast %broadcast_in_dim3A_53 : f32 to vector<128x128xf32>
      %swap3A_55 = arith.constant 0 : index
      %swap3A_56 = arith.constant 0 : index
      %swap3A_57 = vector.load %arg11[%swap3A_55, %swap3A_56] : memref<128x128xf32, #tpu.memory_space<vmem>>, vector<128x128xf32>
      tpu.vector_store %arg11[%swap3A_55, %swap3A_56], %broadcast_in_dim3A_54 {strides = array<i32>} : memref<128x128xf32, #tpu.memory_space<vmem>>, vector<128x128xf32>,
    } else {
    }
    %get3A = arith.constant 0 : index
    %get3A_2 = arith.constant 0 : index
    %get3A_3 = vector.load %arg1[%get3A, %get3A_2] : memref<1000x128xf32, #tpu.memory_space<vmem>>, vector<1000x128xf32>
    %get3A_4 = arith.constant 0 : index
    %get3A_5 = arith.constant 0 : index
    %get3A_6 = vector.load %arg2[%get3A_4, %get3A_5] : memref<1000x128xf32, #tpu.memory_space<vmem>>, vector<1000x128xf32>
    %add3A = arith.addf %get3A_3, %get3A_6 : vector<1000x128xf32>
    %get3A_7 = arith.constant 0 : index
    %get3A_8 = arith.constant 0 : index
    %get3A_9 = vector.load %arg3[%get3A_7, %get3A_8] : memref<1000x128xf32, #tpu.memory_space<vmem>>, vector<1000x128xf32>
    %mul3A = arith.mulf %add3A, %get3A_9 : vector<1000x128xf32>
    %get3A_10 = arith.constant 0 : index
    %get3A_11 = arith.constant 0 : index
    %get3A_12 = vector.load %arg4[%get3A_10, %get3A_11] : memref<8x128xf32, #tpu.memory_space<vmem>>, vector<1x128xf32>
    %add3A_13 = vector.broadcast %get3A_12 : vector<1x128xf32> to vector<1000x128xf32>
    %add3A_14 = arith.addf %mul3A, %add3A_13 : vector<1000x128xf32>
    %iota3A = tpu.iota {dimensions = array<i32: 0>} : vector<128x1000xi32>
    %get3A_15 = arith.constant 0 : index
    %get3A_16 = arith.constant 0 : index
    %get3A_17 = arith.constant 0 : index
    %get3A_18 = vector.load %arg5[%get3A_15, %get3A_16, %get3A_17] : memref<1x1x1000xi32, #tpu.memory_space<vmem>>, vector<1x1x1000xi32>
    %get3A_19 = vector.shape_cast %get3A_18 : vector<1x1x1000xi32> to vector<1x1000xi32>
    %broadcast_in_dim3A = vector.shape_cast %get3A_19 : vector<1x1000xi32> to vector<1x1000xi32>
    %broadcast_in_dim3A_20 = vector.broadcast %broadcast_in_dim3A : vector<1x1000xi32> to vector<128x1000xi32>
    %eq3A_21 = arith.cmpi eq, %iota3A, %broadcast_in_dim3A_20 : vector<128x1000xi32>
    %jit3A = arith.constant 1.000000e+00 : f32
    %jit3A_22 = arith.constant 0.000000e+00 : f32
    %broadcast_in_dim3A_23 = vector.broadcast %jit3A : f32 to vector<128x1000xf32>
    %broadcast_in_dim3A_24 = vector.broadcast %jit3A_22 : f32 to vector<128x1000xf32>
    %select_n3A = arith.select %eq3A_21, %broadcast_in_dim3A_23, %broadcast_in_dim3A_24 : vector<128x1000xi1>, vector<128x1000xf32>
    %get3A_25 = arith.constant 0 : index
    %get3A_26 = arith.constant 0 : index
    %get3A_27 = vector.load %arg10[%get3A_25, %get3A_26] : memref<128x128xf32, #tpu.memory_space<vmem>>, vector<128x128xf32>
    %dot_general3A = arith.constant dense<0.000000e+00> : vector<128x128xf32>
    %dot_general3A_28 = tpu.matmul %select_n3A, %add3A_14, %dot_general3A {dimension_numbers = #tpu.dot_dimension_numbers<[1], [0], [0], [1], [0, 0, 1, 1], [], []>, transpose_lhs_hint = false} : vector<128x1000xf32>, vector<1000x128xf32>, vector<128x128xf32> -> vector<128x128xf32>
    %add3A_29 = arith.addf %get3A_27, %dot_general3A_28 : vector<128x128xf32>
    %swap3A = arith.constant 0 : index
    %swap3A_30 = arith.constant 0 : index
    %swap3A_31 = vector.load %arg10[%swap3A, %swap3A_30] : memref<128x128xf32, #tpu.memory_space<vmem>>, vector<128x128xf32>
    tpu.vector_store %arg10[%swap3A, %swap3A_30], %add3A_29 {strides = array<i32>} : memref<128x128xf32, #tpu.memory_space<vmem>>, vector<128x128xf32>,
    %get3A_32 = arith.constant 0 : index
    %get3A_33 = arith.constant 0 : index
    %get3A_34 = vector.load %arg11[%get3A_32, %get3A_33] : memref<128x128xf32, #tpu.memory_space<vmem>>, vector<128x128xf32>
    %reduce_sum3A = arith.constant dense<0.000000e+00> : vector<128xf32>
    %reduce_sum3A_35 = vector.multi_reduction <add>, %select_n3A, %reduce_sum3A [1] : vector<128x1000xf32> to vector<128xf32>
    %broadcast_in_dim3A_36 = vector.shape_cast %reduce_sum3A_35 : vector<128xf32> to vector<128x1xf32>
    %broadcast_in_dim3A_37 = vector.shape_cast %broadcast_in_dim3A_36 : vector<128x1xf32> to vector<128x1xf32>
    %broadcast_in_dim3A_38 = vector.broadcast %broadcast_in_dim3A_37 : vector<128x1xf32> to vector<128x128xf32>
    %add3A_39 = arith.addf %get3A_34, %broadcast_in_dim3A_38 : vector<128x128xf32>
    %swap3A_40 = arith.constant 0 : index
    %swap3A_41 = arith.constant 0 : index
    %swap3A_42 = vector.load %arg11[%swap3A_40, %swap3A_41] : memref<128x128xf32, #tpu.memory_space<vmem>>, vector<128x128xf32>
    tpu.vector_store %arg11[%swap3A_40, %swap3A_41], %add3A_39 {strides = array<i32>} : memref<128x128xf32, #tpu.memory_space<vmem>>, vector<128x128xf32>,
    %eq3A_43 = arith.constant 9 : i32
    %eq3A_44 = arith.cmpi eq, %arg0, %eq3A_43 : i32
    %convert_element_type3A_45 = arith.extui %eq3A_44 : i1 to i32
    %cond3A_46 = arith.constant 0 : i32
    %cond3A_47 = arith.cmpi ne, %convert_element_type3A_45, %cond3A_46 : i32
    scf.if %cond3A_47 {
      %get3A_48 = arith.constant 0 : index
      %get3A_49 = arith.constant 0 : index
      %get3A_50 = vector.load %arg10[%get3A_48, %get3A_49] : memref<128x128xf32, #tpu.memory_space<vmem>>, vector<128x128xf32>
      %get3A_51 = arith.constant 0 : index
      %get3A_52 = arith.constant 0 : index
      %get3A_53 = vector.load %arg11[%get3A_51, %get3A_52] : memref<128x128xf32, #tpu.memory_space<vmem>>, vector<128x128xf32>
      %max3A = arith.constant 1.000000e+00 : f32
      %max3A_54 = vector.broadcast %max3A : f32 to vector<128x128xf32>
      %max3A_55 = arith.maximumf %get3A_53, %max3A_54 : vector<128x128xf32>
      %div3A = arith.divf %get3A_50, %max3A_55 : vector<128x128xf32>
      %get3A_56 = arith.constant 0 : index
      %get3A_57 = arith.constant 0 : index
      %get3A_58 = vector.load %arg6[%get3A_56, %get3A_57] : memref<128x128xf32, #tpu.memory_space<vmem>>, vector<128x128xf32>
      %dot_general3A_59 = arith.constant dense<0.000000e+00> : vector<128x128xf32>
      %dot_general3A_60 = tpu.matmul %div3A, %get3A_58, %dot_general3A_59 {dimension_numbers = #tpu.dot_dimension_numbers<[1], [0], [0], [1], [0, 0, 1, 1], [], []>, transpose_lhs_hint = false} : vector<128x128xf32>, vector<128x128xf32>, vector<128x128xf32> -> vector<128x128xf32>
      %get3A_61 = arith.constant 0 : index
      %get3A_62 = arith.constant 0 : index
      %get3A_63 = vector.load %arg7[%get3A_61, %get3A_62] : memref<8x128xf32, #tpu.memory_space<vmem>>, vector<1x128xf32>
      %add3A_64 = vector.broadcast %get3A_63 : vector<1x128xf32> to vector<128x128xf32>
      %add3A_65 = arith.addf %dot_general3A_60, %add3A_64 : vector<128x128xf32>
      %swap3A_66 = arith.constant 0 : index
      %swap3A_67 = arith.constant 0 : index
      %swap3A_68 = vector.load %arg8[%swap3A_66, %swap3A_67] : memref<128x128xf32, #tpu.memory_space<vmem>>, vector<128x128xf32>
      tpu.vector_store %arg8[%swap3A_66, %swap3A_67], %add3A_65 {strides = array<i32>} : memref<128x128xf32, #tpu.memory_space<vmem>>, vector<128x128xf32>,
      %iota3A_69 = tpu.iota {dimensions = array<i32: 1>} : vector<128x128xi32>
      %lt3A = arith.constant 10 : i32
      %lt3A_70 = vector.broadcast %lt3A : i32 to vector<128x128xi32>
      %lt3A_71 = arith.cmpi slt, %iota3A_69, %lt3A_70 : vector<128x128xi32>
      %jit3A_72 = arith.constant -1.000000e+30 : f32
      %broadcast_in_dim3A_73 = vector.broadcast %jit3A_72 : f32 to vector<128x128xf32>
      %select_n3A_74 = arith.select %lt3A_71, %add3A_65, %broadcast_in_dim3A_73 : vector<128x128xi1>, vector<128x128xf32>
      %reduce_max3A = arith.constant dense<0xFF800000> : vector<128xf32>
      %reduce_max3A_75 = vector.multi_reduction <maximumf>, %select_n3A_74, %reduce_max3A [1] : vector<128x128xf32> to vector<128xf32>
      %broadcast_in_dim3A_76 = vector.shape_cast %reduce_max3A_75 : vector<128xf32> to vector<128x1xf32>
      %sub3A = vector.broadcast %broadcast_in_dim3A_76 : vector<128x1xf32> to vector<128x128xf32>
      %sub3A_77 = arith.subf %select_n3A_74, %sub3A : vector<128x128xf32>
      %exp3A = math.exp %sub3A_77 : vector<128x128xf32>
      %reduce_sum3A_78 = arith.constant dense<0.000000e+00> : vector<128xf32>
      %reduce_sum3A_79 = vector.multi_reduction <add>, %exp3A, %reduce_sum3A_78 [1] : vector<128x128xf32> to vector<128xf32>
      %broadcast_in_dim3A_80 = vector.shape_cast %reduce_sum3A_79 : vector<128xf32> to vector<128x1xf32>
      %log3A = math.log %broadcast_in_dim3A_80 : vector<128x1xf32>
      %add3A_81 = arith.addf %broadcast_in_dim3A_76, %log3A : vector<128x1xf32>
      %sub3A_82 = vector.broadcast %add3A_81 : vector<128x1xf32> to vector<128x128xf32>
      %sub3A_83 = arith.subf %add3A_65, %sub3A_82 : vector<128x128xf32>
      %swap3A_84 = arith.constant 0 : index
      %swap3A_85 = arith.constant 0 : index
      %swap3A_86 = vector.load %arg9[%swap3A_84, %swap3A_85] : memref<128x128xf32, #tpu.memory_space<vmem>>, vector<128x128xf32>
      tpu.vector_store %arg9[%swap3A_84, %swap3A_85], %sub3A_83 {strides = array<i32>} : memref<128x128xf32, #tpu.memory_space<vmem>>, vector<128x128xf32>,
    } else {
    }
    return
  }
  func.func @transform_0(%arg0: i32) -> (i32, i32) {
    %c0_i32 = arith.constant 0 : i32
    %c0_i32_0 = arith.constant 0 : i32
    return %arg0, %c0_i32 : i32, i32
  }
  func.func @transform_1(%arg0: i32) -> (i32, i32) {
    %c0_i32 = arith.constant 0 : i32
    %c0_i32_0 = arith.constant 0 : i32
    return %arg0, %c0_i32 : i32, i32
  }
  func.func @transform_2(%arg0: i32) -> (i32, i32) {
    %c0_i32 = arith.constant 0 : i32
    %c0_i32_0 = arith.constant 0 : i32
    return %arg0, %c0_i32 : i32, i32
  }
  func.func @transform_3(%arg0: i32) -> (i32, i32) {
    %c0_i32 = arith.constant 0 : i32
    %c0_i32_0 = arith.constant 0 : i32
    %c0_i32_1 = arith.constant 0 : i32
    return %c0_i32, %c0_i32_0 : i32, i32
  }
  func.func @transform_4(%arg0: i32) -> (i32, i32, i32) {
    %c0_i32 = arith.constant 0 : i32
    %c0_i32_0 = arith.constant 0 : i32
    %c0_i32_1 = arith.constant 0 : i32
    return %arg0, %c0_i32, %c0_i32_0 : i32, i32, i32
  }
  func.func @transform_5(%arg0: i32) -> (i32, i32) {
    %c0_i32 = arith.constant 0 : i32
    %c0_i32_0 = arith.constant 0 : i32
    %c0_i32_1 = arith.constant 0 : i32
    return %c0_i32, %c0_i32_0 : i32, i32
  }
  func.func @transform_6(%arg0: i32) -> (i32, i32) {
    %c0_i32 = arith.constant 0 : i32
    %c0_i32_0 = arith.constant 0 : i32
    %c0_i32_1 = arith.constant 0 : i32
    return %c0_i32, %c0_i32_0 : i32, i32
  }
  func.func @transform_7(%arg0: i32) -> (i32, i32) {
    %c0_i32 = arith.constant 0 : i32
    %c0_i32_0 = arith.constant 0 : i32
    %c0_i32_1 = arith.constant 0 : i32
    return %c0_i32, %c0_i32_0 : i32, i32
  }
  func.func @transform_8(%arg0: i32) -> (i32, i32) {
    %c0_i32 = arith.constant 0 : i32
    %c0_i32_0 = arith.constant 0 : i32
    %c0_i32_1 = arith.constant 0 : i32
    return %c0_i32, %c0_i32_0 : i32, i32
  }
}

</mosaic_0001>

<sc_bundles>
// kernel: gather_offload_async_start.1
scs
__scs_entry_jumppad:
0x0: {  	(pc) =	sbr.rel $0x88, $3  }
0x1: {  	(tag) =	ssettag $0x0;
	lr =	simm.s32 $0x1  }
0x2: {  	[smem:$0x3F90] =	sst lr;
	_ =	strace $0xD0000000  }
0x3: {  	_ = 	snop  }
0x4: {  	_ = 	snop  }
0x5: {  	_ = 	snop  }
0x6: {  	_ = 	snop  }
0x7: {  	_ = 	snop  }
__scs_overlays_trampoline_lowered:
0x8: {  	[smem:$0x3F9F] =	sst s0  }
0x9: {  	[smem:$0x3FA0] =	sst s1  }
0xa: {  	[smem:$0x3FA1] =	sst s2  }
0xb: {  	[smem:$0x3FA2] =	sst s3  }
0xc: {  	[smem:$0x3FA3] =	sst s4  }
0xd: {  	[smem:$0x3FA4] =	sst s5  }
0xe: {  	[smem:$0x3FA5] =	sst s6  }
0xf: {  	[smem:$0x3FA6] =	sst s7  }
0x10: {  	[smem:$0x3FA7] =	sst s8  }
0x11: {  	[smem:$0x3FA8] =	sst s9;
	s0 =	simm.s32 @!p0 $0x0  }
0x12: {  	s1 =	sld [smem:$0x3F8E];
	s0 =	simm.s32 @p0 $0x1  }
0x13: {  	[smem:$0x3FA9] =	sst s0;
	s0 =	simm.s32 @!p1 $0x0  }
0x14: {  	s2 =	sld [smem:$0x3F8D];
	s0 =	simm.s32 @p1 $0x1  }
0x15: {  	[smem:$0x3FAA] =	sst s0;
	s0 =	simm.s32 @!p2 $0x0  }
0x16: {  	s3 =	sld [smem:$0x3FDB];
	s0 =	simm.s32 @p2 $0x1  }
0x17: {  	s4 =	simm.s32 $0x1BF5;
	[smem:$0x3FAC] =	sst s0  }
0x18: {  	s0 =	sld [smem:$0x3F8F];
	_ =	swait.ge [sflag:s4], $0x0  }
0x19: {  	s7 =	sld [smem:$0x3F90]  }
0x1a: {  	s8 =	sadd.s32 $0xFFFFE003, lr  }
0x1b: {  	s9 =	sadd.s32 $0xFFFFFEF7, lr;
	s5 =	simm.s32 $0xFFFFFFFF;
	p2 =	slt.u32 s8, $0xFFFFF086  }
0x1c: {  	p1 =	slt.u32 s9, $0xF7A;
	s5 =	simm.s32 @!p2 $0x0  }
0x1d: {  	s5 =	simm.s32 @p1 $0x1;
	p0 =	seq.s32 s7, s2  }
0x1e: {  	s7 =	smul.u32 @!p0 $0xF7A, s2;
	p2 =	seq.s32 @!p0 s5, $0x0  }
0x1f: {  	s9 =	smul.u32 $0xF7A, s1;
	s8 =	simm.s32 @!p0 $0x1BF5;
	p2 =	por !p2, p0  }
0x20: {  	[sflag:s8] =	ssyncset.s32 @!p0 $0xFFFFF086;
	s6 =	sadd.s32 @!p0 s3, s7;
	s7 =	simm.s32 @!p0 $0x108  }
0x21: {  	s3 =	sadd.s32 s3, s9;
	s6 =	sadd.s32 @!p0 $0x88, s6;
	s7 =	simm.s32 @p2 $0x1082  }
0x22: {  	[simem:s7], [sflag:s8] =	dma.local @!p0 [hbm:s6], $0xF7A  }
0x23: {  	s9 =	sor.u32 $0xD0000000, s2;
	s6 =	simm.s32 $0x108;
	_ =	swait.ge @!p0 [sflag:s8], $0x0  }
0x24: {  	s3 =	sadd.s32 $0x88, s3;
	s6 =	simm.s32 @!p1 $0x1082;
	[sflag:s4] =	ssyncset.s32 $0xFFFFF086  }
0x25: {  	[simem:s6], [sflag:s4] =	dma.local [hbm:s3], $0xF7A  }
0x26: {  	[smem:$0x3F90] =	sst s1;
	(tag) =	ssettag s2;
	_ =	strace s9  }
0x27: {  	s1 =	sld [smem:$0x3FA0]  }
0x28: {  	s2 =	sld [smem:$0x3FA1]  }
0x29: {  	s4 =	sld [smem:$0x3FA3]  }
0x2a: {  	p0 =	seq.s32 s5, $0x0;
	s5 =	sld [smem:$0x3FA4]  }
0x2b: {  	s6 =	sld [smem:$0x3FA5]  }
0x2c: {  	s7 =	sld [smem:$0x3FA6]  }
0x2d: {  	s3 =	simm.s32 $0x108;
	s8 =	sld [smem:$0x3FA7]  }
0x2e: {  	s3 =	simm.s32 @!p0 $0x1082;
	s9 =	sld [smem:$0x3FA8]  }
0x2f: {  	lr =	sadd.s32 s0, s3;
	s0 =	sld [smem:$0x3F9F]  }
0x30: {  	s3 =	sld [smem:$0x3FA2]  }
0x31: {  	[smem:$0x3FAB] =	sst s10  }
0x32: {  	s10 =	sld [smem:$0x3FA9];
	_ =	sdelay $0x3  }
0x33: {  	p0 =	seq.s32 s10, $0x1;
	s10 =	sld [smem:$0x3FAB];
	_ =	sdelay $0x3  }
0x34: {  	[smem:$0x3FAB] =	sst s10  }
0x35: {  	s10 =	sld [smem:$0x3FAA];
	_ =	sdelay $0x3  }
0x36: {  	p1 =	seq.s32 s10, $0x1;
	s10 =	sld [smem:$0x3FAB];
	_ =	sdelay $0x3  }
0x37: {  	[smem:$0x3FAB] =	sst s10  }
0x38: {  	s10 =	sld [smem:$0x3FAC]  }
0x39: {  	_ = 	snop;
	(pc) =	sbr.ind lr, $3  }
0x3a: {  	_ = 	snop  }
0x3b: {  	_ = 	snop  }
0x3c: {  	p2 =	seq.s32 s10, $0x1;
	s10 =	sld [smem:$0x3FAB]  }
0x3d: {  	_ =	shalt  }
0x3e: {  	_ =	shalt  }
0x3f: {  	_ =	shalt  }
0x40: {  	_ =	shalt  }
0x41: {  	_ =	shalt  }
0x42: {  	_ =	shalt  }
0x43: {  	_ =	shalt  }
0x44: {  	_ =	shalt  }
0x45: {  	_ =	shalt  }
0x46: {  	_ =	shalt  }
0x47: {  	_ =	shalt  }
0x48: {  	_ =	shalt  }
0x49: {  	_ =	shalt  }
0x4a: {  	_ =	shalt  }
0x4b: {  	_ =	shalt  }
0x4c: {  	_ =	shalt  }
0x4d: {  	_ =	shalt  }
0x4e: {  	_ =	shalt  }
0x4f: {  	_ =	shalt  }
0x50: {  	_ =	shalt  }
0x51: {  	_ =	shalt  }
0x52: {  	_ =	shalt  }
0x53: {  	_ =	shalt  }
0x54: {  	_ =	shalt  }
0x55: {  	_ =	shalt  }
0x56: {  	_ =	shalt  }
0x57: {  	_ =	shalt  }
0x58: {  	_ =	shalt  }
0x59: {  	_ =	shalt  }
0x5a: {  	_ =	shalt  }
0x5b: {  	_ =	shalt  }
0x5c: {  	_ =	shalt  }
0x5d: {  	_ =	shalt  }
0x5e: {  	_ =	shalt  }
0x5f: {  	_ =	shalt  }
0x60: {  	_ =	shalt  }
0x61: {  	_ =	shalt  }
0x62: {  	_ =	shalt  }
0x63: {  	_ =	shalt  }
0x64: {  	_ =	shalt  }
0x65: {  	_ =	shalt  }
0x66: {  	_ =	shalt  }
0x67: {  	_ =	shalt  }
0x68: {  	_ =	shalt  }
0x69: {  	_ =	shalt  }
0x6a: {  	_ =	shalt  }
0x6b: {  	_ =	shalt  }
0x6c: {  	_ =	shalt  }
0x6d: {  	_ =	shalt  }
0x6e: {  	_ =	shalt  }
0x6f: {  	_ =	shalt  }
0x70: {  	_ =	shalt  }
0x71: {  	_ =	shalt  }
0x72: {  	_ =	shalt  }
0x73: {  	_ =	shalt  }
0x74: {  	_ =	shalt  }
0x75: {  	_ =	shalt  }
0x76: {  	_ =	shalt  }
0x77: {  	_ =	shalt  }
0x78: {  	_ =	shalt  }
0x79: {  	_ =	shalt  }
0x7a: {  	_ =	shalt  }
0x7b: {  	_ =	shalt  }
0x7c: {  	_ =	shalt  }
0x7d: {  	_ =	shalt  }
0x7e: {  	_ =	shalt  }
0x7f: {  	_ =	shalt  }
0x80: {  	_ =	shalt  }
0x81: {  	_ =	shalt  }
0x82: {  	_ =	shalt  }
0x83: {  	_ =	shalt  }
0x84: {  	_ =	shalt  }
0x85: {  	_ =	shalt  }
0x86: {  	_ =	shalt  }
0x87: {  	_ =	shalt  }
.Lfunc_end0:
.L_simem_size_0:
called_computation.1_lowered:
.L_overlay_start_0:
0x88: {  	s2 =	sld [smem:$0x3FD9]  }
0x89: {  	s3 =	sld [smem:$0x3FFE];
	_ =	sdelay $0x1  }
0x8a: {  	s1 =	srdreg.scid  }
0x8b: {  	s0 =	sand.u32 $0x1, s1  }
0x8c: {  	s16 =	sshll.u32 s0, $0xA;
	s2 =	sadd.s32 s3, s2  }
0x8d: {  	s2 =	sadd.s32 s2, s16  }
0x8e: {  	[smem:$0x3FB7] =	sst s2  }
0x8f: {  	_ = 	snop  }
0x90: {  	(tm) =	ssettm $0x1  }
0x91: {  	s17 =	sld [smem:$0x3FFB];
	_ =	sdelay $0x3  }
0x92: {  	_ =	strace s17  }
0x93: {  	s2 =	sld [smem:$0x3FFC];
	_ =	sdelay $0x3  }
0x94: {  	_ =	strace s2  }
0x95: {  	s2 =	sld [smem:$0x3FFD];
	_ =	sdelay $0x3  }
0x96: {  	_ =	strace s2  }
0x97: {  	_ =	strace $0x8FFFFFFF  }
0x98: {  	s18 =	sld [smem:$0x3FDB];
	_ =	sdelay $0x1  }
0x99: {  	s19 =	simm.s32 $_scs_section_size  }
0x9a: {  	s4 =	simm.s32 $_size__tile_overlayer_lowered;
	s5 =	simm.s32 $_tile_overlayer_lowered  }
0x9b: {  	s22 =	simm.s32 $0x1BFF;
	s21 =	sshll.u32 s5, $0x1;
	s2 =	sadd.s32 s19, s18  }
0x9c: {  	s6 =	simm.s32 $0x0;
	s20 =	sshll.u32 s4, $0x1;
	s4 =	sadd.s32 s21, s2  }
0x9d: {  	[timem:s6], [sflag:s22] =	dma.local [hbm:s4], s20  }
0x9e: {  	_ =	swait.ge [sflag:s22], s20  }
0x9f: {  	s3 =	ssub.s32 $0x0, s20;
	[sflag:s22] =	ssyncset.done $0x0  }
0xa0: {  	[sflag:s22] =	ssyncadd.s32 s3;
	_ =	sdelay $0x1  }
0xa1: {  	s23 =	simm.s32 $0x1B8B  }
0xa2: {  	_ =	swait.ge [sflag:s23], $0x1  }
0xa3: {  	[sflag:s23] =	ssyncset.done $0x0  }
0xa4: {  	s25 =	simm.s32 $0x1B8E;
	s24 =	sld [smem:$0x3FFE];
	[sflag:s23] =	ssyncadd.s32 $0xFFFFFFFF  }
0xa5: {  	s26 =	simm.s32 $execute0_lowered;
	[smem:$0x3FD2] =	sst s25  }
0xa6: {  	s4 =	sshll.u32 s26, $0x1;
	_ =	strace $0x80000046;
	[dreg:$0x1] =	wrdreg $0xFFFFFFFF  }
0xa7: {  	s28 =	simm.s32 $_size_execute0_lowered;
	s2 =	sadd.s32 s2, s4;
	[dreg:$0x0] =	wrdreg $0x0  }
0xa8: {  	s4 =	sshll.u32 s28, $0x1;
	[dreg:$0x2] =	wrdreg s2  }
0xa9: {  	[dreg:$0x3] =	wrdreg s4  }
0xaa: {  	[dreg:$0x4] =	wrdreg $0xC0  }
0xab: {  	_ =	task [dreg:s6], $0x5FFFF  }
0xac: {  	[dreg:$0x1] =	wrdreg $0xFFFFFFFF  }
0xad: {  	[dreg:$0x0] =	wrdreg $0x60  }
0xae: {  	[dreg:$0x2] =	wrdreg s24  }
0xaf: {  	[dreg:$0x3] =	wrdreg $0x9  }
0xb0: {  	_ =	task.clear_ibuf [dreg:s6], $0x4FFFF;
	_ =	strace $0x90000046  }
0xb1: {  	s29 =	simm.s32 $0x9;
	_ =	strace $0x80000048  }
0xb2: {  	_ =	swait.ge [sflag:s29], $0x1  }
0xb3: {  	[sflag:s29] =	ssyncadd.s32 $0xFFFFFFFF  }
0xb4: {  	_ =	strace $0x90000048  }
0xb5: {  	_ =	sfence  }
0xb6: {  	s30 =	sld [smem:$0x0];
	_ =	sdelay $0x2  }
0xb7: {  	s31 =	sshll.u32 s1, $0xD;
	s1 =	sshrl.u32 s1, $0x2  }
0xb8: {  	s3 =	sand.u32 $0x4000, s31;
	s1 =	sadd.s32 s1, s30  }
0xb9: {  	s0 =	sor.u32 s3, s0;
	s1 =	sshll.u32 s1, $0x11  }
0xba: {  	s0 =	sor.u32 s1, s0  }
0xbb: {  	s0 =	sadd.s32 $0x8F2B, s0  }
0xbc: {  	[sflag:s0] =	ssyncadd.remote.s32 $0x1  }
0xbd: {  	_ =	sfence.sel $0xFFFF  }
0xbe: {  	[dreg:$0x0] =	wrdreg $0xFFFFFFFF;
	(pc) =	sbr.abs _section_cstart, $3  }
0xbf: {  	[dreg:$0x1] =	wrdreg $0xFFFFFFFF  }
0xc0: {  	_ =	task.clear_ibuf [dreg:s6], $0x2FFFF;
	_ =	strace $0x9FFFFFFF  }
0xc1: {  	(tm) =	ssettm $0x7FFFFFFF  }
tec
execute0_lowered:
.L_overlay_start_1:
0x0: {  	(tag) =	ssettag $0x1  }
0x1: {  	s0 =	srdreg.scid;
	s5 =	rddreg [dreg:$0x0]  }
0x2: {  	s1 =	stileid.u32;
	s6 =	simm.s32 $0x1;
	s9 =	simm.s32 $0x1  }
0x3: {  	s10 =	simm.s32 $0x3;
	s13 =	simm.s32 $0x0;
	s2 =	sshll.u32 s0, $0xD  }
0x4: {  	s12 =	simm.s32 $0x0;
	s3 =	sshll.u32 s1, $0xE;
	s2 =	sand.u32 $0x2000, s2  }
0x5: {  	s0 =	rddreg [dreg:$0x1];
	_ =	strace $0x80000047;
	s2 =	sor.u32 s3, s2  }
0x6: {  	s4 =	sadd.s32 $0x1A400, s5;
	[sflag:s6] =	ssyncpa.u1 $0x0;
	s8 =	ssub.s32 $0x50000, s2  }
.Ltmp0:
0x7: {  	s3 =	sadd.s32 $0x10400, s5;
	s7 =	sand.u32 $0x3E000, s8;
	(pc) =	sbr.rel .LBB2_1-.Ltmp0, $4  }
0x8: {  	s5 =	sadd.s32 $0x4C400, s5;
	s11 =	smov.u32 s2;
	p0 =	sne.s32 s7, $0x0  }
0x9: {  	s8 =	sshrl.u32 s8, $0x12;
	s7 =	simm.s32 $0x2;
	s9 =	simm.s32 @!p0 $0x0  }
0xa: {  	[sflag:s7] =	ssyncpa.u1 $0x0;
	p0 =	por $0x0, $0x0;
	s8 =	sadd.s32 s9, s8  }
0xb: {  	vm0 =	vmmov $0xffff;
	[sflag:s10] =	ssyncpa.u1 $0x0;
	s10 =	simm.s32 $0x0;
	s9 =	sadd.s32 $0x1, s8  }
.LBB2_4:
0xc: {  	v2 =	vnsel vm1, $0x0, v2  }
0xd: {  	vm1 =	vgt.s32 v0, $0x0;
	v2 =	vmin.u32 v2, $0x4FFFF  }
0xe: {  	v0 =	vnsel vm1, $0x0, v0  }
0xf: {  	v0 =	vmin.u32 v0, $0x4FFFF  }
0x10: {  	[tilespmem:s15], [sflag:$0x1] =	stream.indirect_vreg.gather [hbm4b:s3+s10], $0x1, v1, vm0, $0x4038;
	[tilespmem:$0x8000] =	vst v63  }
0x11: {  	(ifvalue) =	ssetifvalue $0x7FFFFFFF  }
0x12: {  	[tilespmem:s16], [sflag:$0x1] =	stream.indirect_vreg.gather [hbm4b:s3+s10], $0x1, v2, vm0, $0x4038;
	[tilespmem:$0x8000] =	vst v63  }
0x13: {  	s29 =	sadd.s32 $0x10, s16;
	(ifvalue) =	ssetifvalue $0x7FFFFFFF  }
0x14: {  	[tilespmem:s29], [sflag:$0x1] =	stream.indirect_vreg.gather [hbm4b:s3+s10], $0x1, v0, vm0, $0x4038;
	[tilespmem:$0x8000] =	vst v63  }
0x15: {  	_ =	swait.ge [sflag:s6], $0x2000  }
0x16: {  	s30 =	sshrl.u32 s13, $0x3;
	[sflag:s6] =	ssyncset.done $0x0  }
0x17: {  	s31 =	sand.u32 $0x7, s13;
	s15 =	sadd.s32 s5, s30;
	[sflag:s6] =	ssyncadd.s32 $0xFFFFE000  }
0x18: {  	[hbm4b:s15+s31] =	stream.linear.scatter [tilespmem:s14], [sflag:$0x3], $0x2000, $0x38;
	[tilespmem:$0x8000] =	vst v63  }
.LBB2_5:
0x19: {  	s15 =	sadd.s32 $0x40000, s11  }
0x1a: {  	p2 =	sgt.s32 s15, $0x4FFFF  }
0x1b: {  	s15 =	smov.u32 @p2 s2;
	p2 =	sne.s32 s12, s9  }
.Ltmp1:
0x1c: {  	p1 =	slt.u32 s12, $0x2;
	(pc) =	sbr.rel @!p2 .LBB2_6-.Ltmp1, $4  }
0x1d: {  	s14 =	simm.s32 @!p1 $0x3  }
0x1e: {  	s16 =	sadd.s32 $0x1, s12;
	_ =	swait.ge @!p1 [sflag:s14], $0x2000  }
0x1f: {  	s13 =	smov.u32 s11;
	p0 =	por !p0, !p0;
	[sflag:s14] =	ssyncset.done @!p1 $0x0  }
0x20: {  	s12 =	smov.u32 s16;
	s11 =	smov.u32 s15;
	[sflag:s14] =	ssyncadd.s32 @!p1 $0xFFFFE000  }
.LBB2_1:
0x21: {  	p1 =	sge.u32 s12, s8  }
0x22: {  	s14 =	sxor.u32 @!p1 $0xFFFFFFFF, s12  }
0x23: {  	s31 =	sadd.s32 $0xFFFFFFFF, s12;
	s15 =	sshrl.u32 @!p1 s11, $0x3;
	s14 =	sshll.u32 @!p1 s14, $0xD  }
0x24: {  	s16 =	sand.u32 @!p1 $0x7, s11;
	s15 =	sadd.s32 @!p1 s4, s15;
	s14 =	sand.u32 @!p1 $0x2000, s14  }
0x25: {  	[tilespmem:s14], [sflag:$0x2] =	stream.linear.gather @!p1 [hbm4b:s15+s16], $0x2000, $0x38;
	[tilespmem:$0x8000] =	vst v63  }
0x26: {  	p1 =	sge.u32 s31, s8  }
.Ltmp2:
0x27: {  	_ = 	snop;
	(pc) =	sbr.rel @p1 .LBB2_5-.Ltmp2, $1  }
0x28: {  	_ =	sdelay $0x3  }
0x29: {  	s14 =	simm.s32 $0x1  }
0x2a: {  	_ =	swait.ge [sflag:s7], $0x2000;
	s14 =	simm.s32 @!p0 $0x0  }
0x2b: {  	[sflag:s7] =	ssyncset.done $0x0;
	s14 =	sshll.u32 s14, $0xD  }
0x2c: {  	[sflag:s7] =	ssyncadd.s32 $0xFFFFE000;
	(ifvalue) =	ssetifvalue $0x7FFFFFFF;
	v0 =	vld.msk [tilespmem:s14+$0x0 ss:$0x1], $0xffff;
	_ =	sdelay $0x4  }
0x2d: {  	s15 =	sadd.s32 $0x10, s14;
	vm1 =	vgt.s32 v0, $0x0  }
0x2e: {  	v2 =	vld.msk [tilespmem:s15+$0x0 ss:$0x1], $0xffff;
	v1 =	vnsel vm1, $0x0, v0  }
0x2f: {  	v1 =	vmin.u32 v1, $0x4FFFF;
	_ =	sdelay $0x1  }
0x30: {  	s16 =	sshll.u32 s12, $0xD;
	s18 =	simm.s32 $0x20  }
0x31: {  	s16 =	sand.u32 $0x2000, s16;
	s17 =	sadd.s32 $0x10, s15;
	s15 =	sor.u32 $0x4000, s14  }
0x32: {  	s14 =	sor.u32 $0x4000, s16;
	s16 =	sadd.s32 $0x10, s15;
	v0 =	vld.msk [tilespmem:s17+$0x0 ss:$0x1], $0xffff;
	vm1 =	vgt.s32 v2, $0x0;
	(ifvalue) =	ssetifvalue $0x7FFFFFFF  }
.LBB2_3:
0x33: {  	[tilespmem:s15], [sflag:$0x1] =	stream.indirect_vreg.gather [hbm4b:s3+s10], $0x1, v1, vm0, $0x4038;
	[tilespmem:$0x8000] =	vst v63  }
0x34: {  	s18 =	sadd.s32 $0x10, s18  }
0x35: {  	v2 =	vnsel vm1, $0x0, v2;
	p1 =	slt.u32 s18, $0x1FF0  }
.Ltmp3:
0x36: {  	s15 =	smov.u32 s16;
	v1 =	vmin.u32 v2, $0x4FFFF;
	(pc) =	sbr.rel @p1 .LBB2_3-.Ltmp3, $3  }
0x37: {  	_ =	sdelay $0x1  }
0x38: {  	s17 =	sadd.s32 $0x10, s17  }
0x39: {  	vm1 =	vgt.s32 v0, $0x0;
	s16 =	sadd.s32 $0x10, s16;
	v2 =	vmov v0;
	(ifvalue) =	ssetifvalue $0x7FFFFFFF;
	v0 =	vld.msk [tilespmem:s17+$0x0 ss:$0x1], $0xffff  }
.Ltmp4:
0x3a: {  	_ = 	snop;
	(pc) =	sbr.rel .LBB2_4-.Ltmp4, $1  }
0x3b: {  	_ =	sdelay $0x3  }
.LBB2_6:
0x3c: {  	_ =	sfence.sel $0x180000  }
0x3d: {  	s2 =	simm.s32 $0x2;
	[bflag:$0x0] =	sbarrier.arrive $0xFFFF  }
0x3e: {  	s30 =	simm.s32 $0x3;
	[sflag:s2] =	ssyncpa.u1 $0x1  }
0x3f: {  	s31 =	simm.s32 $0x1;
	[sflag:s30] =	ssyncpa.u1 $0x1  }
0x40: {  	[sflag:s31] =	ssyncpa.u1 $0x1  }
0x41: {  	p0 =	sne.s32 s1, $0x0;
	_ =	strace $0x90000047  }
0x42: {  	s0 =	sadd.s32 @!p0 $0x100000, s0;
	[bflag:$0x2] =	sbarrier.arrive $0xFFFF  }
0x43: {  	[sflag:s0] =	ssyncadd.tile.s32 @!p0 $0x1;
	_ =	shalt  }
.Lfunc_end2:
_tile_overlayer_lowered:
.L_overlay_start_2:
0x44: {  	(tag) =	ssettag $0x2  }
0x45: {  	s0 =	rddreg [dreg:$0x0];
	s2 =	stileid.u32  }
0x46: {  	s1 =	rddreg [dreg:$0x1];
	p0 =	sne.s32 s2, $0x0  }
0x47: {  	s3 =	rddreg [dreg:$0x2];
	[bflag:$0x3] =	sbarrier.arrive $0xFFFF;
	s2 =	simm.s32 @!p0 $0x1C01  }
0x48: {  	[timem:s3], [sflag:s2] =	dma.local @!p0 [hbm:s0], s1  }
0x49: {  	s0 =	simm.s32 @!p0 $0x1  }
0x4a: {  	_ =	swait.ge @!p0 [sflag:s0], s1  }
0x4b: {  	s1 =	ssub.s32 @!p0 $0x0, s1;
	[sflag:s0] =	ssyncset.done @!p0 $0x0  }
0x4c: {  	[sflag:s0] =	ssyncadd.s32 @!p0 s1  }
0x4d: {  	[bflag:$0x3] =	sbarrier.arrive $0xFFFF  }
0x4e: {  	_ =	shalt  }

// kernel: gather_offload_async_start
scs
__scs_entry_jumppad:
0x0: {  	(pc) =	sbr.rel $0x88, $3  }
0x1: {  	(tag) =	ssettag $0x0;
	lr =	simm.s32 $0x1  }
0x2: {  	[smem:$0x3F90] =	sst lr;
	_ =	strace $0xD0000000  }
0x3: {  	_ = 	snop  }
0x4: {  	_ = 	snop  }
0x5: {  	_ = 	snop  }
0x6: {  	_ = 	snop  }
0x7: {  	_ = 	snop  }
__scs_overlays_trampoline_lowered:
0x8: {  	[smem:$0x3F9F] =	sst s0  }
0x9: {  	[smem:$0x3FA0] =	sst s1  }
0xa: {  	[smem:$0x3FA1] =	sst s2  }
0xb: {  	[smem:$0x3FA2] =	sst s3  }
0xc: {  	[smem:$0x3FA3] =	sst s4  }
0xd: {  	[smem:$0x3FA4] =	sst s5  }
0xe: {  	[smem:$0x3FA5] =	sst s6  }
0xf: {  	[smem:$0x3FA6] =	sst s7  }
0x10: {  	[smem:$0x3FA7] =	sst s8  }
0x11: {  	[smem:$0x3FA8] =	sst s9;
	s0 =	simm.s32 @!p0 $0x0  }
0x12: {  	s1 =	sld [smem:$0x3F8E];
	s0 =	simm.s32 @p0 $0x1  }
0x13: {  	[smem:$0x3FA9] =	sst s0;
	s0 =	simm.s32 @!p1 $0x0  }
0x14: {  	s2 =	sld [smem:$0x3F8D];
	s0 =	simm.s32 @p1 $0x1  }
0x15: {  	[smem:$0x3FAA] =	sst s0;
	s0 =	simm.s32 @!p2 $0x0  }
0x16: {  	s3 =	sld [smem:$0x3FDB];
	s0 =	simm.s32 @p2 $0x1  }
0x17: {  	s4 =	simm.s32 $0x1BF5;
	[smem:$0x3FAC] =	sst s0  }
0x18: {  	s0 =	sld [smem:$0x3F8F];
	_ =	swait.ge [sflag:s4], $0x0  }
0x19: {  	s7 =	sld [smem:$0x3F90]  }
0x1a: {  	s8 =	sadd.s32 $0xFFFFE003, lr  }
0x1b: {  	s9 =	sadd.s32 $0xFFFFFEF7, lr;
	s5 =	simm.s32 $0xFFFFFFFF;
	p2 =	slt.u32 s8, $0xFFFFF086  }
0x1c: {  	p1 =	slt.u32 s9, $0xF7A;
	s5 =	simm.s32 @!p2 $0x0  }
0x1d: {  	s5 =	simm.s32 @p1 $0x1;
	p0 =	seq.s32 s7, s2  }
0x1e: {  	s7 =	smul.u32 @!p0 $0xF7A, s2;
	p2 =	seq.s32 @!p0 s5, $0x0  }
0x1f: {  	s9 =	smul.u32 $0xF7A, s1;
	s8 =	simm.s32 @!p0 $0x1BF5;
	p2 =	por !p2, p0  }
0x20: {  	[sflag:s8] =	ssyncset.s32 @!p0 $0xFFFFF086;
	s6 =	sadd.s32 @!p0 s3, s7;
	s7 =	simm.s32 @!p0 $0x108  }
0x21: {  	s3 =	sadd.s32 s3, s9;
	s6 =	sadd.s32 @!p0 $0x88, s6;
	s7 =	simm.s32 @p2 $0x1082  }
0x22: {  	[simem:s7], [sflag:s8] =	dma.local @!p0 [hbm:s6], $0xF7A  }
0x23: {  	s9 =	sor.u32 $0xD0000000, s2;
	s6 =	simm.s32 $0x108;
	_ =	swait.ge @!p0 [sflag:s8], $0x0  }
0x24: {  	s3 =	sadd.s32 $0x88, s3;
	s6 =	simm.s32 @!p1 $0x1082;
	[sflag:s4] =	ssyncset.s32 $0xFFFFF086  }
0x25: {  	[simem:s6], [sflag:s4] =	dma.local [hbm:s3], $0xF7A  }
0x26: {  	[smem:$0x3F90] =	sst s1;
	(tag) =	ssettag s2;
	_ =	strace s9  }
0x27: {  	s1 =	sld [smem:$0x3FA0]  }
0x28: {  	s2 =	sld [smem:$0x3FA1]  }
0x29: {  	s4 =	sld [smem:$0x3FA3]  }
0x2a: {  	p0 =	seq.s32 s5, $0x0;
	s5 =	sld [smem:$0x3FA4]  }
0x2b: {  	s6 =	sld [smem:$0x3FA5]  }
0x2c: {  	s7 =	sld [smem:$0x3FA6]  }
0x2d: {  	s3 =	simm.s32 $0x108;
	s8 =	sld [smem:$0x3FA7]  }
0x2e: {  	s3 =	simm.s32 @!p0 $0x1082;
	s9 =	sld [smem:$0x3FA8]  }
0x2f: {  	lr =	sadd.s32 s0, s3;
	s0 =	sld [smem:$0x3F9F]  }
0x30: {  	s3 =	sld [smem:$0x3FA2]  }
0x31: {  	[smem:$0x3FAB] =	sst s10  }
0x32: {  	s10 =	sld [smem:$0x3FA9];
	_ =	sdelay $0x3  }
0x33: {  	p0 =	seq.s32 s10, $0x1;
	s10 =	sld [smem:$0x3FAB];
	_ =	sdelay $0x3  }
0x34: {  	[smem:$0x3FAB] =	sst s10  }
0x35: {  	s10 =	sld [smem:$0x3FAA];
	_ =	sdelay $0x3  }
0x36: {  	p1 =	seq.s32 s10, $0x1;
	s10 =	sld [smem:$0x3FAB];
	_ =	sdelay $0x3  }
0x37: {  	[smem:$0x3FAB] =	sst s10  }
0x38: {  	s10 =	sld [smem:$0x3FAC]  }
0x39: {  	_ = 	snop;
	(pc) =	sbr.ind lr, $3  }
0x3a: {  	_ = 	snop  }
0x3b: {  	_ = 	snop  }
0x3c: {  	p2 =	seq.s32 s10, $0x1;
	s10 =	sld [smem:$0x3FAB]  }
0x3d: {  	_ =	shalt  }
0x3e: {  	_ =	shalt  }
0x3f: {  	_ =	shalt  }
0x40: {  	_ =	shalt  }
0x41: {  	_ =	shalt  }
0x42: {  	_ =	shalt  }
0x43: {  	_ =	shalt  }
0x44: {  	_ =	shalt  }
0x45: {  	_ =	shalt  }
0x46: {  	_ =	shalt  }
0x47: {  	_ =	shalt  }
0x48: {  	_ =	shalt  }
0x49: {  	_ =	shalt  }
0x4a: {  	_ =	shalt  }
0x4b: {  	_ =	shalt  }
0x4c: {  	_ =	shalt  }
0x4d: {  	_ =	shalt  }
0x4e: {  	_ =	shalt  }
0x4f: {  	_ =	shalt  }
0x50: {  	_ =	shalt  }
0x51: {  	_ =	shalt  }
0x52: {  	_ =	shalt  }
0x53: {  	_ =	shalt  }
0x54: {  	_ =	shalt  }
0x55: {  	_ =	shalt  }
0x56: {  	_ =	shalt  }
0x57: {  	_ =	shalt  }
0x58: {  	_ =	shalt  }
0x59: {  	_ =	shalt  }
0x5a: {  	_ =	shalt  }
0x5b: {  	_ =	shalt  }
0x5c: {  	_ =	shalt  }
0x5d: {  	_ =	shalt  }
0x5e: {  	_ =	shalt  }
0x5f: {  	_ =	shalt  }
0x60: {  	_ =	shalt  }
0x61: {  	_ =	shalt  }
0x62: {  	_ =	shalt  }
0x63: {  	_ =	shalt  }
0x64: {  	_ =	shalt  }
0x65: {  	_ =	shalt  }
0x66: {  	_ =	shalt  }
0x67: {  	_ =	shalt  }
0x68: {  	_ =	shalt  }
0x69: {  	_ =	shalt  }
0x6a: {  	_ =	shalt  }
0x6b: {  	_ =	shalt  }
0x6c: {  	_ =	shalt  }
0x6d: {  	_ =	shalt  }
0x6e: {  	_ =	shalt  }
0x6f: {  	_ =	shalt  }
0x70: {  	_ =	shalt  }
0x71: {  	_ =	shalt  }
0x72: {  	_ =	shalt  }
0x73: {  	_ =	shalt  }
0x74: {  	_ =	shalt  }
0x75: {  	_ =	shalt  }
0x76: {  	_ =	shalt  }
0x77: {  	_ =	shalt  }
0x78: {  	_ =	shalt  }
0x79: {  	_ =	shalt  }
0x7a: {  	_ =	shalt  }
0x7b: {  	_ =	shalt  }
0x7c: {  	_ =	shalt  }
0x7d: {  	_ =	shalt  }
0x7e: {  	_ =	shalt  }
0x7f: {  	_ =	shalt  }
0x80: {  	_ =	shalt  }
0x81: {  	_ =	shalt  }
0x82: {  	_ =	shalt  }
0x83: {  	_ =	shalt  }
0x84: {  	_ =	shalt  }
0x85: {  	_ =	shalt  }
0x86: {  	_ =	shalt  }
0x87: {  	_ =	shalt  }
.Lfunc_end0:
.L_simem_size_0:
called_computation_lowered:
.L_overlay_start_0:
0x88: {  	s2 =	sld [smem:$0x3FD9]  }
0x89: {  	s3 =	sld [smem:$0x3FFE];
	_ =	sdelay $0x1  }
0x8a: {  	s1 =	srdreg.scid  }
0x8b: {  	s0 =	sand.u32 $0x1, s1  }
0x8c: {  	s16 =	sshll.u32 s0, $0xA;
	s2 =	sadd.s32 s3, s2  }
0x8d: {  	s2 =	sadd.s32 s2, s16  }
0x8e: {  	[smem:$0x3FB7] =	sst s2  }
0x8f: {  	_ = 	snop  }
0x90: {  	(tm) =	ssettm $0x1  }
0x91: {  	s17 =	sld [smem:$0x3FFB];
	_ =	sdelay $0x3  }
0x92: {  	_ =	strace s17  }
0x93: {  	s2 =	sld [smem:$0x3FFC];
	_ =	sdelay $0x3  }
0x94: {  	_ =	strace s2  }
0x95: {  	s2 =	sld [smem:$0x3FFD];
	_ =	sdelay $0x3  }
0x96: {  	_ =	strace s2  }
0x97: {  	_ =	strace $0x8FFFFFFF  }
0x98: {  	s18 =	sld [smem:$0x3FDB];
	_ =	sdelay $0x1  }
0x99: {  	s19 =	simm.s32 $_scs_section_size  }
0x9a: {  	s4 =	simm.s32 $_size__tile_overlayer_lowered;
	s5 =	simm.s32 $_tile_overlayer_lowered  }
0x9b: {  	s22 =	simm.s32 $0x1BFF;
	s21 =	sshll.u32 s5, $0x1;
	s2 =	sadd.s32 s19, s18  }
0x9c: {  	s6 =	simm.s32 $0x0;
	s20 =	sshll.u32 s4, $0x1;
	s4 =	sadd.s32 s21, s2  }
0x9d: {  	[timem:s6], [sflag:s22] =	dma.local [hbm:s4], s20  }
0x9e: {  	_ =	swait.ge [sflag:s22], s20  }
0x9f: {  	s3 =	ssub.s32 $0x0, s20;
	[sflag:s22] =	ssyncset.done $0x0  }
0xa0: {  	[sflag:s22] =	ssyncadd.s32 s3;
	_ =	sdelay $0x1  }
0xa1: {  	s23 =	simm.s32 $0x1B8B  }
0xa2: {  	_ =	swait.ge [sflag:s23], $0x1  }
0xa3: {  	[sflag:s23] =	ssyncset.done $0x0  }
0xa4: {  	s25 =	simm.s32 $0x1B8E;
	s24 =	sld [smem:$0x3FFE];
	[sflag:s23] =	ssyncadd.s32 $0xFFFFFFFF  }
0xa5: {  	s26 =	simm.s32 $execute0_lowered;
	[smem:$0x3FD2] =	sst s25  }
0xa6: {  	s4 =	sshll.u32 s26, $0x1;
	_ =	strace $0x80000049;
	[dreg:$0x1] =	wrdreg $0xFFFFFFFF  }
0xa7: {  	s28 =	simm.s32 $_size_execute0_lowered;
	s2 =	sadd.s32 s2, s4;
	[dreg:$0x0] =	wrdreg $0x0  }
0xa8: {  	s4 =	sshll.u32 s28, $0x1;
	[dreg:$0x2] =	wrdreg s2  }
0xa9: {  	[dreg:$0x3] =	wrdreg s4  }
0xaa: {  	[dreg:$0x4] =	wrdreg $0xC0  }
0xab: {  	_ =	task [dreg:s6], $0x5FFFF  }
0xac: {  	[dreg:$0x1] =	wrdreg $0xFFFFFFFF  }
0xad: {  	[dreg:$0x0] =	wrdreg $0x60  }
0xae: {  	[dreg:$0x2] =	wrdreg s24  }
0xaf: {  	[dreg:$0x3] =	wrdreg $0x9  }
0xb0: {  	_ =	task.clear_ibuf [dreg:s6], $0x4FFFF;
	_ =	strace $0x90000049  }
0xb1: {  	s29 =	simm.s32 $0x9;
	_ =	strace $0x8000004B  }
0xb2: {  	_ =	swait.ge [sflag:s29], $0x1  }
0xb3: {  	[sflag:s29] =	ssyncadd.s32 $0xFFFFFFFF  }
0xb4: {  	_ =	strace $0x9000004B  }
0xb5: {  	_ =	sfence  }
0xb6: {  	s30 =	sld [smem:$0x0];
	_ =	sdelay $0x2  }
0xb7: {  	s31 =	sshll.u32 s1, $0xD;
	s1 =	sshrl.u32 s1, $0x2  }
0xb8: {  	s3 =	sand.u32 $0x4000, s31;
	s1 =	sadd.s32 s1, s30  }
0xb9: {  	s0 =	sor.u32 s3, s0;
	s1 =	sshll.u32 s1, $0x11  }
0xba: {  	s0 =	sor.u32 s1, s0  }
0xbb: {  	s0 =	sadd.s32 $0x8F2B, s0  }
0xbc: {  	[sflag:s0] =	ssyncadd.remote.s32 $0x1  }
0xbd: {  	_ =	sfence.sel $0xFFFF  }
0xbe: {  	[dreg:$0x0] =	wrdreg $0xFFFFFFFF;
	(pc) =	sbr.abs _section_cstart, $3  }
0xbf: {  	[dreg:$0x1] =	wrdreg $0xFFFFFFFF  }
0xc0: {  	_ =	task.clear_ibuf [dreg:s6], $0x2FFFF;
	_ =	strace $0x9FFFFFFF  }
0xc1: {  	(tm) =	ssettm $0x7FFFFFFF  }
tec
execute0_lowered:
.L_overlay_start_1:
0x0: {  	(tag) =	ssettag $0x1  }
0x1: {  	s0 =	srdreg.scid;
	s5 =	rddreg [dreg:$0x0]  }
0x2: {  	s1 =	stileid.u32;
	s6 =	simm.s32 $0x1;
	s9 =	simm.s32 $0x1  }
0x3: {  	s10 =	simm.s32 $0x3;
	s13 =	simm.s32 $0x0;
	s2 =	sshll.u32 s0, $0xD  }
0x4: {  	s12 =	simm.s32 $0x0;
	s3 =	sshll.u32 s1, $0xE;
	s2 =	sand.u32 $0x2000, s2  }
0x5: {  	s0 =	rddreg [dreg:$0x1];
	_ =	strace $0x8000004A;
	s2 =	sor.u32 s3, s2  }
0x6: {  	s4 =	sadd.s32 $0x1A400, s5;
	[sflag:s6] =	ssyncpa.u1 $0x0;
	s8 =	ssub.s32 $0x50000, s2  }
.Ltmp0:
0x7: {  	s3 =	sadd.s32 $0x56400, s5;
	s7 =	sand.u32 $0x3E000, s8;
	(pc) =	sbr.rel .LBB2_1-.Ltmp0, $4  }
0x8: {  	s5 =	sadd.s32 $0x6600, s5;
	s11 =	smov.u32 s2;
	p0 =	sne.s32 s7, $0x0  }
0x9: {  	s8 =	sshrl.u32 s8, $0x12;
	s7 =	simm.s32 $0x2;
	s9 =	simm.s32 @!p0 $0x0  }
0xa: {  	[sflag:s7] =	ssyncpa.u1 $0x0;
	p0 =	por $0x0, $0x0;
	s8 =	sadd.s32 s9, s8  }
0xb: {  	vm0 =	vmmov $0xffff;
	[sflag:s10] =	ssyncpa.u1 $0x0;
	s10 =	simm.s32 $0x0;
	s9 =	sadd.s32 $0x1, s8  }
.LBB2_4:
0xc: {  	v2 =	vnsel vm1, $0x0, v2  }
0xd: {  	vm1 =	vgt.s32 v0, $0x0;
	v2 =	vmin.u32 v2, $0x4FFFF  }
0xe: {  	v0 =	vnsel vm1, $0x0, v0  }
0xf: {  	v0 =	vmin.u32 v0, $0x4FFFF  }
0x10: {  	[tilespmem:s15], [sflag:$0x1] =	stream.indirect_vreg.gather [hbm4b:s3+s10], $0x1, v1, vm0, $0x4038;
	[tilespmem:$0x8000] =	vst v63  }
0x11: {  	(ifvalue) =	ssetifvalue $0x7FFFFFFF  }
0x12: {  	[tilespmem:s16], [sflag:$0x1] =	stream.indirect_vreg.gather [hbm4b:s3+s10], $0x1, v2, vm0, $0x4038;
	[tilespmem:$0x8000] =	vst v63  }
0x13: {  	s29 =	sadd.s32 $0x10, s16;
	(ifvalue) =	ssetifvalue $0x7FFFFFFF  }
0x14: {  	[tilespmem:s29], [sflag:$0x1] =	stream.indirect_vreg.gather [hbm4b:s3+s10], $0x1, v0, vm0, $0x4038;
	[tilespmem:$0x8000] =	vst v63  }
0x15: {  	_ =	swait.ge [sflag:s6], $0x2000  }
0x16: {  	s30 =	sshrl.u32 s13, $0x3;
	[sflag:s6] =	ssyncset.done $0x0  }
0x17: {  	s31 =	sand.u32 $0x7, s13;
	s15 =	sadd.s32 s5, s30;
	[sflag:s6] =	ssyncadd.s32 $0xFFFFE000  }
0x18: {  	[hbm4b:s15+s31] =	stream.linear.scatter [tilespmem:s14], [sflag:$0x3], $0x2000, $0x38;
	[tilespmem:$0x8000] =	vst v63  }
.LBB2_5:
0x19: {  	s15 =	sadd.s32 $0x40000, s11  }
0x1a: {  	p2 =	sgt.s32 s15, $0x4FFFF  }
0x1b: {  	s15 =	smov.u32 @p2 s2;
	p2 =	sne.s32 s12, s9  }
.Ltmp1:
0x1c: {  	p1 =	slt.u32 s12, $0x2;
	(pc) =	sbr.rel @!p2 .LBB2_6-.Ltmp1, $4  }
0x1d: {  	s14 =	simm.s32 @!p1 $0x3  }
0x1e: {  	s16 =	sadd.s32 $0x1, s12;
	_ =	swait.ge @!p1 [sflag:s14], $0x2000  }
0x1f: {  	s13 =	smov.u32 s11;
	p0 =	por !p0, !p0;
	[sflag:s14] =	ssyncset.done @!p1 $0x0  }
0x20: {  	s12 =	smov.u32 s16;
	s11 =	smov.u32 s15;
	[sflag:s14] =	ssyncadd.s32 @!p1 $0xFFFFE000  }
.LBB2_1:
0x21: {  	p1 =	sge.u32 s12, s8  }
0x22: {  	s14 =	sxor.u32 @!p1 $0xFFFFFFFF, s12  }
0x23: {  	s31 =	sadd.s32 $0xFFFFFFFF, s12;
	s15 =	sshrl.u32 @!p1 s11, $0x3;
	s14 =	sshll.u32 @!p1 s14, $0xD  }
0x24: {  	s16 =	sand.u32 @!p1 $0x7, s11;
	s15 =	sadd.s32 @!p1 s4, s15;
	s14 =	sand.u32 @!p1 $0x2000, s14  }
0x25: {  	[tilespmem:s14], [sflag:$0x2] =	stream.linear.gather @!p1 [hbm4b:s15+s16], $0x2000, $0x38;
	[tilespmem:$0x8000] =	vst v63  }
0x26: {  	p1 =	sge.u32 s31, s8  }
.Ltmp2:
0x27: {  	_ = 	snop;
	(pc) =	sbr.rel @p1 .LBB2_5-.Ltmp2, $1  }
0x28: {  	_ =	sdelay $0x3  }
0x29: {  	s14 =	simm.s32 $0x1  }
0x2a: {  	_ =	swait.ge [sflag:s7], $0x2000;
	s14 =	simm.s32 @!p0 $0x0  }
0x2b: {  	[sflag:s7] =	ssyncset.done $0x0;
	s14 =	sshll.u32 s14, $0xD  }
0x2c: {  	[sflag:s7] =	ssyncadd.s32 $0xFFFFE000;
	(ifvalue) =	ssetifvalue $0x7FFFFFFF;
	v0 =	vld.msk [tilespmem:s14+$0x0 ss:$0x1], $0xffff;
	_ =	sdelay $0x4  }
0x2d: {  	s15 =	sadd.s32 $0x10, s14;
	vm1 =	vgt.s32 v0, $0x0  }
0x2e: {  	v2 =	vld.msk [tilespmem:s15+$0x0 ss:$0x1], $0xffff;
	v1 =	vnsel vm1, $0x0, v0  }
0x2f: {  	v1 =	vmin.u32 v1, $0x4FFFF;
	_ =	sdelay $0x1  }
0x30: {  	s16 =	sshll.u32 s12, $0xD;
	s18 =	simm.s32 $0x20  }
0x31: {  	s16 =	sand.u32 $0x2000, s16;
	s17 =	sadd.s32 $0x10, s15;
	s15 =	sor.u32 $0x4000, s14  }
0x32: {  	s14 =	sor.u32 $0x4000, s16;
	s16 =	sadd.s32 $0x10, s15;
	v0 =	vld.msk [tilespmem:s17+$0x0 ss:$0x1], $0xffff;
	vm1 =	vgt.s32 v2, $0x0;
	(ifvalue) =	ssetifvalue $0x7FFFFFFF  }
.LBB2_3:
0x33: {  	[tilespmem:s15], [sflag:$0x1] =	stream.indirect_vreg.gather [hbm4b:s3+s10], $0x1, v1, vm0, $0x4038;
	[tilespmem:$0x8000] =	vst v63  }
0x34: {  	s18 =	sadd.s32 $0x10, s18  }
0x35: {  	v2 =	vnsel vm1, $0x0, v2;
	p1 =	slt.u32 s18, $0x1FF0  }
.Ltmp3:
0x36: {  	s15 =	smov.u32 s16;
	v1 =	vmin.u32 v2, $0x4FFFF;
	(pc) =	sbr.rel @p1 .LBB2_3-.Ltmp3, $3  }
0x37: {  	_ =	sdelay $0x1  }
0x38: {  	s17 =	sadd.s32 $0x10, s17  }
0x39: {  	vm1 =	vgt.s32 v0, $0x0;
	s16 =	sadd.s32 $0x10, s16;
	v2 =	vmov v0;
	(ifvalue) =	ssetifvalue $0x7FFFFFFF;
	v0 =	vld.msk [tilespmem:s17+$0x0 ss:$0x1], $0xffff  }
.Ltmp4:
0x3a: {  	_ = 	snop;
	(pc) =	sbr.rel .LBB2_4-.Ltmp4, $1  }
0x3b: {  	_ =	sdelay $0x3  }
.LBB2_6:
0x3c: {  	_ =	sfence.sel $0x180000  }
0x3d: {  	s2 =	simm.s32 $0x2;
	[bflag:$0x0] =	sbarrier.arrive $0xFFFF  }
0x3e: {  	s30 =	simm.s32 $0x3;
	[sflag:s2] =	ssyncpa.u1 $0x1  }
0x3f: {  	s31 =	simm.s32 $0x1;
	[sflag:s30] =	ssyncpa.u1 $0x1  }
0x40: {  	[sflag:s31] =	ssyncpa.u1 $0x1  }
0x41: {  	p0 =	sne.s32 s1, $0x0;
	_ =	strace $0x9000004A  }
0x42: {  	s0 =	sadd.s32 @!p0 $0x100000, s0;
	[bflag:$0x2] =	sbarrier.arrive $0xFFFF  }
0x43: {  	[sflag:s0] =	ssyncadd.tile.s32 @!p0 $0x1;
	_ =	shalt  }
.Lfunc_end2:
_tile_overlayer_lowered:
.L_overlay_start_2:
0x44: {  	(tag) =	ssettag $0x2  }
0x45: {  	s0 =	rddreg [dreg:$0x0];
	s2 =	stileid.u32  }
0x46: {  	s1 =	rddreg [dreg:$0x1];
	p0 =	sne.s32 s2, $0x0  }
0x47: {  	s3 =	rddreg [dreg:$0x2];
	[bflag:$0x3] =	sbarrier.arrive $0xFFFF;
	s2 =	simm.s32 @!p0 $0x1C01  }
0x48: {  	[timem:s3], [sflag:s2] =	dma.local @!p0 [hbm:s0], s1  }
0x49: {  	s0 =	simm.s32 @!p0 $0x1  }
0x4a: {  	_ =	swait.ge @!p0 [sflag:s0], s1  }
0x4b: {  	s1 =	ssub.s32 @!p0 $0x0, s1;
	[sflag:s0] =	ssyncset.done @!p0 $0x0  }
0x4c: {  	[sflag:s0] =	ssyncadd.s32 @!p0 s1  }
0x4d: {  	[bflag:$0x3] =	sbarrier.arrive $0xFFFF  }
0x4e: {  	_ =	shalt  }

// kernel: kernel.13.cloned.1.call-start
scs
__scs_entry_jumppad:
0x0: {  	(pc) =	sbr.rel $0x88, $3  }
0x1: {  	(tag) =	ssettag $0x0;
	lr =	simm.s32 $0x1  }
0x2: {  	[smem:$0x3F90] =	sst lr;
	_ =	strace $0xD0000000  }
0x3: {  	_ = 	snop  }
0x4: {  	_ = 	snop  }
0x5: {  	_ = 	snop  }
0x6: {  	_ = 	snop  }
0x7: {  	_ = 	snop  }
__scs_overlays_trampoline_lowered:
0x8: {  	[smem:$0x3F9F] =	sst s0  }
0x9: {  	[smem:$0x3FA0] =	sst s1  }
0xa: {  	[smem:$0x3FA1] =	sst s2  }
0xb: {  	[smem:$0x3FA2] =	sst s3  }
0xc: {  	[smem:$0x3FA3] =	sst s4  }
0xd: {  	[smem:$0x3FA4] =	sst s5  }
0xe: {  	[smem:$0x3FA5] =	sst s6  }
0xf: {  	[smem:$0x3FA6] =	sst s7  }
0x10: {  	[smem:$0x3FA7] =	sst s8  }
0x11: {  	[smem:$0x3FA8] =	sst s9;
	s0 =	simm.s32 @!p0 $0x0  }
0x12: {  	s1 =	sld [smem:$0x3F8E];
	s0 =	simm.s32 @p0 $0x1  }
0x13: {  	[smem:$0x3FA9] =	sst s0;
	s0 =	simm.s32 @!p1 $0x0  }
0x14: {  	s2 =	sld [smem:$0x3F8D];
	s0 =	simm.s32 @p1 $0x1  }
0x15: {  	[smem:$0x3FAA] =	sst s0;
	s0 =	simm.s32 @!p2 $0x0  }
0x16: {  	s3 =	sld [smem:$0x3FDB];
	s0 =	simm.s32 @p2 $0x1  }
0x17: {  	s4 =	simm.s32 $0x1BF5;
	[smem:$0x3FAC] =	sst s0  }
0x18: {  	s0 =	sld [smem:$0x3F8F];
	_ =	swait.ge [sflag:s4], $0x0  }
0x19: {  	s7 =	sld [smem:$0x3F90]  }
0x1a: {  	s8 =	sadd.s32 $0xFFFFE003, lr  }
0x1b: {  	s9 =	sadd.s32 $0xFFFFFEF7, lr;
	s5 =	simm.s32 $0xFFFFFFFF;
	p2 =	slt.u32 s8, $0xFFFFF086  }
0x1c: {  	p1 =	slt.u32 s9, $0xF7A;
	s5 =	simm.s32 @!p2 $0x0  }
0x1d: {  	s5 =	simm.s32 @p1 $0x1;
	p0 =	seq.s32 s7, s2  }
0x1e: {  	s7 =	smul.u32 @!p0 $0xF7A, s2;
	p2 =	seq.s32 @!p0 s5, $0x0  }
0x1f: {  	s9 =	smul.u32 $0xF7A, s1;
	s8 =	simm.s32 @!p0 $0x1BF5;
	p2 =	por !p2, p0  }
0x20: {  	[sflag:s8] =	ssyncset.s32 @!p0 $0xFFFFF086;
	s6 =	sadd.s32 @!p0 s3, s7;
	s7 =	simm.s32 @!p0 $0x108  }
0x21: {  	s3 =	sadd.s32 s3, s9;
	s6 =	sadd.s32 @!p0 $0x88, s6;
	s7 =	simm.s32 @p2 $0x1082  }
0x22: {  	[simem:s7], [sflag:s8] =	dma.local @!p0 [hbm:s6], $0xF7A  }
0x23: {  	s9 =	sor.u32 $0xD0000000, s2;
	s6 =	simm.s32 $0x108;
	_ =	swait.ge @!p0 [sflag:s8], $0x0  }
0x24: {  	s3 =	sadd.s32 $0x88, s3;
	s6 =	simm.s32 @!p1 $0x1082;
	[sflag:s4] =	ssyncset.s32 $0xFFFFF086  }
0x25: {  	[simem:s6], [sflag:s4] =	dma.local [hbm:s3], $0xF7A  }
0x26: {  	[smem:$0x3F90] =	sst s1;
	(tag) =	ssettag s2;
	_ =	strace s9  }
0x27: {  	s1 =	sld [smem:$0x3FA0]  }
0x28: {  	s2 =	sld [smem:$0x3FA1]  }
0x29: {  	s4 =	sld [smem:$0x3FA3]  }
0x2a: {  	p0 =	seq.s32 s5, $0x0;
	s5 =	sld [smem:$0x3FA4]  }
0x2b: {  	s6 =	sld [smem:$0x3FA5]  }
0x2c: {  	s7 =	sld [smem:$0x3FA6]  }
0x2d: {  	s3 =	simm.s32 $0x108;
	s8 =	sld [smem:$0x3FA7]  }
0x2e: {  	s3 =	simm.s32 @!p0 $0x1082;
	s9 =	sld [smem:$0x3FA8]  }
0x2f: {  	lr =	sadd.s32 s0, s3;
	s0 =	sld [smem:$0x3F9F]  }
0x30: {  	s3 =	sld [smem:$0x3FA2]  }
0x31: {  	[smem:$0x3FAB] =	sst s10  }
0x32: {  	s10 =	sld [smem:$0x3FA9];
	_ =	sdelay $0x3  }
0x33: {  	p0 =	seq.s32 s10, $0x1;
	s10 =	sld [smem:$0x3FAB];
	_ =	sdelay $0x3  }
0x34: {  	[smem:$0x3FAB] =	sst s10  }
0x35: {  	s10 =	sld [smem:$0x3FAA];
	_ =	sdelay $0x3  }
0x36: {  	p1 =	seq.s32 s10, $0x1;
	s10 =	sld [smem:$0x3FAB];
	_ =	sdelay $0x3  }
0x37: {  	[smem:$0x3FAB] =	sst s10  }
0x38: {  	s10 =	sld [smem:$0x3FAC]  }
0x39: {  	_ = 	snop;
	(pc) =	sbr.ind lr, $3  }
0x3a: {  	_ = 	snop  }
0x3b: {  	_ = 	snop  }
0x3c: {  	p2 =	seq.s32 s10, $0x1;
	s10 =	sld [smem:$0x3FAB]  }
0x3d: {  	_ =	shalt  }
0x3e: {  	_ =	shalt  }
0x3f: {  	_ =	shalt  }
0x40: {  	_ =	shalt  }
0x41: {  	_ =	shalt  }
0x42: {  	_ =	shalt  }
0x43: {  	_ =	shalt  }
0x44: {  	_ =	shalt  }
0x45: {  	_ =	shalt  }
0x46: {  	_ =	shalt  }
0x47: {  	_ =	shalt  }
0x48: {  	_ =	shalt  }
0x49: {  	_ =	shalt  }
0x4a: {  	_ =	shalt  }
0x4b: {  	_ =	shalt  }
0x4c: {  	_ =	shalt  }
0x4d: {  	_ =	shalt  }
0x4e: {  	_ =	shalt  }
0x4f: {  	_ =	shalt  }
0x50: {  	_ =	shalt  }
0x51: {  	_ =	shalt  }
0x52: {  	_ =	shalt  }
0x53: {  	_ =	shalt  }
0x54: {  	_ =	shalt  }
0x55: {  	_ =	shalt  }
0x56: {  	_ =	shalt  }
0x57: {  	_ =	shalt  }
0x58: {  	_ =	shalt  }
0x59: {  	_ =	shalt  }
0x5a: {  	_ =	shalt  }
0x5b: {  	_ =	shalt  }
0x5c: {  	_ =	shalt  }
0x5d: {  	_ =	shalt  }
0x5e: {  	_ =	shalt  }
0x5f: {  	_ =	shalt  }
0x60: {  	_ =	shalt  }
0x61: {  	_ =	shalt  }
0x62: {  	_ =	shalt  }
0x63: {  	_ =	shalt  }
0x64: {  	_ =	shalt  }
0x65: {  	_ =	shalt  }
0x66: {  	_ =	shalt  }
0x67: {  	_ =	shalt  }
0x68: {  	_ =	shalt  }
0x69: {  	_ =	shalt  }
0x6a: {  	_ =	shalt  }
0x6b: {  	_ =	shalt  }
0x6c: {  	_ =	shalt  }
0x6d: {  	_ =	shalt  }
0x6e: {  	_ =	shalt  }
0x6f: {  	_ =	shalt  }
0x70: {  	_ =	shalt  }
0x71: {  	_ =	shalt  }
0x72: {  	_ =	shalt  }
0x73: {  	_ =	shalt  }
0x74: {  	_ =	shalt  }
0x75: {  	_ =	shalt  }
0x76: {  	_ =	shalt  }
0x77: {  	_ =	shalt  }
0x78: {  	_ =	shalt  }
0x79: {  	_ =	shalt  }
0x7a: {  	_ =	shalt  }
0x7b: {  	_ =	shalt  }
0x7c: {  	_ =	shalt  }
0x7d: {  	_ =	shalt  }
0x7e: {  	_ =	shalt  }
0x7f: {  	_ =	shalt  }
0x80: {  	_ =	shalt  }
0x81: {  	_ =	shalt  }
0x82: {  	_ =	shalt  }
0x83: {  	_ =	shalt  }
0x84: {  	_ =	shalt  }
0x85: {  	_ =	shalt  }
0x86: {  	_ =	shalt  }
0x87: {  	_ =	shalt  }
.Lfunc_end0:
.L_simem_size_0:
called_computation.2_lowered:
.L_overlay_start_0:
0x88: {  	s2 =	sld [smem:$0x3FD9]  }
0x89: {  	s3 =	sld [smem:$0x3FFE];
	_ =	sdelay $0x1  }
0x8a: {  	s1 =	srdreg.scid  }
0x8b: {  	s0 =	sand.u32 $0x1, s1  }
0x8c: {  	s16 =	sshll.u32 s0, $0xA;
	s2 =	sadd.s32 s3, s2  }
0x8d: {  	s2 =	sadd.s32 s2, s16  }
0x8e: {  	[smem:$0x3FB7] =	sst s2  }
0x8f: {  	_ = 	snop  }
0x90: {  	(tm) =	ssettm $0x1  }
0x91: {  	s17 =	sld [smem:$0x3FFB];
	_ =	sdelay $0x3  }
0x92: {  	_ =	strace s17  }
0x93: {  	s2 =	sld [smem:$0x3FFC];
	_ =	sdelay $0x3  }
0x94: {  	_ =	strace s2  }
0x95: {  	s2 =	sld [smem:$0x3FFD];
	_ =	sdelay $0x3  }
0x96: {  	_ =	strace s2  }
0x97: {  	_ =	strace $0x8FFFFFFF  }
0x98: {  	s18 =	sld [smem:$0x3FDB];
	_ =	sdelay $0x1  }
0x99: {  	s19 =	simm.s32 $_scs_section_size  }
0x9a: {  	s4 =	simm.s32 $_size__tile_overlayer_lowered;
	s5 =	simm.s32 $_tile_overlayer_lowered  }
0x9b: {  	s22 =	simm.s32 $0x1BFF;
	s21 =	sshll.u32 s5, $0x1;
	s2 =	sadd.s32 s19, s18  }
0x9c: {  	s6 =	simm.s32 $0x0;
	s20 =	sshll.u32 s4, $0x1;
	s4 =	sadd.s32 s21, s2  }
0x9d: {  	[timem:s6], [sflag:s22] =	dma.local [hbm:s4], s20  }
0x9e: {  	_ =	swait.ge [sflag:s22], s20  }
0x9f: {  	s3 =	ssub.s32 $0x0, s20;
	[sflag:s22] =	ssyncset.done $0x0  }
0xa0: {  	[sflag:s22] =	ssyncadd.s32 s3;
	_ =	sdelay $0x1  }
0xa1: {  	s23 =	simm.s32 $0x1B8B  }
0xa2: {  	_ =	swait.ge [sflag:s23], $0x1  }
0xa3: {  	[sflag:s23] =	ssyncset.done $0x0  }
0xa4: {  	s25 =	simm.s32 $0x1B8E;
	s24 =	sld [smem:$0x3FFE];
	[sflag:s23] =	ssyncadd.s32 $0xFFFFFFFF  }
0xa5: {  	s26 =	simm.s32 $execute0_lowered;
	[smem:$0x3FD2] =	sst s25  }
0xa6: {  	s4 =	sshll.u32 s26, $0x1;
	_ =	strace $0x8000004C;
	[dreg:$0x1] =	wrdreg $0xFFFFFFFF  }
0xa7: {  	s28 =	simm.s32 $_size_execute0_lowered;
	s2 =	sadd.s32 s2, s4;
	[dreg:$0x0] =	wrdreg $0x0  }
0xa8: {  	s4 =	sshll.u32 s28, $0x1;
	[dreg:$0x2] =	wrdreg s2  }
0xa9: {  	[dreg:$0x3] =	wrdreg s4  }
0xaa: {  	[dreg:$0x4] =	wrdreg $0xC0  }
0xab: {  	_ =	task [dreg:s6], $0x5FFFF  }
0xac: {  	[dreg:$0x1] =	wrdreg $0xFFFFFFFF  }
0xad: {  	[dreg:$0x0] =	wrdreg $0x60  }
0xae: {  	[dreg:$0x2] =	wrdreg s24  }
0xaf: {  	[dreg:$0x3] =	wrdreg $0x9  }
0xb0: {  	_ =	task.clear_ibuf [dreg:s6], $0x4FFFF;
	_ =	strace $0x9000004C  }
0xb1: {  	s29 =	simm.s32 $0x9;
	_ =	strace $0x8000004E  }
0xb2: {  	_ =	swait.ge [sflag:s29], $0x1  }
0xb3: {  	[sflag:s29] =	ssyncadd.s32 $0xFFFFFFFF  }
0xb4: {  	_ =	strace $0x9000004E  }
0xb5: {  	_ =	sfence  }
0xb6: {  	s30 =	sld [smem:$0x0];
	_ =	sdelay $0x2  }
0xb7: {  	s31 =	sshll.u32 s1, $0xD;
	s1 =	sshrl.u32 s1, $0x2  }
0xb8: {  	s3 =	sand.u32 $0x4000, s31;
	s1 =	sadd.s32 s1, s30  }
0xb9: {  	s0 =	sor.u32 s3, s0;
	s1 =	sshll.u32 s1, $0x11  }
0xba: {  	s0 =	sor.u32 s1, s0  }
0xbb: {  	s0 =	sadd.s32 $0x8F2B, s0  }
0xbc: {  	[sflag:s0] =	ssyncadd.remote.s32 $0x1  }
0xbd: {  	_ =	sfence.sel $0xFFFF  }
0xbe: {  	[dreg:$0x0] =	wrdreg $0xFFFFFFFF;
	(pc) =	sbr.abs _section_cstart, $3  }
0xbf: {  	[dreg:$0x1] =	wrdreg $0xFFFFFFFF  }
0xc0: {  	_ =	task.clear_ibuf [dreg:s6], $0x2FFFF;
	_ =	strace $0x9FFFFFFF  }
0xc1: {  	(tm) =	ssettm $0x7FFFFFFF  }
tec
execute0_lowered:
.L_overlay_start_1:
0x0: {  	(tag) =	ssettag $0x1  }
0x1: {  	s1 =	srdreg.scid;
	s0 =	stileid.u32  }
0x2: {  	s4 =	rddreg [dreg:$0x0];
	s2 =	simm.s32 $0x0;
	s31 =	simm.s32 $0x80  }
0x3: {  	s12 =	simm.s32 $0x2800;
	s13 =	simm.s32 $0x6800;
	s15 =	simm.s32 $0xA800  }
0x4: {  	s14 =	simm.s32 $0x3;
	s18 =	simm.s32 $0x7;
	s19 =	simm.s32 $0x8  }
0x5: {  	s20 =	simm.s32 $0x0;
	s7 =	sand.u32 $0x1, s1;
	s8 =	smul.u32 $0xA0, s0  }
0x6: {  	s24 =	sshll.u32 s0, $0x1;
	[smem:$0x7FF] =	sst s2;
	s25 =	smul.u32 $0x50000, s0  }
0x7: {  	s5 =	sor.u32 s7, s24;
	_ =	strace $0x8000004D;
	[dreg:$0x2] =	wrdreg s31  }
0x8: {  	s9 =	ssub.s32 $0x2, s7;
	s10 =	smul.u32 $0x50, s7;
	[dreg:$0x3] =	wrdreg s12  }
0x9: {  	s28 =	smul.u32 $0x28000, s7;
	s12 =	simm.s32 $0x1;
	[dreg:$0x4] =	wrdreg s13  }
0xa: {  	s13 =	simm.s32 $0x2;
	[dreg:$0x5] =	wrdreg s15;
	s3 =	smul.u32 $0x500, s5  }
0xb: {  	s15 =	simm.s32 $0x4;
	s11 =	sshrl.u32 s9, $0x1;
	s5 =	smul.u32 $0x50, s5  }
0xc: {  	s9 =	ssub.s32 s9, s11;
	s8 =	sadd.s32 s10, s8;
	s11 =	simm.s32 $0xE800  }
0xd: {  	s6 =	sadd.s32 s3, s4;
	s3 =	sadd.s32 $0x24400, s4;
	s4 =	sadd.s32 $0x88400, s4  }
0xe: {  	s8 =	sshll.u32 s8, $0xB;
	s29 =	smax.u32 s9, $0x1;
	s26 =	sadd.s32 $0x6600, s6  }
0xf: {  	[dreg:$0x7] =	wrdreg s29;
	s8 =	sadd.s32 s8, s4;
	s30 =	sadd.s32 s25, s4  }
0x10: {  	[dreg:$0x6] =	wrdreg s26;
	s8 =	sadd.s32 $0x1800, s8;
	s9 =	sadd.s32 s28, s30  }
.LBB2_1:
0x11: {  	s0 =	rddreg [dreg:$0x6];
	s16 =	simm.s32 $0x9  }
0x12: {  	[tilespmem:s2], [sflag:$0x9] =	stream.linear.gather [hbm4b:s0+s2], $0x2800, $0x38;
	[tilespmem:$0x12800] =	vst v63  }
0x13: {  	p0 =	por $0x0, $0x0;
	_ =	swait.ge [sflag:s16], $0x2800  }
0x14: {  	p1 =	por p0, p0;
	[sflag:s16] =	ssyncset.done $0x0  }
0x15: {  	s21 =	simm.s32 @p1 $0x5;
	[sflag:s16] =	ssyncadd.s32 $0xFFFFD800  }
0x16: {  	_ =	swait.ge @p1 [sflag:s21], $0x4000  }
0x17: {  	s22 =	simm.s32 @p1 $0x2800;
	s23 =	simm.s32 @p1 $0x6;
	[sflag:s21] =	ssyncset.done @p1 $0x0  }
0x18: {  	s24 =	simm.s32 @p1 $0x80;
	[sflag:s21] =	ssyncadd.s32 @p1 $0xFFFFC000;
	s21 =	simm.s32 @p1 $0x0  }
0x19: {  	[tilespmem:s22], [sflag:$0x1] =	stream.indirect.gather @p1 [hbm4b:s3+s24], $0x80, s21, s24, $0xb8;
	[tilespmem:$0x12800] =	vst v63  }
0x1a: {  	_ =	swait.ge @p1 [sflag:s23], $0x4000  }
0x1b: {  	s21 =	simm.s32 @p1 $0x80;
	[sflag:s23] =	ssyncset.done @p1 $0x0  }
0x1c: {  	s22 =	simm.s32 @p1 $0x6800;
	[sflag:s23] =	ssyncadd.s32 @p1 $0xFFFFC000;
	s23 =	simm.s32 @p1 $0x7  }
0x1d: {  	[tilespmem:s22], [sflag:$0x2] =	stream.indirect.gather @p1 [hbm4b:s3+s24], $0x80, s21, s24, $0xb8;
	[tilespmem:$0x12800] =	vst v63  }
0x1e: {  	_ =	swait.ge @p1 [sflag:s23], $0x4000  }
0x1f: {  	s21 =	simm.s32 @p1 $0x100;
	[sflag:s23] =	ssyncset.done @p1 $0x0  }
0x20: {  	s22 =	simm.s32 @p1 $0xA800;
	[sflag:s23] =	ssyncadd.s32 @p1 $0xFFFFC000;
	s23 =	simm.s32 @p1 $0x8  }
0x21: {  	[tilespmem:s22], [sflag:$0x3] =	stream.indirect.gather @p1 [hbm4b:s3+s24], $0x80, s21, s24, $0xb8;
	[tilespmem:$0x12800] =	vst v63  }
0x22: {  	_ =	swait.ge @p1 [sflag:s23], $0x4000  }
0x23: {  	s21 =	simm.s32 @!p1 $0x2800;
	[sflag:s23] =	ssyncset.done @p1 $0x0  }
0x24: {  	s22 =	simm.s32 @!p1 $0x80;
	[sflag:s23] =	ssyncadd.s32 @p1 $0xFFFFC000;
	s23 =	simm.s32 @!p1 $0x0  }
0x25: {  	[tilespmem:s21], [sflag:$0x1] =	stream.indirect.gather @!p1 [hbm4b:s3+s22], $0x80, s23, s22, $0xb8;
	[tilespmem:$0x12800] =	vst v63  }
0x26: {  	s25 =	simm.s32 $0x180;
	s21 =	simm.s32 @!p1 $0x6800  }
0x27: {  	[tilespmem:s21], [sflag:$0x2] =	stream.indirect.gather @!p1 [hbm4b:s3+s22], $0x80, s22, s22, $0xb8;
	[tilespmem:$0x12800] =	vst v63  }
0x28: {  	s29 =	smov.u32 s8;
	s23 =	simm.s32 @!p1 $0xA800;
	s21 =	simm.s32 @!p1 $0x100  }
0x29: {  	[tilespmem:s23], [sflag:$0x3] =	stream.indirect.gather @!p1 [hbm4b:s3+s22], $0x80, s21, s22, $0xb8;
	[tilespmem:$0x12800] =	vst v63  }
0x2a: {  	s0 =	simm.s32 $0xA;
	s17 =	rddreg [dreg:$0x2];
	s23 =	simm.s32 $0x2  }
0x2b: {  	s21 =	simm.s32 $0x800;
	s22 =	simm.s32 @p0 $0x1;
	s23 =	simm.s32 @!p0 $0x2  }
0x2c: {  	[tilespmem:s11], [sflag:$0x4] =	stream.indirect.gather [hbm4b:s3+s17], $0x80, s25, s17, $0xb8;
	[tilespmem:$0x12800] =	vst v63  }
0x2d: {  	s22 =	simm.s32 @!p0 $0x1;
	p0 =	por $0x1, $0x1;
	s23 =	sadd.s32 s5, s23  }
0x2e: {  	s22 =	sadd.s32 s5, s22;
	s25 =	simm.s32 $0x6;
	_ =	swait.ge [sflag:s12], $0x4000  }
0x2f: {  	s23 =	sshll.u32 s23, $0xB;
	s22 =	sshll.u32 s22, $0xB;
	[sflag:s12] =	ssyncset.done $0x0  }
0x30: {  	s25 =	simm.s32 @!p0 $0x2;
	s26 =	rddreg [dreg:$0x3];
	[sflag:s12] =	ssyncadd.s32 $0xFFFFC000  }
0x31: {  	[hbm4b:s9+s2] =	stream.linear.scatter [tilespmem:s26], [sflag:$0x5], $0x4000, $0x38;
	[tilespmem:$0x12800] =	vst v63  }
0x32: {  	s23 =	sand.u32 $0x1FFFF000, s23;
	s22 =	sand.u32 $0x1FFFE800, s22;
	_ =	swait.ge [sflag:s13], $0x4000  }
0x33: {  	s30 =	sadd.s32 s5, s25;
	s25 =	sadd.s32 $0x2000, s9;
	[sflag:s13] =	ssyncset.done $0x0  }
0x34: {  	s22 =	sadd.s32 s4, s22;
	s28 =	rddreg [dreg:$0x4];
	[sflag:s13] =	ssyncadd.s32 $0xFFFFC000  }
0x35: {  	[hbm4b:s22+s2] =	stream.linear.scatter [tilespmem:s28], [sflag:$0x6], $0x4000, $0x38;
	[tilespmem:$0x12800] =	vst v63  }
0x36: {  	s24 =	sshll.u32 s30, $0xB;
	s23 =	sadd.s32 s4, s23;
	_ =	swait.ge [sflag:s14], $0x4000  }
0x37: {  	s26 =	simm.s32 $0x1000;
	s22 =	simm.s32 @p0 $0x5;
	[sflag:s14] =	ssyncset.done $0x0  }
0x38: {  	s22 =	simm.s32 @!p0 $0x1;
	s31 =	rddreg [dreg:$0x5];
	[sflag:s14] =	ssyncadd.s32 $0xFFFFC000  }
0x39: {  	[hbm4b:s23+s2] =	stream.linear.scatter [tilespmem:s31], [sflag:$0x7], $0x4000, $0x38;
	[tilespmem:$0x12800] =	vst v63  }
0x3a: {  	p0 =	por p0, p0;
	s22 =	sadd.s32 s5, s22;
	_ =	swait.ge [sflag:s15], $0x4000  }
0x3b: {  	s22 =	sshll.u32 s22, $0xB;
	s23 =	sand.u32 $0x1FFFF000, s24;
	[sflag:s15] =	ssyncset.done $0x0  }
0x3c: {  	s24 =	sand.u32 $0x1FFFE800, s22;
	s22 =	sadd.s32 $0x2000, s8;
	[sflag:s15] =	ssyncadd.s32 $0xFFFFC000  }
.LBB2_2:
0x3d: {  	[hbm4b:s29+s2] =	stream.linear.scatter [tilespmem:s11], [sflag:$0x8], $0x4000, $0x38;
	[tilespmem:$0x12800] =	vst v63  }
0x3e: {  	s30 =	simm.s32 @p0 $0x5  }
0x3f: {  	s31 =	smov.u32 s26;
	_ =	swait.ge @p0 [sflag:s30], $0x4000  }
0x40: {  	s6 =	simm.s32 @p0 $0x2800;
	s7 =	simm.s32 @p0 $0x6;
	[sflag:s30] =	ssyncset.done @p0 $0x0  }
0x41: {  	s10 =	simm.s32 @p0 $0x80;
	[sflag:s30] =	ssyncadd.s32 @p0 $0xFFFFC000;
	s30 =	sshra.s32 @p0 s21, $0x2  }
0x42: {  	[tilespmem:s6], [sflag:$0x1] =	stream.indirect.gather @p0 [hbm4b:s3+s10], $0x80, s30, s10, $0xb8;
	[tilespmem:$0x12800] =	vst v63  }
0x43: {  	s28 =	smov.u32 s0;
	p1 =	sne.s32 s31, $0x0;
	_ =	swait.ge @p0 [sflag:s7], $0x4000  }
0x44: {  	s17 =	simm.s32 @p0 $0x7;
	s28 =	simm.s32 @!p1 $0x2;
	[sflag:s7] =	ssyncset.done @p0 $0x0  }
0x45: {  	s6 =	sadd.s32 @p0 $0x80, s30;
	[sflag:s7] =	ssyncadd.s32 @p0 $0xFFFFC000;
	s7 =	simm.s32 @p0 $0x6800  }
0x46: {  	[tilespmem:s7], [sflag:$0x2] =	stream.indirect.gather @p0 [hbm4b:s3+s10], $0x80, s6, s10, $0xb8;
	[tilespmem:$0x12800] =	vst v63  }
0x47: {  	s28 =	sadd.s32 s5, s28;
	s16 =	sadd.s32 @p0 $0x100, s30;
	_ =	swait.ge @p0 [sflag:s17], $0x4000  }
0x48: {  	s7 =	sshll.u32 s28, $0xB;
	s6 =	simm.s32 @p0 $0xA800;
	[sflag:s17] =	ssyncset.done @p0 $0x0  }
0x49: {  	s30 =	sand.u32 $0x1FFFF000, s7;
	s7 =	simm.s32 @p0 $0x8;
	[sflag:s17] =	ssyncadd.s32 @p0 $0xFFFFC000  }
0x4a: {  	[tilespmem:s6], [sflag:$0x3] =	stream.indirect.gather @p0 [hbm4b:s3+s10], $0x80, s16, s10, $0xb8;
	[tilespmem:$0x12800] =	vst v63  }
0x4b: {  	_ =	swait.ge @p0 [sflag:s7], $0x4000  }
0x4c: {  	s6 =	simm.s32 @!p0 $0x2800;
	[sflag:s7] =	ssyncset.done @p0 $0x0  }
0x4d: {  	s10 =	simm.s32 @!p0 $0x0;
	[sflag:s7] =	ssyncadd.s32 @p0 $0xFFFFC000;
	s7 =	simm.s32 @!p0 $0x80  }
0x4e: {  	[tilespmem:s6], [sflag:$0x1] =	stream.indirect.gather @!p0 [hbm4b:s3+s7], $0x80, s10, s7, $0xb8;
	[tilespmem:$0x12800] =	vst v63  }
0x4f: {  	s6 =	simm.s32 @!p0 $0x6800  }
0x50: {  	[tilespmem:s6], [sflag:$0x2] =	stream.indirect.gather @!p0 [hbm4b:s3+s7], $0x80, s7, s7, $0xb8;
	[tilespmem:$0x12800] =	vst v63  }
0x51: {  	s28 =	sshra.s32 s21, $0x2;
	s16 =	simm.s32 @!p0 $0xA800;
	s6 =	simm.s32 @!p0 $0x100  }
0x52: {  	[tilespmem:s16], [sflag:$0x3] =	stream.indirect.gather @!p0 [hbm4b:s3+s7], $0x80, s6, s7, $0xb8;
	[tilespmem:$0x12800] =	vst v63  }
0x53: {  	s21 =	smov.u32 s31;
	s31 =	rddreg [dreg:$0x2];
	s7 =	sadd.s32 $0x180, s28  }
0x54: {  	[tilespmem:s11], [sflag:$0x4] =	stream.indirect.gather [hbm4b:s3+s31], $0x80, s7, s31, $0xb8;
	[tilespmem:$0x12800] =	vst v63  }
0x55: {  	_ =	swait.ge [sflag:s12], $0x4000  }
0x56: {  	[sflag:s12] =	ssyncset.done $0x0  }
0x57: {  	s29 =	smov.u32 s22;
	s10 =	rddreg [dreg:$0x3];
	[sflag:s12] =	ssyncadd.s32 $0xFFFFC000  }
0x58: {  	[hbm4b:s25+s2] =	stream.linear.scatter [tilespmem:s10], [sflag:$0x5], $0x4000, $0x38;
	[tilespmem:$0x12800] =	vst v63  }
0x59: {  	s26 =	sadd.s32 $0x800, s26;
	s1 =	sadd.s32 @p1 $0xFFFFFFFF, s0;
	_ =	swait.ge [sflag:s13], $0x4000  }
0x5a: {  	s22 =	sadd.s32 $0x2000, s22;
	s1 =	simm.s32 @!p1 $0x1;
	[sflag:s13] =	ssyncset.done $0x0  }
0x5b: {  	s17 =	sadd.s32 s4, s24;
	s16 =	rddreg [dreg:$0x4];
	[sflag:s13] =	ssyncadd.s32 $0xFFFFC000  }
0x5c: {  	[hbm4b:s17+s2] =	stream.linear.scatter [tilespmem:s16], [sflag:$0x6], $0x4000, $0x38;
	[tilespmem:$0x12800] =	vst v63  }
0x5d: {  	p2 =	sne.s32 s26, $0xA000;
	s1 =	sadd.s32 s5, s1;
	_ =	swait.ge [sflag:s14], $0x4000  }
0x5e: {  	s1 =	sshll.u32 s1, $0xB;
	s31 =	sadd.s32 s4, s23;
	[sflag:s14] =	ssyncset.done $0x0  }
.Ltmp0:
0x5f: {  	s28 =	rddreg [dreg:$0x5];
	[sflag:s14] =	ssyncadd.s32 $0xFFFFC000;
	(pc) =	sbr.rel @p2 .LBB2_2-.Ltmp0, $4  }
0x60: {  	[hbm4b:s31+s2] =	stream.linear.scatter [tilespmem:s28], [sflag:$0x7], $0x4000, $0x38;
	[tilespmem:$0x12800] =	vst v63  }
0x61: {  	s0 =	sadd.s32 $0x4, s0;
	s1 =	sand.u32 $0x1FFFE800, s1;
	_ =	swait.ge [sflag:s15], $0x4000  }
0x62: {  	s24 =	smov.u32 s1;
	p0 =	por p1, p1;
	[sflag:s15] =	ssyncset.done $0x0  }
0x63: {  	s23 =	smov.u32 s30;
	s25 =	sadd.s32 $0x2000, s25;
	[sflag:s15] =	ssyncadd.s32 $0xFFFFC000  }
0x64: {  	[hbm4b:s29+s2] =	stream.linear.scatter [tilespmem:s11], [sflag:$0x8], $0x4000, $0x38;
	[tilespmem:$0x12800] =	vst v63  }
0x65: {  	s0 =	simm.s32 @p0 $0x5  }
0x66: {  	_ =	swait.ge @p0 [sflag:s0], $0x4000  }
0x67: {  	s1 =	simm.s32 @p0 $0x2800;
	s6 =	simm.s32 @p0 $0x6;
	[sflag:s0] =	ssyncset.done @p0 $0x0  }
0x68: {  	s7 =	simm.s32 @p0 $0x80;
	[sflag:s0] =	ssyncadd.s32 @p0 $0xFFFFC000;
	s0 =	sshra.s32 @p0 s21, $0x2  }
0x69: {  	[tilespmem:s1], [sflag:$0x1] =	stream.indirect.gather @p0 [hbm4b:s3+s7], $0x80, s0, s7, $0xb8;
	[tilespmem:$0x12800] =	vst v63  }
0x6a: {  	_ =	swait.ge @p0 [sflag:s6], $0x4000  }
0x6b: {  	s10 =	simm.s32 @p0 $0x7;
	[sflag:s6] =	ssyncset.done @p0 $0x0  }
0x6c: {  	s1 =	sadd.s32 @p0 $0x80, s0;
	[sflag:s6] =	ssyncadd.s32 @p0 $0xFFFFC000;
	s6 =	simm.s32 @p0 $0x6800  }
0x6d: {  	[tilespmem:s6], [sflag:$0x2] =	stream.indirect.gather @p0 [hbm4b:s3+s7], $0x80, s1, s7, $0xb8;
	[tilespmem:$0x12800] =	vst v63  }
0x6e: {  	_ =	swait.ge @p0 [sflag:s10], $0x4000  }
0x6f: {  	s0 =	sadd.s32 @p0 $0x100, s0;
	[sflag:s10] =	ssyncset.done @p0 $0x0  }
0x70: {  	s1 =	simm.s32 @p0 $0xA800;
	s6 =	simm.s32 @p0 $0x8;
	[sflag:s10] =	ssyncadd.s32 @p0 $0xFFFFC000  }
0x71: {  	[tilespmem:s1], [sflag:$0x3] =	stream.indirect.gather @p0 [hbm4b:s3+s7], $0x80, s0, s7, $0xb8;
	[tilespmem:$0x12800] =	vst v63  }
0x72: {  	_ =	swait.ge @p0 [sflag:s6], $0x4000  }
0x73: {  	s0 =	simm.s32 @!p0 $0x2800;
	[sflag:s6] =	ssyncset.done @p0 $0x0  }
0x74: {  	s1 =	simm.s32 @!p0 $0x80;
	[sflag:s6] =	ssyncadd.s32 @p0 $0xFFFFC000;
	s6 =	simm.s32 @!p0 $0x0  }
0x75: {  	[tilespmem:s0], [sflag:$0x1] =	stream.indirect.gather @!p0 [hbm4b:s3+s1], $0x80, s6, s1, $0xb8;
	[tilespmem:$0x12800] =	vst v63  }
0x76: {  	s0 =	simm.s32 @!p0 $0x6800  }
0x77: {  	[tilespmem:s0], [sflag:$0x2] =	stream.indirect.gather @!p0 [hbm4b:s3+s1], $0x80, s1, s1, $0xb8;
	[tilespmem:$0x12800] =	vst v63  }
0x78: {  	s30 =	sshra.s32 s21, $0x2;
	s7 =	simm.s32 @!p0 $0xA800;
	s0 =	simm.s32 @!p0 $0x100  }
0x79: {  	[tilespmem:s7], [sflag:$0x3] =	stream.indirect.gather @!p0 [hbm4b:s3+s1], $0x80, s0, s1, $0xb8;
	[tilespmem:$0x12800] =	vst v63  }
0x7a: {  	s16 =	sadd.s32 $0x180, s30;
	s31 =	rddreg [dreg:$0x2]  }
0x7b: {  	[tilespmem:s11], [sflag:$0x4] =	stream.indirect.gather [hbm4b:s3+s31], $0x80, s16, s31, $0xb8;
	[tilespmem:$0x12800] =	vst v63  }
0x7c: {  	_ =	swait.ge [sflag:s12], $0x4000  }
0x7d: {  	[sflag:s12] =	ssyncset.done $0x0  }
0x7e: {  	s17 =	rddreg [dreg:$0x3];
	[sflag:s12] =	ssyncadd.s32 $0xFFFFC000  }
0x7f: {  	[hbm4b:s25+s2] =	stream.linear.scatter [tilespmem:s17], [sflag:$0x5], $0x4000, $0x38;
	[tilespmem:$0x12800] =	vst v63  }
0x80: {  	_ =	swait.ge [sflag:s13], $0x4000  }
0x81: {  	[sflag:s13] =	ssyncset.done $0x0  }
0x82: {  	s25 =	sadd.s32 s4, s24;
	s21 =	rddreg [dreg:$0x4];
	[sflag:s13] =	ssyncadd.s32 $0xFFFFC000  }
0x83: {  	[hbm4b:s25+s2] =	stream.linear.scatter [tilespmem:s21], [sflag:$0x6], $0x4000, $0x38;
	[tilespmem:$0x12800] =	vst v63  }
0x84: {  	_ =	swait.ge [sflag:s14], $0x4000  }
0x85: {  	[sflag:s14] =	ssyncset.done $0x0  }
0x86: {  	s28 =	sadd.s32 s4, s23;
	s26 =	rddreg [dreg:$0x5];
	[sflag:s14] =	ssyncadd.s32 $0xFFFFC000  }
0x87: {  	[hbm4b:s28+s2] =	stream.linear.scatter [tilespmem:s26], [sflag:$0x7], $0x4000, $0x38;
	[tilespmem:$0x12800] =	vst v63  }
0x88: {  	_ =	swait.ge [sflag:s15], $0x4000  }
0x89: {  	[sflag:s15] =	ssyncset.done $0x0  }
0x8a: {  	s29 =	simm.s32 $0x5;
	[sflag:s15] =	ssyncadd.s32 $0xFFFFC000  }
0x8b: {  	[hbm4b:s22+s2] =	stream.linear.scatter [tilespmem:s11], [sflag:$0x8], $0x4000, $0x38;
	[tilespmem:$0x12800] =	vst v63  }
0x8c: {  	_ =	swait.ge [sflag:s29], $0x4000  }
0x8d: {  	[sflag:s29] =	ssyncset.done $0x0  }
0x8e: {  	s30 =	simm.s32 $0x6;
	[sflag:s29] =	ssyncadd.s32 $0xFFFFC000  }
0x8f: {  	_ =	swait.ge [sflag:s30], $0x4000  }
0x90: {  	[sflag:s30] =	ssyncset.done $0x0  }
0x91: {  	[sflag:s30] =	ssyncadd.s32 $0xFFFFC000  }
0x92: {  	_ =	swait.ge [sflag:s18], $0x4000  }
0x93: {  	[sflag:s18] =	ssyncset.done $0x0  }
0x94: {  	[sflag:s18] =	ssyncadd.s32 $0xFFFFC000  }
0x95: {  	_ =	swait.ge [sflag:s19], $0x4000  }
0x96: {  	s20 =	sadd.s32 $0x1, s20;
	s31 =	rddreg [dreg:$0x7]  }
0x97: {  	p0 =	sne.s32 s20, s31  }
.Ltmp1:
0x98: {  	_ = 	snop;
	(pc) =	sbr.rel @p0 .LBB2_1-.Ltmp1, $3  }
0x99: {  	_ =	sdelay $0x1  }
0x9a: {  	[sflag:s19] =	ssyncset.done $0x0  }
0x9b: {  	[sflag:s19] =	ssyncadd.s32 $0xFFFFC000  }
0x9c: {  	_ =	sfence.sel $0x180000  }
0x9d: {  	[bflag:$0x0] =	sbarrier.arrive $0xFFFF  }
0x9e: {  	_ =	strace $0x9000004D  }
0x9f: {  	s0 =	stileid.u32;
	[bflag:$0x2] =	sbarrier.arrive $0xFFFF  }
0xa0: {  	p0 =	sne.s32 s0, $0x0;
	s0 =	rddreg [dreg:$0x1]  }
0xa1: {  	s0 =	sadd.s32 @!p0 $0x100000, s0  }
0xa2: {  	[sflag:s0] =	ssyncadd.tile.s32 @!p0 $0x1;
	_ =	shalt  }
.Lfunc_end2:
_tile_overlayer_lowered:
.L_overlay_start_2:
0xa3: {  	(tag) =	ssettag $0x2  }
0xa4: {  	s0 =	rddreg [dreg:$0x0];
	s2 =	stileid.u32  }
0xa5: {  	s1 =	rddreg [dreg:$0x1];
	p0 =	sne.s32 s2, $0x0  }
0xa6: {  	s3 =	rddreg [dreg:$0x2];
	[bflag:$0x3] =	sbarrier.arrive $0xFFFF;
	s2 =	simm.s32 @!p0 $0x1C09  }
0xa7: {  	[timem:s3], [sflag:s2] =	dma.local @!p0 [hbm:s0], s1  }
0xa8: {  	s0 =	simm.s32 @!p0 $0x9  }
0xa9: {  	_ =	swait.ge @!p0 [sflag:s0], s1  }
0xaa: {  	s1 =	ssub.s32 @!p0 $0x0, s1;
	[sflag:s0] =	ssyncset.done @!p0 $0x0  }
0xab: {  	[sflag:s0] =	ssyncadd.s32 @!p0 s1  }
0xac: {  	[bflag:$0x3] =	sbarrier.arrive $0xFFFF  }
0xad: {  	_ =	shalt  }

// kernel: kernel.16.cloned.1.call-start
scs
__scs_entry_jumppad:
0x0: {  	(pc) =	sbr.rel $0x88, $3  }
0x1: {  	(tag) =	ssettag $0x0;
	lr =	simm.s32 $0x1  }
0x2: {  	[smem:$0x3F90] =	sst lr;
	_ =	strace $0xD0000000  }
0x3: {  	_ = 	snop  }
0x4: {  	_ = 	snop  }
0x5: {  	_ = 	snop  }
0x6: {  	_ = 	snop  }
0x7: {  	_ = 	snop  }
__scs_overlays_trampoline_lowered:
0x8: {  	[smem:$0x3F9F] =	sst s0  }
0x9: {  	[smem:$0x3FA0] =	sst s1  }
0xa: {  	[smem:$0x3FA1] =	sst s2  }
0xb: {  	[smem:$0x3FA2] =	sst s3  }
0xc: {  	[smem:$0x3FA3] =	sst s4  }
0xd: {  	[smem:$0x3FA4] =	sst s5  }
0xe: {  	[smem:$0x3FA5] =	sst s6  }
0xf: {  	[smem:$0x3FA6] =	sst s7  }
0x10: {  	[smem:$0x3FA7] =	sst s8  }
0x11: {  	[smem:$0x3FA8] =	sst s9;
	s0 =	simm.s32 @!p0 $0x0  }
0x12: {  	s1 =	sld [smem:$0x3F8E];
	s0 =	simm.s32 @p0 $0x1  }
0x13: {  	[smem:$0x3FA9] =	sst s0;
	s0 =	simm.s32 @!p1 $0x0  }
0x14: {  	s2 =	sld [smem:$0x3F8D];
	s0 =	simm.s32 @p1 $0x1  }
0x15: {  	[smem:$0x3FAA] =	sst s0;
	s0 =	simm.s32 @!p2 $0x0  }
0x16: {  	s3 =	sld [smem:$0x3FDB];
	s0 =	simm.s32 @p2 $0x1  }
0x17: {  	s4 =	simm.s32 $0x1BF5;
	[smem:$0x3FAC] =	sst s0  }
0x18: {  	s0 =	sld [smem:$0x3F8F];
	_ =	swait.ge [sflag:s4], $0x0  }
0x19: {  	s7 =	sld [smem:$0x3F90]  }
0x1a: {  	s8 =	sadd.s32 $0xFFFFE003, lr  }
0x1b: {  	s9 =	sadd.s32 $0xFFFFFEF7, lr;
	s5 =	simm.s32 $0xFFFFFFFF;
	p2 =	slt.u32 s8, $0xFFFFF086  }
0x1c: {  	p1 =	slt.u32 s9, $0xF7A;
	s5 =	simm.s32 @!p2 $0x0  }
0x1d: {  	s5 =	simm.s32 @p1 $0x1;
	p0 =	seq.s32 s7, s2  }
0x1e: {  	s7 =	smul.u32 @!p0 $0xF7A, s2;
	p2 =	seq.s32 @!p0 s5, $0x0  }
0x1f: {  	s9 =	smul.u32 $0xF7A, s1;
	s8 =	simm.s32 @!p0 $0x1BF5;
	p2 =	por !p2, p0  }
0x20: {  	[sflag:s8] =	ssyncset.s32 @!p0 $0xFFFFF086;
	s6 =	sadd.s32 @!p0 s3, s7;
	s7 =	simm.s32 @!p0 $0x108  }
0x21: {  	s3 =	sadd.s32 s3, s9;
	s6 =	sadd.s32 @!p0 $0x88, s6;
	s7 =	simm.s32 @p2 $0x1082  }
0x22: {  	[simem:s7], [sflag:s8] =	dma.local @!p0 [hbm:s6], $0xF7A  }
0x23: {  	s9 =	sor.u32 $0xD0000000, s2;
	s6 =	simm.s32 $0x108;
	_ =	swait.ge @!p0 [sflag:s8], $0x0  }
0x24: {  	s3 =	sadd.s32 $0x88, s3;
	s6 =	simm.s32 @!p1 $0x1082;
	[sflag:s4] =	ssyncset.s32 $0xFFFFF086  }
0x25: {  	[simem:s6], [sflag:s4] =	dma.local [hbm:s3], $0xF7A  }
0x26: {  	[smem:$0x3F90] =	sst s1;
	(tag) =	ssettag s2;
	_ =	strace s9  }
0x27: {  	s1 =	sld [smem:$0x3FA0]  }
0x28: {  	s2 =	sld [smem:$0x3FA1]  }
0x29: {  	s4 =	sld [smem:$0x3FA3]  }
0x2a: {  	p0 =	seq.s32 s5, $0x0;
	s5 =	sld [smem:$0x3FA4]  }
0x2b: {  	s6 =	sld [smem:$0x3FA5]  }
0x2c: {  	s7 =	sld [smem:$0x3FA6]  }
0x2d: {  	s3 =	simm.s32 $0x108;
	s8 =	sld [smem:$0x3FA7]  }
0x2e: {  	s3 =	simm.s32 @!p0 $0x1082;
	s9 =	sld [smem:$0x3FA8]  }
0x2f: {  	lr =	sadd.s32 s0, s3;
	s0 =	sld [smem:$0x3F9F]  }
0x30: {  	s3 =	sld [smem:$0x3FA2]  }
0x31: {  	[smem:$0x3FAB] =	sst s10  }
0x32: {  	s10 =	sld [smem:$0x3FA9];
	_ =	sdelay $0x3  }
0x33: {  	p0 =	seq.s32 s10, $0x1;
	s10 =	sld [smem:$0x3FAB];
	_ =	sdelay $0x3  }
0x34: {  	[smem:$0x3FAB] =	sst s10  }
0x35: {  	s10 =	sld [smem:$0x3FAA];
	_ =	sdelay $0x3  }
0x36: {  	p1 =	seq.s32 s10, $0x1;
	s10 =	sld [smem:$0x3FAB];
	_ =	sdelay $0x3  }
0x37: {  	[smem:$0x3FAB] =	sst s10  }
0x38: {  	s10 =	sld [smem:$0x3FAC]  }
0x39: {  	_ = 	snop;
	(pc) =	sbr.ind lr, $3  }
0x3a: {  	_ = 	snop  }
0x3b: {  	_ = 	snop  }
0x3c: {  	p2 =	seq.s32 s10, $0x1;
	s10 =	sld [smem:$0x3FAB]  }
0x3d: {  	_ =	shalt  }
0x3e: {  	_ =	shalt  }
0x3f: {  	_ =	shalt  }
0x40: {  	_ =	shalt  }
0x41: {  	_ =	shalt  }
0x42: {  	_ =	shalt  }
0x43: {  	_ =	shalt  }
0x44: {  	_ =	shalt  }
0x45: {  	_ =	shalt  }
0x46: {  	_ =	shalt  }
0x47: {  	_ =	shalt  }
0x48: {  	_ =	shalt  }
0x49: {  	_ =	shalt  }
0x4a: {  	_ =	shalt  }
0x4b: {  	_ =	shalt  }
0x4c: {  	_ =	shalt  }
0x4d: {  	_ =	shalt  }
0x4e: {  	_ =	shalt  }
0x4f: {  	_ =	shalt  }
0x50: {  	_ =	shalt  }
0x51: {  	_ =	shalt  }
0x52: {  	_ =	shalt  }
0x53: {  	_ =	shalt  }
0x54: {  	_ =	shalt  }
0x55: {  	_ =	shalt  }
0x56: {  	_ =	shalt  }
0x57: {  	_ =	shalt  }
0x58: {  	_ =	shalt  }
0x59: {  	_ =	shalt  }
0x5a: {  	_ =	shalt  }
0x5b: {  	_ =	shalt  }
0x5c: {  	_ =	shalt  }
0x5d: {  	_ =	shalt  }
0x5e: {  	_ =	shalt  }
0x5f: {  	_ =	shalt  }
0x60: {  	_ =	shalt  }
0x61: {  	_ =	shalt  }
0x62: {  	_ =	shalt  }
0x63: {  	_ =	shalt  }
0x64: {  	_ =	shalt  }
0x65: {  	_ =	shalt  }
0x66: {  	_ =	shalt  }
0x67: {  	_ =	shalt  }
0x68: {  	_ =	shalt  }
0x69: {  	_ =	shalt  }
0x6a: {  	_ =	shalt  }
0x6b: {  	_ =	shalt  }
0x6c: {  	_ =	shalt  }
0x6d: {  	_ =	shalt  }
0x6e: {  	_ =	shalt  }
0x6f: {  	_ =	shalt  }
0x70: {  	_ =	shalt  }
0x71: {  	_ =	shalt  }
0x72: {  	_ =	shalt  }
0x73: {  	_ =	shalt  }
0x74: {  	_ =	shalt  }
0x75: {  	_ =	shalt  }
0x76: {  	_ =	shalt  }
0x77: {  	_ =	shalt  }
0x78: {  	_ =	shalt  }
0x79: {  	_ =	shalt  }
0x7a: {  	_ =	shalt  }
0x7b: {  	_ =	shalt  }
0x7c: {  	_ =	shalt  }
0x7d: {  	_ =	shalt  }
0x7e: {  	_ =	shalt  }
0x7f: {  	_ =	shalt  }
0x80: {  	_ =	shalt  }
0x81: {  	_ =	shalt  }
0x82: {  	_ =	shalt  }
0x83: {  	_ =	shalt  }
0x84: {  	_ =	shalt  }
0x85: {  	_ =	shalt  }
0x86: {  	_ =	shalt  }
0x87: {  	_ =	shalt  }
.Lfunc_end0:
.L_simem_size_0:
called_computation.3_lowered:
.L_overlay_start_0:
0x88: {  	s2 =	sld [smem:$0x3FD9]  }
0x89: {  	s3 =	sld [smem:$0x3FFE];
	_ =	sdelay $0x1  }
0x8a: {  	s1 =	srdreg.scid  }
0x8b: {  	s0 =	sand.u32 $0x1, s1  }
0x8c: {  	s16 =	sshll.u32 s0, $0xA;
	s2 =	sadd.s32 s3, s2  }
0x8d: {  	s2 =	sadd.s32 s2, s16  }
0x8e: {  	[smem:$0x3FB7] =	sst s2  }
0x8f: {  	_ = 	snop  }
0x90: {  	(tm) =	ssettm $0x1  }
0x91: {  	s17 =	sld [smem:$0x3FFB];
	_ =	sdelay $0x3  }
0x92: {  	_ =	strace s17  }
0x93: {  	s2 =	sld [smem:$0x3FFC];
	_ =	sdelay $0x3  }
0x94: {  	_ =	strace s2  }
0x95: {  	s2 =	sld [smem:$0x3FFD];
	_ =	sdelay $0x3  }
0x96: {  	_ =	strace s2  }
0x97: {  	_ =	strace $0x8FFFFFFF  }
0x98: {  	s18 =	sld [smem:$0x3FDB];
	_ =	sdelay $0x1  }
0x99: {  	s19 =	simm.s32 $_scs_section_size  }
0x9a: {  	s4 =	simm.s32 $_size__tile_overlayer_lowered;
	s5 =	simm.s32 $_tile_overlayer_lowered  }
0x9b: {  	s22 =	simm.s32 $0x1BFF;
	s21 =	sshll.u32 s5, $0x1;
	s2 =	sadd.s32 s19, s18  }
0x9c: {  	s6 =	simm.s32 $0x0;
	s20 =	sshll.u32 s4, $0x1;
	s4 =	sadd.s32 s21, s2  }
0x9d: {  	[timem:s6], [sflag:s22] =	dma.local [hbm:s4], s20  }
0x9e: {  	_ =	swait.ge [sflag:s22], s20  }
0x9f: {  	s3 =	ssub.s32 $0x0, s20;
	[sflag:s22] =	ssyncset.done $0x0  }
0xa0: {  	[sflag:s22] =	ssyncadd.s32 s3;
	_ =	sdelay $0x1  }
0xa1: {  	s23 =	simm.s32 $0x1B8B  }
0xa2: {  	_ =	swait.ge [sflag:s23], $0x1  }
0xa3: {  	[sflag:s23] =	ssyncset.done $0x0  }
0xa4: {  	s25 =	simm.s32 $0x1B8E;
	s24 =	sld [smem:$0x3FFE];
	[sflag:s23] =	ssyncadd.s32 $0xFFFFFFFF  }
0xa5: {  	s26 =	simm.s32 $execute0_lowered;
	[smem:$0x3FD2] =	sst s25  }
0xa6: {  	s4 =	sshll.u32 s26, $0x1;
	_ =	strace $0x8000004F;
	[dreg:$0x1] =	wrdreg $0xFFFFFFFF  }
0xa7: {  	s28 =	simm.s32 $_size_execute0_lowered;
	s2 =	sadd.s32 s2, s4;
	[dreg:$0x0] =	wrdreg $0x0  }
0xa8: {  	s4 =	sshll.u32 s28, $0x1;
	[dreg:$0x2] =	wrdreg s2  }
0xa9: {  	[dreg:$0x3] =	wrdreg s4  }
0xaa: {  	[dreg:$0x4] =	wrdreg $0xC0  }
0xab: {  	_ =	task [dreg:s6], $0x5FFFF  }
0xac: {  	[dreg:$0x1] =	wrdreg $0xFFFFFFFF  }
0xad: {  	[dreg:$0x0] =	wrdreg $0x60  }
0xae: {  	[dreg:$0x2] =	wrdreg s24  }
0xaf: {  	[dreg:$0x3] =	wrdreg $0x9  }
0xb0: {  	_ =	task.clear_ibuf [dreg:s6], $0x4FFFF;
	_ =	strace $0x9000004F  }
0xb1: {  	s29 =	simm.s32 $0x9;
	_ =	strace $0x80000051  }
0xb2: {  	_ =	swait.ge [sflag:s29], $0x1  }
0xb3: {  	[sflag:s29] =	ssyncadd.s32 $0xFFFFFFFF  }
0xb4: {  	_ =	strace $0x90000051  }
0xb5: {  	_ =	sfence  }
0xb6: {  	s30 =	sld [smem:$0x0];
	_ =	sdelay $0x2  }
0xb7: {  	s31 =	sshll.u32 s1, $0xD;
	s1 =	sshrl.u32 s1, $0x2  }
0xb8: {  	s3 =	sand.u32 $0x4000, s31;
	s1 =	sadd.s32 s1, s30  }
0xb9: {  	s0 =	sor.u32 s3, s0;
	s1 =	sshll.u32 s1, $0x11  }
0xba: {  	s0 =	sor.u32 s1, s0  }
0xbb: {  	s0 =	sadd.s32 $0x8F2B, s0  }
0xbc: {  	[sflag:s0] =	ssyncadd.remote.s32 $0x1  }
0xbd: {  	_ =	sfence.sel $0xFFFF  }
0xbe: {  	[dreg:$0x0] =	wrdreg $0xFFFFFFFF;
	(pc) =	sbr.abs _section_cstart, $3  }
0xbf: {  	[dreg:$0x1] =	wrdreg $0xFFFFFFFF  }
0xc0: {  	_ =	task.clear_ibuf [dreg:s6], $0x2FFFF;
	_ =	strace $0x9FFFFFFF  }
0xc1: {  	(tm) =	ssettm $0x7FFFFFFF  }
tec
execute0_lowered:
.L_overlay_start_1:
0x0: {  	(tag) =	ssettag $0x1  }
0x1: {  	s1 =	srdreg.scid;
	s0 =	stileid.u32  }
0x2: {  	s4 =	rddreg [dreg:$0x0];
	s2 =	simm.s32 $0x0;
	s31 =	simm.s32 $0x80  }
0x3: {  	s12 =	simm.s32 $0x2800;
	s13 =	simm.s32 $0x6800;
	s15 =	simm.s32 $0xA800  }
0x4: {  	s14 =	simm.s32 $0x3;
	s18 =	simm.s32 $0x7;
	s19 =	simm.s32 $0x8  }
0x5: {  	s20 =	simm.s32 $0x0;
	s7 =	sand.u32 $0x1, s1;
	s8 =	smul.u32 $0xA0, s0  }
0x6: {  	s24 =	sshll.u32 s0, $0x1;
	[smem:$0x7FF] =	sst s2;
	s25 =	smul.u32 $0x50000, s0  }
0x7: {  	s5 =	sor.u32 s7, s24;
	_ =	strace $0x80000050;
	[dreg:$0x2] =	wrdreg s31  }
0x8: {  	s9 =	ssub.s32 $0x2, s7;
	s10 =	smul.u32 $0x50, s7;
	[dreg:$0x3] =	wrdreg s12  }
0x9: {  	s28 =	smul.u32 $0x28000, s7;
	s12 =	simm.s32 $0x1;
	[dreg:$0x4] =	wrdreg s13  }
0xa: {  	s13 =	simm.s32 $0x2;
	[dreg:$0x5] =	wrdreg s15;
	s3 =	smul.u32 $0x500, s5  }
0xb: {  	s15 =	simm.s32 $0x4;
	s11 =	sshrl.u32 s9, $0x1;
	s5 =	smul.u32 $0x50, s5  }
0xc: {  	s9 =	ssub.s32 s9, s11;
	s8 =	sadd.s32 s10, s8;
	s11 =	simm.s32 $0xE800  }
0xd: {  	s6 =	sadd.s32 s3, s4;
	s3 =	sadd.s32 $0x10600, s4;
	s4 =	sadd.s32 $0x88400, s4  }
0xe: {  	s8 =	sshll.u32 s8, $0xB;
	s29 =	smax.u32 s9, $0x1;
	s26 =	sadd.s32 $0x6600, s6  }
0xf: {  	[dreg:$0x7] =	wrdreg s29;
	s8 =	sadd.s32 s8, s4;
	s30 =	sadd.s32 s25, s4  }
0x10: {  	[dreg:$0x6] =	wrdreg s26;
	s8 =	sadd.s32 $0x1800, s8;
	s9 =	sadd.s32 s28, s30  }
.LBB2_1:
0x11: {  	s0 =	rddreg [dreg:$0x6];
	s16 =	simm.s32 $0x9  }
0x12: {  	[tilespmem:s2], [sflag:$0x9] =	stream.linear.gather [hbm4b:s0+s2], $0x2800, $0x38;
	[tilespmem:$0x12800] =	vst v63  }
0x13: {  	p0 =	por $0x0, $0x0;
	_ =	swait.ge [sflag:s16], $0x2800  }
0x14: {  	p1 =	por p0, p0;
	[sflag:s16] =	ssyncset.done $0x0  }
0x15: {  	s21 =	simm.s32 @p1 $0x5;
	[sflag:s16] =	ssyncadd.s32 $0xFFFFD800  }
0x16: {  	_ =	swait.ge @p1 [sflag:s21], $0x4000  }
0x17: {  	s22 =	simm.s32 @p1 $0x2800;
	s23 =	simm.s32 @p1 $0x6;
	[sflag:s21] =	ssyncset.done @p1 $0x0  }
0x18: {  	s24 =	simm.s32 @p1 $0x80;
	[sflag:s21] =	ssyncadd.s32 @p1 $0xFFFFC000;
	s21 =	simm.s32 @p1 $0x0  }
0x19: {  	[tilespmem:s22], [sflag:$0x1] =	stream.indirect.gather @p1 [hbm4b:s3+s24], $0x80, s21, s24, $0xb8;
	[tilespmem:$0x12800] =	vst v63  }
0x1a: {  	_ =	swait.ge @p1 [sflag:s23], $0x4000  }
0x1b: {  	s21 =	simm.s32 @p1 $0x80;
	[sflag:s23] =	ssyncset.done @p1 $0x0  }
0x1c: {  	s22 =	simm.s32 @p1 $0x6800;
	[sflag:s23] =	ssyncadd.s32 @p1 $0xFFFFC000;
	s23 =	simm.s32 @p1 $0x7  }
0x1d: {  	[tilespmem:s22], [sflag:$0x2] =	stream.indirect.gather @p1 [hbm4b:s3+s24], $0x80, s21, s24, $0xb8;
	[tilespmem:$0x12800] =	vst v63  }
0x1e: {  	_ =	swait.ge @p1 [sflag:s23], $0x4000  }
0x1f: {  	s21 =	simm.s32 @p1 $0x100;
	[sflag:s23] =	ssyncset.done @p1 $0x0  }
0x20: {  	s22 =	simm.s32 @p1 $0xA800;
	[sflag:s23] =	ssyncadd.s32 @p1 $0xFFFFC000;
	s23 =	simm.s32 @p1 $0x8  }
0x21: {  	[tilespmem:s22], [sflag:$0x3] =	stream.indirect.gather @p1 [hbm4b:s3+s24], $0x80, s21, s24, $0xb8;
	[tilespmem:$0x12800] =	vst v63  }
0x22: {  	_ =	swait.ge @p1 [sflag:s23], $0x4000  }
0x23: {  	s21 =	simm.s32 @!p1 $0x2800;
	[sflag:s23] =	ssyncset.done @p1 $0x0  }
0x24: {  	s22 =	simm.s32 @!p1 $0x80;
	[sflag:s23] =	ssyncadd.s32 @p1 $0xFFFFC000;
	s23 =	simm.s32 @!p1 $0x0  }
0x25: {  	[tilespmem:s21], [sflag:$0x1] =	stream.indirect.gather @!p1 [hbm4b:s3+s22], $0x80, s23, s22, $0xb8;
	[tilespmem:$0x12800] =	vst v63  }
0x26: {  	s25 =	simm.s32 $0x180;
	s21 =	simm.s32 @!p1 $0x6800  }
0x27: {  	[tilespmem:s21], [sflag:$0x2] =	stream.indirect.gather @!p1 [hbm4b:s3+s22], $0x80, s22, s22, $0xb8;
	[tilespmem:$0x12800] =	vst v63  }
0x28: {  	s29 =	smov.u32 s8;
	s23 =	simm.s32 @!p1 $0xA800;
	s21 =	simm.s32 @!p1 $0x100  }
0x29: {  	[tilespmem:s23], [sflag:$0x3] =	stream.indirect.gather @!p1 [hbm4b:s3+s22], $0x80, s21, s22, $0xb8;
	[tilespmem:$0x12800] =	vst v63  }
0x2a: {  	s0 =	simm.s32 $0xA;
	s17 =	rddreg [dreg:$0x2];
	s23 =	simm.s32 $0x2  }
0x2b: {  	s21 =	simm.s32 $0x800;
	s22 =	simm.s32 @p0 $0x1;
	s23 =	simm.s32 @!p0 $0x2  }
0x2c: {  	[tilespmem:s11], [sflag:$0x4] =	stream.indirect.gather [hbm4b:s3+s17], $0x80, s25, s17, $0xb8;
	[tilespmem:$0x12800] =	vst v63  }
0x2d: {  	s22 =	simm.s32 @!p0 $0x1;
	p0 =	por $0x1, $0x1;
	s23 =	sadd.s32 s5, s23  }
0x2e: {  	s22 =	sadd.s32 s5, s22;
	s25 =	simm.s32 $0x6;
	_ =	swait.ge [sflag:s12], $0x4000  }
0x2f: {  	s23 =	sshll.u32 s23, $0xB;
	s22 =	sshll.u32 s22, $0xB;
	[sflag:s12] =	ssyncset.done $0x0  }
0x30: {  	s25 =	simm.s32 @!p0 $0x2;
	s26 =	rddreg [dreg:$0x3];
	[sflag:s12] =	ssyncadd.s32 $0xFFFFC000  }
0x31: {  	[hbm4b:s9+s2] =	stream.linear.scatter [tilespmem:s26], [sflag:$0x5], $0x4000, $0x38;
	[tilespmem:$0x12800] =	vst v63  }
0x32: {  	s23 =	sand.u32 $0x1FFFF000, s23;
	s22 =	sand.u32 $0x1FFFE800, s22;
	_ =	swait.ge [sflag:s13], $0x4000  }
0x33: {  	s30 =	sadd.s32 s5, s25;
	s25 =	sadd.s32 $0x2000, s9;
	[sflag:s13] =	ssyncset.done $0x0  }
0x34: {  	s22 =	sadd.s32 s4, s22;
	s28 =	rddreg [dreg:$0x4];
	[sflag:s13] =	ssyncadd.s32 $0xFFFFC000  }
0x35: {  	[hbm4b:s22+s2] =	stream.linear.scatter [tilespmem:s28], [sflag:$0x6], $0x4000, $0x38;
	[tilespmem:$0x12800] =	vst v63  }
0x36: {  	s24 =	sshll.u32 s30, $0xB;
	s23 =	sadd.s32 s4, s23;
	_ =	swait.ge [sflag:s14], $0x4000  }
0x37: {  	s26 =	simm.s32 $0x1000;
	s22 =	simm.s32 @p0 $0x5;
	[sflag:s14] =	ssyncset.done $0x0  }
0x38: {  	s22 =	simm.s32 @!p0 $0x1;
	s31 =	rddreg [dreg:$0x5];
	[sflag:s14] =	ssyncadd.s32 $0xFFFFC000  }
0x39: {  	[hbm4b:s23+s2] =	stream.linear.scatter [tilespmem:s31], [sflag:$0x7], $0x4000, $0x38;
	[tilespmem:$0x12800] =	vst v63  }
0x3a: {  	p0 =	por p0, p0;
	s22 =	sadd.s32 s5, s22;
	_ =	swait.ge [sflag:s15], $0x4000  }
0x3b: {  	s22 =	sshll.u32 s22, $0xB;
	s23 =	sand.u32 $0x1FFFF000, s24;
	[sflag:s15] =	ssyncset.done $0x0  }
0x3c: {  	s24 =	sand.u32 $0x1FFFE800, s22;
	s22 =	sadd.s32 $0x2000, s8;
	[sflag:s15] =	ssyncadd.s32 $0xFFFFC000  }
.LBB2_2:
0x3d: {  	[hbm4b:s29+s2] =	stream.linear.scatter [tilespmem:s11], [sflag:$0x8], $0x4000, $0x38;
	[tilespmem:$0x12800] =	vst v63  }
0x3e: {  	s30 =	simm.s32 @p0 $0x5  }
0x3f: {  	s31 =	smov.u32 s26;
	_ =	swait.ge @p0 [sflag:s30], $0x4000  }
0x40: {  	s6 =	simm.s32 @p0 $0x2800;
	s7 =	simm.s32 @p0 $0x6;
	[sflag:s30] =	ssyncset.done @p0 $0x0  }
0x41: {  	s10 =	simm.s32 @p0 $0x80;
	[sflag:s30] =	ssyncadd.s32 @p0 $0xFFFFC000;
	s30 =	sshra.s32 @p0 s21, $0x2  }
0x42: {  	[tilespmem:s6], [sflag:$0x1] =	stream.indirect.gather @p0 [hbm4b:s3+s10], $0x80, s30, s10, $0xb8;
	[tilespmem:$0x12800] =	vst v63  }
0x43: {  	s28 =	smov.u32 s0;
	p1 =	sne.s32 s31, $0x0;
	_ =	swait.ge @p0 [sflag:s7], $0x4000  }
0x44: {  	s17 =	simm.s32 @p0 $0x7;
	s28 =	simm.s32 @!p1 $0x2;
	[sflag:s7] =	ssyncset.done @p0 $0x0  }
0x45: {  	s6 =	sadd.s32 @p0 $0x80, s30;
	[sflag:s7] =	ssyncadd.s32 @p0 $0xFFFFC000;
	s7 =	simm.s32 @p0 $0x6800  }
0x46: {  	[tilespmem:s7], [sflag:$0x2] =	stream.indirect.gather @p0 [hbm4b:s3+s10], $0x80, s6, s10, $0xb8;
	[tilespmem:$0x12800] =	vst v63  }
0x47: {  	s28 =	sadd.s32 s5, s28;
	s16 =	sadd.s32 @p0 $0x100, s30;
	_ =	swait.ge @p0 [sflag:s17], $0x4000  }
0x48: {  	s7 =	sshll.u32 s28, $0xB;
	s6 =	simm.s32 @p0 $0xA800;
	[sflag:s17] =	ssyncset.done @p0 $0x0  }
0x49: {  	s30 =	sand.u32 $0x1FFFF000, s7;
	s7 =	simm.s32 @p0 $0x8;
	[sflag:s17] =	ssyncadd.s32 @p0 $0xFFFFC000  }
0x4a: {  	[tilespmem:s6], [sflag:$0x3] =	stream.indirect.gather @p0 [hbm4b:s3+s10], $0x80, s16, s10, $0xb8;
	[tilespmem:$0x12800] =	vst v63  }
0x4b: {  	_ =	swait.ge @p0 [sflag:s7], $0x4000  }
0x4c: {  	s6 =	simm.s32 @!p0 $0x2800;
	[sflag:s7] =	ssyncset.done @p0 $0x0  }
0x4d: {  	s10 =	simm.s32 @!p0 $0x0;
	[sflag:s7] =	ssyncadd.s32 @p0 $0xFFFFC000;
	s7 =	simm.s32 @!p0 $0x80  }
0x4e: {  	[tilespmem:s6], [sflag:$0x1] =	stream.indirect.gather @!p0 [hbm4b:s3+s7], $0x80, s10, s7, $0xb8;
	[tilespmem:$0x12800] =	vst v63  }
0x4f: {  	s6 =	simm.s32 @!p0 $0x6800  }
0x50: {  	[tilespmem:s6], [sflag:$0x2] =	stream.indirect.gather @!p0 [hbm4b:s3+s7], $0x80, s7, s7, $0xb8;
	[tilespmem:$0x12800] =	vst v63  }
0x51: {  	s28 =	sshra.s32 s21, $0x2;
	s16 =	simm.s32 @!p0 $0xA800;
	s6 =	simm.s32 @!p0 $0x100  }
0x52: {  	[tilespmem:s16], [sflag:$0x3] =	stream.indirect.gather @!p0 [hbm4b:s3+s7], $0x80, s6, s7, $0xb8;
	[tilespmem:$0x12800] =	vst v63  }
0x53: {  	s21 =	smov.u32 s31;
	s31 =	rddreg [dreg:$0x2];
	s7 =	sadd.s32 $0x180, s28  }
0x54: {  	[tilespmem:s11], [sflag:$0x4] =	stream.indirect.gather [hbm4b:s3+s31], $0x80, s7, s31, $0xb8;
	[tilespmem:$0x12800] =	vst v63  }
0x55: {  	_ =	swait.ge [sflag:s12], $0x4000  }
0x56: {  	[sflag:s12] =	ssyncset.done $0x0  }
0x57: {  	s29 =	smov.u32 s22;
	s10 =	rddreg [dreg:$0x3];
	[sflag:s12] =	ssyncadd.s32 $0xFFFFC000  }
0x58: {  	[hbm4b:s25+s2] =	stream.linear.scatter [tilespmem:s10], [sflag:$0x5], $0x4000, $0x38;
	[tilespmem:$0x12800] =	vst v63  }
0x59: {  	s26 =	sadd.s32 $0x800, s26;
	s1 =	sadd.s32 @p1 $0xFFFFFFFF, s0;
	_ =	swait.ge [sflag:s13], $0x4000  }
0x5a: {  	s22 =	sadd.s32 $0x2000, s22;
	s1 =	simm.s32 @!p1 $0x1;
	[sflag:s13] =	ssyncset.done $0x0  }
0x5b: {  	s17 =	sadd.s32 s4, s24;
	s16 =	rddreg [dreg:$0x4];
	[sflag:s13] =	ssyncadd.s32 $0xFFFFC000  }
0x5c: {  	[hbm4b:s17+s2] =	stream.linear.scatter [tilespmem:s16], [sflag:$0x6], $0x4000, $0x38;
	[tilespmem:$0x12800] =	vst v63  }
0x5d: {  	p2 =	sne.s32 s26, $0xA000;
	s1 =	sadd.s32 s5, s1;
	_ =	swait.ge [sflag:s14], $0x4000  }
0x5e: {  	s1 =	sshll.u32 s1, $0xB;
	s31 =	sadd.s32 s4, s23;
	[sflag:s14] =	ssyncset.done $0x0  }
.Ltmp0:
0x5f: {  	s28 =	rddreg [dreg:$0x5];
	[sflag:s14] =	ssyncadd.s32 $0xFFFFC000;
	(pc) =	sbr.rel @p2 .LBB2_2-.Ltmp0, $4  }
0x60: {  	[hbm4b:s31+s2] =	stream.linear.scatter [tilespmem:s28], [sflag:$0x7], $0x4000, $0x38;
	[tilespmem:$0x12800] =	vst v63  }
0x61: {  	s0 =	sadd.s32 $0x4, s0;
	s1 =	sand.u32 $0x1FFFE800, s1;
	_ =	swait.ge [sflag:s15], $0x4000  }
0x62: {  	s24 =	smov.u32 s1;
	p0 =	por p1, p1;
	[sflag:s15] =	ssyncset.done $0x0  }
0x63: {  	s23 =	smov.u32 s30;
	s25 =	sadd.s32 $0x2000, s25;
	[sflag:s15] =	ssyncadd.s32 $0xFFFFC000  }
0x64: {  	[hbm4b:s29+s2] =	stream.linear.scatter [tilespmem:s11], [sflag:$0x8], $0x4000, $0x38;
	[tilespmem:$0x12800] =	vst v63  }
0x65: {  	s0 =	simm.s32 @p0 $0x5  }
0x66: {  	_ =	swait.ge @p0 [sflag:s0], $0x4000  }
0x67: {  	s1 =	simm.s32 @p0 $0x2800;
	s6 =	simm.s32 @p0 $0x6;
	[sflag:s0] =	ssyncset.done @p0 $0x0  }
0x68: {  	s7 =	simm.s32 @p0 $0x80;
	[sflag:s0] =	ssyncadd.s32 @p0 $0xFFFFC000;
	s0 =	sshra.s32 @p0 s21, $0x2  }
0x69: {  	[tilespmem:s1], [sflag:$0x1] =	stream.indirect.gather @p0 [hbm4b:s3+s7], $0x80, s0, s7, $0xb8;
	[tilespmem:$0x12800] =	vst v63  }
0x6a: {  	_ =	swait.ge @p0 [sflag:s6], $0x4000  }
0x6b: {  	s10 =	simm.s32 @p0 $0x7;
	[sflag:s6] =	ssyncset.done @p0 $0x0  }
0x6c: {  	s1 =	sadd.s32 @p0 $0x80, s0;
	[sflag:s6] =	ssyncadd.s32 @p0 $0xFFFFC000;
	s6 =	simm.s32 @p0 $0x6800  }
0x6d: {  	[tilespmem:s6], [sflag:$0x2] =	stream.indirect.gather @p0 [hbm4b:s3+s7], $0x80, s1, s7, $0xb8;
	[tilespmem:$0x12800] =	vst v63  }
0x6e: {  	_ =	swait.ge @p0 [sflag:s10], $0x4000  }
0x6f: {  	s0 =	sadd.s32 @p0 $0x100, s0;
	[sflag:s10] =	ssyncset.done @p0 $0x0  }
0x70: {  	s1 =	simm.s32 @p0 $0xA800;
	s6 =	simm.s32 @p0 $0x8;
	[sflag:s10] =	ssyncadd.s32 @p0 $0xFFFFC000  }
0x71: {  	[tilespmem:s1], [sflag:$0x3] =	stream.indirect.gather @p0 [hbm4b:s3+s7], $0x80, s0, s7, $0xb8;
	[tilespmem:$0x12800] =	vst v63  }
0x72: {  	_ =	swait.ge @p0 [sflag:s6], $0x4000  }
0x73: {  	s0 =	simm.s32 @!p0 $0x2800;
	[sflag:s6] =	ssyncset.done @p0 $0x0  }
0x74: {  	s1 =	simm.s32 @!p0 $0x80;
	[sflag:s6] =	ssyncadd.s32 @p0 $0xFFFFC000;
	s6 =	simm.s32 @!p0 $0x0  }
0x75: {  	[tilespmem:s0], [sflag:$0x1] =	stream.indirect.gather @!p0 [hbm4b:s3+s1], $0x80, s6, s1, $0xb8;
	[tilespmem:$0x12800] =	vst v63  }
0x76: {  	s0 =	simm.s32 @!p0 $0x6800  }
0x77: {  	[tilespmem:s0], [sflag:$0x2] =	stream.indirect.gather @!p0 [hbm4b:s3+s1], $0x80, s1, s1, $0xb8;
	[tilespmem:$0x12800] =	vst v63  }
0x78: {  	s30 =	sshra.s32 s21, $0x2;
	s7 =	simm.s32 @!p0 $0xA800;
	s0 =	simm.s32 @!p0 $0x100  }
0x79: {  	[tilespmem:s7], [sflag:$0x3] =	stream.indirect.gather @!p0 [hbm4b:s3+s1], $0x80, s0, s1, $0xb8;
	[tilespmem:$0x12800] =	vst v63  }
0x7a: {  	s16 =	sadd.s32 $0x180, s30;
	s31 =	rddreg [dreg:$0x2]  }
0x7b: {  	[tilespmem:s11], [sflag:$0x4] =	stream.indirect.gather [hbm4b:s3+s31], $0x80, s16, s31, $0xb8;
	[tilespmem:$0x12800] =	vst v63  }
0x7c: {  	_ =	swait.ge [sflag:s12], $0x4000  }
0x7d: {  	[sflag:s12] =	ssyncset.done $0x0  }
0x7e: {  	s17 =	rddreg [dreg:$0x3];
	[sflag:s12] =	ssyncadd.s32 $0xFFFFC000  }
0x7f: {  	[hbm4b:s25+s2] =	stream.linear.scatter [tilespmem:s17], [sflag:$0x5], $0x4000, $0x38;
	[tilespmem:$0x12800] =	vst v63  }
0x80: {  	_ =	swait.ge [sflag:s13], $0x4000  }
0x81: {  	[sflag:s13] =	ssyncset.done $0x0  }
0x82: {  	s25 =	sadd.s32 s4, s24;
	s21 =	rddreg [dreg:$0x4];
	[sflag:s13] =	ssyncadd.s32 $0xFFFFC000  }
0x83: {  	[hbm4b:s25+s2] =	stream.linear.scatter [tilespmem:s21], [sflag:$0x6], $0x4000, $0x38;
	[tilespmem:$0x12800] =	vst v63  }
0x84: {  	_ =	swait.ge [sflag:s14], $0x4000  }
0x85: {  	[sflag:s14] =	ssyncset.done $0x0  }
0x86: {  	s28 =	sadd.s32 s4, s23;
	s26 =	rddreg [dreg:$0x5];
	[sflag:s14] =	ssyncadd.s32 $0xFFFFC000  }
0x87: {  	[hbm4b:s28+s2] =	stream.linear.scatter [tilespmem:s26], [sflag:$0x7], $0x4000, $0x38;
	[tilespmem:$0x12800] =	vst v63  }
0x88: {  	_ =	swait.ge [sflag:s15], $0x4000  }
0x89: {  	[sflag:s15] =	ssyncset.done $0x0  }
0x8a: {  	s29 =	simm.s32 $0x5;
	[sflag:s15] =	ssyncadd.s32 $0xFFFFC000  }
0x8b: {  	[hbm4b:s22+s2] =	stream.linear.scatter [tilespmem:s11], [sflag:$0x8], $0x4000, $0x38;
	[tilespmem:$0x12800] =	vst v63  }
0x8c: {  	_ =	swait.ge [sflag:s29], $0x4000  }
0x8d: {  	[sflag:s29] =	ssyncset.done $0x0  }
0x8e: {  	s30 =	simm.s32 $0x6;
	[sflag:s29] =	ssyncadd.s32 $0xFFFFC000  }
0x8f: {  	_ =	swait.ge [sflag:s30], $0x4000  }
0x90: {  	[sflag:s30] =	ssyncset.done $0x0  }
0x91: {  	[sflag:s30] =	ssyncadd.s32 $0xFFFFC000  }
0x92: {  	_ =	swait.ge [sflag:s18], $0x4000  }
0x93: {  	[sflag:s18] =	ssyncset.done $0x0  }
0x94: {  	[sflag:s18] =	ssyncadd.s32 $0xFFFFC000  }
0x95: {  	_ =	swait.ge [sflag:s19], $0x4000  }
0x96: {  	s20 =	sadd.s32 $0x1, s20;
	s31 =	rddreg [dreg:$0x7]  }
0x97: {  	p0 =	sne.s32 s20, s31  }
.Ltmp1:
0x98: {  	_ = 	snop;
	(pc) =	sbr.rel @p0 .LBB2_1-.Ltmp1, $3  }
0x99: {  	_ =	sdelay $0x1  }
0x9a: {  	[sflag:s19] =	ssyncset.done $0x0  }
0x9b: {  	[sflag:s19] =	ssyncadd.s32 $0xFFFFC000  }
0x9c: {  	_ =	sfence.sel $0x180000  }
0x9d: {  	[bflag:$0x0] =	sbarrier.arrive $0xFFFF  }
0x9e: {  	_ =	strace $0x90000050  }
0x9f: {  	s0 =	stileid.u32;
	[bflag:$0x2] =	sbarrier.arrive $0xFFFF  }
0xa0: {  	p0 =	sne.s32 s0, $0x0;
	s0 =	rddreg [dreg:$0x1]  }
0xa1: {  	s0 =	sadd.s32 @!p0 $0x100000, s0  }
0xa2: {  	[sflag:s0] =	ssyncadd.tile.s32 @!p0 $0x1;
	_ =	shalt  }
.Lfunc_end2:
_tile_overlayer_lowered:
.L_overlay_start_2:
0xa3: {  	(tag) =	ssettag $0x2  }
0xa4: {  	s0 =	rddreg [dreg:$0x0];
	s2 =	stileid.u32  }
0xa5: {  	s1 =	rddreg [dreg:$0x1];
	p0 =	sne.s32 s2, $0x0  }
0xa6: {  	s3 =	rddreg [dreg:$0x2];
	[bflag:$0x3] =	sbarrier.arrive $0xFFFF;
	s2 =	simm.s32 @!p0 $0x1C09  }
0xa7: {  	[timem:s3], [sflag:s2] =	dma.local @!p0 [hbm:s0], s1  }
0xa8: {  	s0 =	simm.s32 @!p0 $0x9  }
0xa9: {  	_ =	swait.ge @!p0 [sflag:s0], s1  }
0xaa: {  	s1 =	ssub.s32 @!p0 $0x0, s1;
	[sflag:s0] =	ssyncset.done @!p0 $0x0  }
0xab: {  	[sflag:s0] =	ssyncadd.s32 @!p0 s1  }
0xac: {  	[bflag:$0x3] =	sbarrier.arrive $0xFFFF  }
0xad: {  	_ =	shalt  }

// kernel: kernel.19.cloned.1.call-start
scs
__scs_entry_jumppad:
0x0: {  	(pc) =	sbr.rel $0x88, $3  }
0x1: {  	(tag) =	ssettag $0x0;
	lr =	simm.s32 $0x1  }
0x2: {  	[smem:$0x3F90] =	sst lr;
	_ =	strace $0xD0000000  }
0x3: {  	_ = 	snop  }
0x4: {  	_ = 	snop  }
0x5: {  	_ = 	snop  }
0x6: {  	_ = 	snop  }
0x7: {  	_ = 	snop  }
__scs_overlays_trampoline_lowered:
0x8: {  	[smem:$0x3F9F] =	sst s0  }
0x9: {  	[smem:$0x3FA0] =	sst s1  }
0xa: {  	[smem:$0x3FA1] =	sst s2  }
0xb: {  	[smem:$0x3FA2] =	sst s3  }
0xc: {  	[smem:$0x3FA3] =	sst s4  }
0xd: {  	[smem:$0x3FA4] =	sst s5  }
0xe: {  	[smem:$0x3FA5] =	sst s6  }
0xf: {  	[smem:$0x3FA6] =	sst s7  }
0x10: {  	[smem:$0x3FA7] =	sst s8  }
0x11: {  	[smem:$0x3FA8] =	sst s9;
	s0 =	simm.s32 @!p0 $0x0  }
0x12: {  	s1 =	sld [smem:$0x3F8E];
	s0 =	simm.s32 @p0 $0x1  }
0x13: {  	[smem:$0x3FA9] =	sst s0;
	s0 =	simm.s32 @!p1 $0x0  }
0x14: {  	s2 =	sld [smem:$0x3F8D];
	s0 =	simm.s32 @p1 $0x1  }
0x15: {  	[smem:$0x3FAA] =	sst s0;
	s0 =	simm.s32 @!p2 $0x0  }
0x16: {  	s3 =	sld [smem:$0x3FDB];
	s0 =	simm.s32 @p2 $0x1  }
0x17: {  	s4 =	simm.s32 $0x1BF5;
	[smem:$0x3FAC] =	sst s0  }
0x18: {  	s0 =	sld [smem:$0x3F8F];
	_ =	swait.ge [sflag:s4], $0x0  }
0x19: {  	s7 =	sld [smem:$0x3F90]  }
0x1a: {  	s8 =	sadd.s32 $0xFFFFE003, lr  }
0x1b: {  	s9 =	sadd.s32 $0xFFFFFEF7, lr;
	s5 =	simm.s32 $0xFFFFFFFF;
	p2 =	slt.u32 s8, $0xFFFFF086  }
0x1c: {  	p1 =	slt.u32 s9, $0xF7A;
	s5 =	simm.s32 @!p2 $0x0  }
0x1d: {  	s5 =	simm.s32 @p1 $0x1;
	p0 =	seq.s32 s7, s2  }
0x1e: {  	s7 =	smul.u32 @!p0 $0xF7A, s2;
	p2 =	seq.s32 @!p0 s5, $0x0  }
0x1f: {  	s9 =	smul.u32 $0xF7A, s1;
	s8 =	simm.s32 @!p0 $0x1BF5;
	p2 =	por !p2, p0  }
0x20: {  	[sflag:s8] =	ssyncset.s32 @!p0 $0xFFFFF086;
	s6 =	sadd.s32 @!p0 s3, s7;
	s7 =	simm.s32 @!p0 $0x108  }
0x21: {  	s3 =	sadd.s32 s3, s9;
	s6 =	sadd.s32 @!p0 $0x88, s6;
	s7 =	simm.s32 @p2 $0x1082  }
0x22: {  	[simem:s7], [sflag:s8] =	dma.local @!p0 [hbm:s6], $0xF7A  }
0x23: {  	s9 =	sor.u32 $0xD0000000, s2;
	s6 =	simm.s32 $0x108;
	_ =	swait.ge @!p0 [sflag:s8], $0x0  }
0x24: {  	s3 =	sadd.s32 $0x88, s3;
	s6 =	simm.s32 @!p1 $0x1082;
	[sflag:s4] =	ssyncset.s32 $0xFFFFF086  }
0x25: {  	[simem:s6], [sflag:s4] =	dma.local [hbm:s3], $0xF7A  }
0x26: {  	[smem:$0x3F90] =	sst s1;
	(tag) =	ssettag s2;
	_ =	strace s9  }
0x27: {  	s1 =	sld [smem:$0x3FA0]  }
0x28: {  	s2 =	sld [smem:$0x3FA1]  }
0x29: {  	s4 =	sld [smem:$0x3FA3]  }
0x2a: {  	p0 =	seq.s32 s5, $0x0;
	s5 =	sld [smem:$0x3FA4]  }
0x2b: {  	s6 =	sld [smem:$0x3FA5]  }
0x2c: {  	s7 =	sld [smem:$0x3FA6]  }
0x2d: {  	s3 =	simm.s32 $0x108;
	s8 =	sld [smem:$0x3FA7]  }
0x2e: {  	s3 =	simm.s32 @!p0 $0x1082;
	s9 =	sld [smem:$0x3FA8]  }
0x2f: {  	lr =	sadd.s32 s0, s3;
	s0 =	sld [smem:$0x3F9F]  }
0x30: {  	s3 =	sld [smem:$0x3FA2]  }
0x31: {  	[smem:$0x3FAB] =	sst s10  }
0x32: {  	s10 =	sld [smem:$0x3FA9];
	_ =	sdelay $0x3  }
0x33: {  	p0 =	seq.s32 s10, $0x1;
	s10 =	sld [smem:$0x3FAB];
	_ =	sdelay $0x3  }
0x34: {  	[smem:$0x3FAB] =	sst s10  }
0x35: {  	s10 =	sld [smem:$0x3FAA];
	_ =	sdelay $0x3  }
0x36: {  	p1 =	seq.s32 s10, $0x1;
	s10 =	sld [smem:$0x3FAB];
	_ =	sdelay $0x3  }
0x37: {  	[smem:$0x3FAB] =	sst s10  }
0x38: {  	s10 =	sld [smem:$0x3FAC]  }
0x39: {  	_ = 	snop;
	(pc) =	sbr.ind lr, $3  }
0x3a: {  	_ = 	snop  }
0x3b: {  	_ = 	snop  }
0x3c: {  	p2 =	seq.s32 s10, $0x1;
	s10 =	sld [smem:$0x3FAB]  }
0x3d: {  	_ =	shalt  }
0x3e: {  	_ =	shalt  }
0x3f: {  	_ =	shalt  }
0x40: {  	_ =	shalt  }
0x41: {  	_ =	shalt  }
0x42: {  	_ =	shalt  }
0x43: {  	_ =	shalt  }
0x44: {  	_ =	shalt  }
0x45: {  	_ =	shalt  }
0x46: {  	_ =	shalt  }
0x47: {  	_ =	shalt  }
0x48: {  	_ =	shalt  }
0x49: {  	_ =	shalt  }
0x4a: {  	_ =	shalt  }
0x4b: {  	_ =	shalt  }
0x4c: {  	_ =	shalt  }
0x4d: {  	_ =	shalt  }
0x4e: {  	_ =	shalt  }
0x4f: {  	_ =	shalt  }
0x50: {  	_ =	shalt  }
0x51: {  	_ =	shalt  }
0x52: {  	_ =	shalt  }
0x53: {  	_ =	shalt  }
0x54: {  	_ =	shalt  }
0x55: {  	_ =	shalt  }
0x56: {  	_ =	shalt  }
0x57: {  	_ =	shalt  }
0x58: {  	_ =	shalt  }
0x59: {  	_ =	shalt  }
0x5a: {  	_ =	shalt  }
0x5b: {  	_ =	shalt  }
0x5c: {  	_ =	shalt  }
0x5d: {  	_ =	shalt  }
0x5e: {  	_ =	shalt  }
0x5f: {  	_ =	shalt  }
0x60: {  	_ =	shalt  }
0x61: {  	_ =	shalt  }
0x62: {  	_ =	shalt  }
0x63: {  	_ =	shalt  }
0x64: {  	_ =	shalt  }
0x65: {  	_ =	shalt  }
0x66: {  	_ =	shalt  }
0x67: {  	_ =	shalt  }
0x68: {  	_ =	shalt  }
0x69: {  	_ =	shalt  }
0x6a: {  	_ =	shalt  }
0x6b: {  	_ =	shalt  }
0x6c: {  	_ =	shalt  }
0x6d: {  	_ =	shalt  }
0x6e: {  	_ =	shalt  }
0x6f: {  	_ =	shalt  }
0x70: {  	_ =	shalt  }
0x71: {  	_ =	shalt  }
0x72: {  	_ =	shalt  }
0x73: {  	_ =	shalt  }
0x74: {  	_ =	shalt  }
0x75: {  	_ =	shalt  }
0x76: {  	_ =	shalt  }
0x77: {  	_ =	shalt  }
0x78: {  	_ =	shalt  }
0x79: {  	_ =	shalt  }
0x7a: {  	_ =	shalt  }
0x7b: {  	_ =	shalt  }
0x7c: {  	_ =	shalt  }
0x7d: {  	_ =	shalt  }
0x7e: {  	_ =	shalt  }
0x7f: {  	_ =	shalt  }
0x80: {  	_ =	shalt  }
0x81: {  	_ =	shalt  }
0x82: {  	_ =	shalt  }
0x83: {  	_ =	shalt  }
0x84: {  	_ =	shalt  }
0x85: {  	_ =	shalt  }
0x86: {  	_ =	shalt  }
0x87: {  	_ =	shalt  }
.Lfunc_end0:
.L_simem_size_0:
called_computation.4_lowered:
.L_overlay_start_0:
0x88: {  	s2 =	sld [smem:$0x3FD9]  }
0x89: {  	s3 =	sld [smem:$0x3FFE];
	_ =	sdelay $0x1  }
0x8a: {  	s1 =	srdreg.scid  }
0x8b: {  	s0 =	sand.u32 $0x1, s1  }
0x8c: {  	s16 =	sshll.u32 s0, $0xA;
	s2 =	sadd.s32 s3, s2  }
0x8d: {  	s2 =	sadd.s32 s2, s16  }
0x8e: {  	[smem:$0x3FB7] =	sst s2  }
0x8f: {  	_ = 	snop  }
0x90: {  	(tm) =	ssettm $0x1  }
0x91: {  	s17 =	sld [smem:$0x3FFB];
	_ =	sdelay $0x3  }
0x92: {  	_ =	strace s17  }
0x93: {  	s2 =	sld [smem:$0x3FFC];
	_ =	sdelay $0x3  }
0x94: {  	_ =	strace s2  }
0x95: {  	s2 =	sld [smem:$0x3FFD];
	_ =	sdelay $0x3  }
0x96: {  	_ =	strace s2  }
0x97: {  	_ =	strace $0x8FFFFFFF  }
0x98: {  	s18 =	sld [smem:$0x3FDB];
	_ =	sdelay $0x1  }
0x99: {  	s19 =	simm.s32 $_scs_section_size  }
0x9a: {  	s4 =	simm.s32 $_size__tile_overlayer_lowered;
	s5 =	simm.s32 $_tile_overlayer_lowered  }
0x9b: {  	s22 =	simm.s32 $0x1BFF;
	s21 =	sshll.u32 s5, $0x1;
	s2 =	sadd.s32 s19, s18  }
0x9c: {  	s6 =	simm.s32 $0x0;
	s20 =	sshll.u32 s4, $0x1;
	s4 =	sadd.s32 s21, s2  }
0x9d: {  	[timem:s6], [sflag:s22] =	dma.local [hbm:s4], s20  }
0x9e: {  	_ =	swait.ge [sflag:s22], s20  }
0x9f: {  	s3 =	ssub.s32 $0x0, s20;
	[sflag:s22] =	ssyncset.done $0x0  }
0xa0: {  	[sflag:s22] =	ssyncadd.s32 s3;
	_ =	sdelay $0x1  }
0xa1: {  	s23 =	simm.s32 $0x1B8B  }
0xa2: {  	_ =	swait.ge [sflag:s23], $0x1  }
0xa3: {  	[sflag:s23] =	ssyncset.done $0x0  }
0xa4: {  	s25 =	simm.s32 $0x1B8E;
	s24 =	sld [smem:$0x3FFE];
	[sflag:s23] =	ssyncadd.s32 $0xFFFFFFFF  }
0xa5: {  	s26 =	simm.s32 $execute0_lowered;
	[smem:$0x3FD2] =	sst s25  }
0xa6: {  	s4 =	sshll.u32 s26, $0x1;
	_ =	strace $0x80000052;
	[dreg:$0x1] =	wrdreg $0xFFFFFFFF  }
0xa7: {  	s28 =	simm.s32 $_size_execute0_lowered;
	s2 =	sadd.s32 s2, s4;
	[dreg:$0x0] =	wrdreg $0x0  }
0xa8: {  	s4 =	sshll.u32 s28, $0x1;
	[dreg:$0x2] =	wrdreg s2  }
0xa9: {  	[dreg:$0x3] =	wrdreg s4  }
0xaa: {  	[dreg:$0x4] =	wrdreg $0xC0  }
0xab: {  	_ =	task [dreg:s6], $0x5FFFF  }
0xac: {  	[dreg:$0x1] =	wrdreg $0xFFFFFFFF  }
0xad: {  	[dreg:$0x0] =	wrdreg $0x60  }
0xae: {  	[dreg:$0x2] =	wrdreg s24  }
0xaf: {  	[dreg:$0x3] =	wrdreg $0x9  }
0xb0: {  	_ =	task.clear_ibuf [dreg:s6], $0x4FFFF;
	_ =	strace $0x90000052  }
0xb1: {  	s29 =	simm.s32 $0x9;
	_ =	strace $0x80000054  }
0xb2: {  	_ =	swait.ge [sflag:s29], $0x1  }
0xb3: {  	[sflag:s29] =	ssyncadd.s32 $0xFFFFFFFF  }
0xb4: {  	_ =	strace $0x90000054  }
0xb5: {  	_ =	sfence  }
0xb6: {  	s30 =	sld [smem:$0x0];
	_ =	sdelay $0x2  }
0xb7: {  	s31 =	sshll.u32 s1, $0xD;
	s1 =	sshrl.u32 s1, $0x2  }
0xb8: {  	s3 =	sand.u32 $0x4000, s31;
	s1 =	sadd.s32 s1, s30  }
0xb9: {  	s0 =	sor.u32 s3, s0;
	s1 =	sshll.u32 s1, $0x11  }
0xba: {  	s0 =	sor.u32 s1, s0  }
0xbb: {  	s0 =	sadd.s32 $0x8F2B, s0  }
0xbc: {  	[sflag:s0] =	ssyncadd.remote.s32 $0x1  }
0xbd: {  	_ =	sfence.sel $0xFFFF  }
0xbe: {  	[dreg:$0x0] =	wrdreg $0xFFFFFFFF;
	(pc) =	sbr.abs _section_cstart, $3  }
0xbf: {  	[dreg:$0x1] =	wrdreg $0xFFFFFFFF  }
0xc0: {  	_ =	task.clear_ibuf [dreg:s6], $0x2FFFF;
	_ =	strace $0x9FFFFFFF  }
0xc1: {  	(tm) =	ssettm $0x7FFFFFFF  }
tec
execute0_lowered:
.L_overlay_start_1:
0x0: {  	(tag) =	ssettag $0x1  }
0x1: {  	s1 =	srdreg.scid;
	s0 =	stileid.u32  }
0x2: {  	s4 =	rddreg [dreg:$0x0];
	s2 =	simm.s32 $0x0;
	s31 =	simm.s32 $0x80  }
0x3: {  	s12 =	simm.s32 $0x2800;
	s13 =	simm.s32 $0x6800;
	s15 =	simm.s32 $0xA800  }
0x4: {  	s14 =	simm.s32 $0x3;
	s18 =	simm.s32 $0x7;
	s19 =	simm.s32 $0x8  }
0x5: {  	s20 =	simm.s32 $0x0;
	s7 =	sand.u32 $0x1, s1;
	s8 =	smul.u32 $0xA0, s0  }
0x6: {  	s24 =	sshll.u32 s0, $0x1;
	[smem:$0x7FF] =	sst s2;
	s25 =	smul.u32 $0x50000, s0  }
0x7: {  	s5 =	sor.u32 s7, s24;
	_ =	strace $0x80000053;
	[dreg:$0x2] =	wrdreg s31  }
0x8: {  	s9 =	ssub.s32 $0x2, s7;
	s10 =	smul.u32 $0x50, s7;
	[dreg:$0x3] =	wrdreg s12  }
0x9: {  	s28 =	smul.u32 $0x28000, s7;
	s12 =	simm.s32 $0x1;
	[dreg:$0x4] =	wrdreg s13  }
0xa: {  	s13 =	simm.s32 $0x2;
	[dreg:$0x5] =	wrdreg s15;
	s3 =	smul.u32 $0x500, s5  }
0xb: {  	s15 =	simm.s32 $0x4;
	s11 =	sshrl.u32 s9, $0x1;
	s5 =	smul.u32 $0x50, s5  }
0xc: {  	s9 =	ssub.s32 s9, s11;
	s8 =	sadd.s32 s10, s8;
	s11 =	simm.s32 $0xE800  }
0xd: {  	s6 =	sadd.s32 s3, s4;
	s3 =	sadd.s32 $0x10600, s4;
	s4 =	sadd.s32 $0x88400, s4  }
0xe: {  	s8 =	sshll.u32 s8, $0xB;
	s29 =	smax.u32 s9, $0x1;
	s26 =	sadd.s32 $0x6600, s6  }
0xf: {  	[dreg:$0x7] =	wrdreg s29;
	s8 =	sadd.s32 s8, s4;
	s30 =	sadd.s32 s25, s4  }
0x10: {  	[dreg:$0x6] =	wrdreg s26;
	s8 =	sadd.s32 $0x1800, s8;
	s9 =	sadd.s32 s28, s30  }
.LBB2_1:
0x11: {  	s0 =	rddreg [dreg:$0x6];
	s16 =	simm.s32 $0x9  }
0x12: {  	[tilespmem:s2], [sflag:$0x9] =	stream.linear.gather [hbm4b:s0+s2], $0x2800, $0x38;
	[tilespmem:$0x12800] =	vst v63  }
0x13: {  	p0 =	por $0x0, $0x0;
	_ =	swait.ge [sflag:s16], $0x2800  }
0x14: {  	p1 =	por p0, p0;
	[sflag:s16] =	ssyncset.done $0x0  }
0x15: {  	s21 =	simm.s32 @p1 $0x5;
	[sflag:s16] =	ssyncadd.s32 $0xFFFFD800  }
0x16: {  	_ =	swait.ge @p1 [sflag:s21], $0x4000  }
0x17: {  	s22 =	simm.s32 @p1 $0x2800;
	s23 =	simm.s32 @p1 $0x6;
	[sflag:s21] =	ssyncset.done @p1 $0x0  }
0x18: {  	s24 =	simm.s32 @p1 $0x80;
	[sflag:s21] =	ssyncadd.s32 @p1 $0xFFFFC000;
	s21 =	simm.s32 @p1 $0x0  }
0x19: {  	[tilespmem:s22], [sflag:$0x1] =	stream.indirect.gather @p1 [hbm4b:s3+s24], $0x80, s21, s24, $0xb8;
	[tilespmem:$0x12800] =	vst v63  }
0x1a: {  	_ =	swait.ge @p1 [sflag:s23], $0x4000  }
0x1b: {  	s21 =	simm.s32 @p1 $0x80;
	[sflag:s23] =	ssyncset.done @p1 $0x0  }
0x1c: {  	s22 =	simm.s32 @p1 $0x6800;
	[sflag:s23] =	ssyncadd.s32 @p1 $0xFFFFC000;
	s23 =	simm.s32 @p1 $0x7  }
0x1d: {  	[tilespmem:s22], [sflag:$0x2] =	stream.indirect.gather @p1 [hbm4b:s3+s24], $0x80, s21, s24, $0xb8;
	[tilespmem:$0x12800] =	vst v63  }
0x1e: {  	_ =	swait.ge @p1 [sflag:s23], $0x4000  }
0x1f: {  	s21 =	simm.s32 @p1 $0x100;
	[sflag:s23] =	ssyncset.done @p1 $0x0  }
0x20: {  	s22 =	simm.s32 @p1 $0xA800;
	[sflag:s23] =	ssyncadd.s32 @p1 $0xFFFFC000;
	s23 =	simm.s32 @p1 $0x8  }
0x21: {  	[tilespmem:s22], [sflag:$0x3] =	stream.indirect.gather @p1 [hbm4b:s3+s24], $0x80, s21, s24, $0xb8;
	[tilespmem:$0x12800] =	vst v63  }
0x22: {  	_ =	swait.ge @p1 [sflag:s23], $0x4000  }
0x23: {  	s21 =	simm.s32 @!p1 $0x2800;
	[sflag:s23] =	ssyncset.done @p1 $0x0  }
0x24: {  	s22 =	simm.s32 @!p1 $0x80;
	[sflag:s23] =	ssyncadd.s32 @p1 $0xFFFFC000;
	s23 =	simm.s32 @!p1 $0x0  }
0x25: {  	[tilespmem:s21], [sflag:$0x1] =	stream.indirect.gather @!p1 [hbm4b:s3+s22], $0x80, s23, s22, $0xb8;
	[tilespmem:$0x12800] =	vst v63  }
0x26: {  	s25 =	simm.s32 $0x180;
	s21 =	simm.s32 @!p1 $0x6800  }
0x27: {  	[tilespmem:s21], [sflag:$0x2] =	stream.indirect.gather @!p1 [hbm4b:s3+s22], $0x80, s22, s22, $0xb8;
	[tilespmem:$0x12800] =	vst v63  }
0x28: {  	s29 =	smov.u32 s8;
	s23 =	simm.s32 @!p1 $0xA800;
	s21 =	simm.s32 @!p1 $0x100  }
0x29: {  	[tilespmem:s23], [sflag:$0x3] =	stream.indirect.gather @!p1 [hbm4b:s3+s22], $0x80, s21, s22, $0xb8;
	[tilespmem:$0x12800] =	vst v63  }
0x2a: {  	s0 =	simm.s32 $0xA;
	s17 =	rddreg [dreg:$0x2];
	s23 =	simm.s32 $0x2  }
0x2b: {  	s21 =	simm.s32 $0x800;
	s22 =	simm.s32 @p0 $0x1;
	s23 =	simm.s32 @!p0 $0x2  }
0x2c: {  	[tilespmem:s11], [sflag:$0x4] =	stream.indirect.gather [hbm4b:s3+s17], $0x80, s25, s17, $0xb8;
	[tilespmem:$0x12800] =	vst v63  }
0x2d: {  	s22 =	simm.s32 @!p0 $0x1;
	p0 =	por $0x1, $0x1;
	s23 =	sadd.s32 s5, s23  }
0x2e: {  	s22 =	sadd.s32 s5, s22;
	s25 =	simm.s32 $0x6;
	_ =	swait.ge [sflag:s12], $0x4000  }
0x2f: {  	s23 =	sshll.u32 s23, $0xB;
	s22 =	sshll.u32 s22, $0xB;
	[sflag:s12] =	ssyncset.done $0x0  }
0x30: {  	s25 =	simm.s32 @!p0 $0x2;
	s26 =	rddreg [dreg:$0x3];
	[sflag:s12] =	ssyncadd.s32 $0xFFFFC000  }
0x31: {  	[hbm4b:s9+s2] =	stream.linear.scatter [tilespmem:s26], [sflag:$0x5], $0x4000, $0x38;
	[tilespmem:$0x12800] =	vst v63  }
0x32: {  	s23 =	sand.u32 $0x1FFFF000, s23;
	s22 =	sand.u32 $0x1FFFE800, s22;
	_ =	swait.ge [sflag:s13], $0x4000  }
0x33: {  	s30 =	sadd.s32 s5, s25;
	s25 =	sadd.s32 $0x2000, s9;
	[sflag:s13] =	ssyncset.done $0x0  }
0x34: {  	s22 =	sadd.s32 s4, s22;
	s28 =	rddreg [dreg:$0x4];
	[sflag:s13] =	ssyncadd.s32 $0xFFFFC000  }
0x35: {  	[hbm4b:s22+s2] =	stream.linear.scatter [tilespmem:s28], [sflag:$0x6], $0x4000, $0x38;
	[tilespmem:$0x12800] =	vst v63  }
0x36: {  	s24 =	sshll.u32 s30, $0xB;
	s23 =	sadd.s32 s4, s23;
	_ =	swait.ge [sflag:s14], $0x4000  }
0x37: {  	s26 =	simm.s32 $0x1000;
	s22 =	simm.s32 @p0 $0x5;
	[sflag:s14] =	ssyncset.done $0x0  }
0x38: {  	s22 =	simm.s32 @!p0 $0x1;
	s31 =	rddreg [dreg:$0x5];
	[sflag:s14] =	ssyncadd.s32 $0xFFFFC000  }
0x39: {  	[hbm4b:s23+s2] =	stream.linear.scatter [tilespmem:s31], [sflag:$0x7], $0x4000, $0x38;
	[tilespmem:$0x12800] =	vst v63  }
0x3a: {  	p0 =	por p0, p0;
	s22 =	sadd.s32 s5, s22;
	_ =	swait.ge [sflag:s15], $0x4000  }
0x3b: {  	s22 =	sshll.u32 s22, $0xB;
	s23 =	sand.u32 $0x1FFFF000, s24;
	[sflag:s15] =	ssyncset.done $0x0  }
0x3c: {  	s24 =	sand.u32 $0x1FFFE800, s22;
	s22 =	sadd.s32 $0x2000, s8;
	[sflag:s15] =	ssyncadd.s32 $0xFFFFC000  }
.LBB2_2:
0x3d: {  	[hbm4b:s29+s2] =	stream.linear.scatter [tilespmem:s11], [sflag:$0x8], $0x4000, $0x38;
	[tilespmem:$0x12800] =	vst v63  }
0x3e: {  	s30 =	simm.s32 @p0 $0x5  }
0x3f: {  	s31 =	smov.u32 s26;
	_ =	swait.ge @p0 [sflag:s30], $0x4000  }
0x40: {  	s6 =	simm.s32 @p0 $0x2800;
	s7 =	simm.s32 @p0 $0x6;
	[sflag:s30] =	ssyncset.done @p0 $0x0  }
0x41: {  	s10 =	simm.s32 @p0 $0x80;
	[sflag:s30] =	ssyncadd.s32 @p0 $0xFFFFC000;
	s30 =	sshra.s32 @p0 s21, $0x2  }
0x42: {  	[tilespmem:s6], [sflag:$0x1] =	stream.indirect.gather @p0 [hbm4b:s3+s10], $0x80, s30, s10, $0xb8;
	[tilespmem:$0x12800] =	vst v63  }
0x43: {  	s28 =	smov.u32 s0;
	p1 =	sne.s32 s31, $0x0;
	_ =	swait.ge @p0 [sflag:s7], $0x4000  }
0x44: {  	s17 =	simm.s32 @p0 $0x7;
	s28 =	simm.s32 @!p1 $0x2;
	[sflag:s7] =	ssyncset.done @p0 $0x0  }
0x45: {  	s6 =	sadd.s32 @p0 $0x80, s30;
	[sflag:s7] =	ssyncadd.s32 @p0 $0xFFFFC000;
	s7 =	simm.s32 @p0 $0x6800  }
0x46: {  	[tilespmem:s7], [sflag:$0x2] =	stream.indirect.gather @p0 [hbm4b:s3+s10], $0x80, s6, s10, $0xb8;
	[tilespmem:$0x12800] =	vst v63  }
0x47: {  	s28 =	sadd.s32 s5, s28;
	s16 =	sadd.s32 @p0 $0x100, s30;
	_ =	swait.ge @p0 [sflag:s17], $0x4000  }
0x48: {  	s7 =	sshll.u32 s28, $0xB;
	s6 =	simm.s32 @p0 $0xA800;
	[sflag:s17] =	ssyncset.done @p0 $0x0  }
0x49: {  	s30 =	sand.u32 $0x1FFFF000, s7;
	s7 =	simm.s32 @p0 $0x8;
	[sflag:s17] =	ssyncadd.s32 @p0 $0xFFFFC000  }
0x4a: {  	[tilespmem:s6], [sflag:$0x3] =	stream.indirect.gather @p0 [hbm4b:s3+s10], $0x80, s16, s10, $0xb8;
	[tilespmem:$0x12800] =	vst v63  }
0x4b: {  	_ =	swait.ge @p0 [sflag:s7], $0x4000  }
0x4c: {  	s6 =	simm.s32 @!p0 $0x2800;
	[sflag:s7] =	ssyncset.done @p0 $0x0  }
0x4d: {  	s10 =	simm.s32 @!p0 $0x0;
	[sflag:s7] =	ssyncadd.s32 @p0 $0xFFFFC000;
	s7 =	simm.s32 @!p0 $0x80  }
0x4e: {  	[tilespmem:s6], [sflag:$0x1] =	stream.indirect.gather @!p0 [hbm4b:s3+s7], $0x80, s10, s7, $0xb8;
	[tilespmem:$0x12800] =	vst v63  }
0x4f: {  	s6 =	simm.s32 @!p0 $0x6800  }
0x50: {  	[tilespmem:s6], [sflag:$0x2] =	stream.indirect.gather @!p0 [hbm4b:s3+s7], $0x80, s7, s7, $0xb8;
	[tilespmem:$0x12800] =	vst v63  }
0x51: {  	s28 =	sshra.s32 s21, $0x2;
	s16 =	simm.s32 @!p0 $0xA800;
	s6 =	simm.s32 @!p0 $0x100  }
0x52: {  	[tilespmem:s16], [sflag:$0x3] =	stream.indirect.gather @!p0 [hbm4b:s3+s7], $0x80, s6, s7, $0xb8;
	[tilespmem:$0x12800] =	vst v63  }
0x53: {  	s21 =	smov.u32 s31;
	s31 =	rddreg [dreg:$0x2];
	s7 =	sadd.s32 $0x180, s28  }
0x54: {  	[tilespmem:s11], [sflag:$0x4] =	stream.indirect.gather [hbm4b:s3+s31], $0x80, s7, s31, $0xb8;
	[tilespmem:$0x12800] =	vst v63  }
0x55: {  	_ =	swait.ge [sflag:s12], $0x4000  }
0x56: {  	[sflag:s12] =	ssyncset.done $0x0  }
0x57: {  	s29 =	smov.u32 s22;
	s10 =	rddreg [dreg:$0x3];
	[sflag:s12] =	ssyncadd.s32 $0xFFFFC000  }
0x58: {  	[hbm4b:s25+s2] =	stream.linear.scatter [tilespmem:s10], [sflag:$0x5], $0x4000, $0x38;
	[tilespmem:$0x12800] =	vst v63  }
0x59: {  	s26 =	sadd.s32 $0x800, s26;
	s1 =	sadd.s32 @p1 $0xFFFFFFFF, s0;
	_ =	swait.ge [sflag:s13], $0x4000  }
0x5a: {  	s22 =	sadd.s32 $0x2000, s22;
	s1 =	simm.s32 @!p1 $0x1;
	[sflag:s13] =	ssyncset.done $0x0  }
0x5b: {  	s17 =	sadd.s32 s4, s24;
	s16 =	rddreg [dreg:$0x4];
	[sflag:s13] =	ssyncadd.s32 $0xFFFFC000  }
0x5c: {  	[hbm4b:s17+s2] =	stream.linear.scatter [tilespmem:s16], [sflag:$0x6], $0x4000, $0x38;
	[tilespmem:$0x12800] =	vst v63  }
0x5d: {  	p2 =	sne.s32 s26, $0xA000;
	s1 =	sadd.s32 s5, s1;
	_ =	swait.ge [sflag:s14], $0x4000  }
0x5e: {  	s1 =	sshll.u32 s1, $0xB;
	s31 =	sadd.s32 s4, s23;
	[sflag:s14] =	ssyncset.done $0x0  }
.Ltmp0:
0x5f: {  	s28 =	rddreg [dreg:$0x5];
	[sflag:s14] =	ssyncadd.s32 $0xFFFFC000;
	(pc) =	sbr.rel @p2 .LBB2_2-.Ltmp0, $4  }
0x60: {  	[hbm4b:s31+s2] =	stream.linear.scatter [tilespmem:s28], [sflag:$0x7], $0x4000, $0x38;
	[tilespmem:$0x12800] =	vst v63  }
0x61: {  	s0 =	sadd.s32 $0x4, s0;
	s1 =	sand.u32 $0x1FFFE800, s1;
	_ =	swait.ge [sflag:s15], $0x4000  }
0x62: {  	s24 =	smov.u32 s1;
	p0 =	por p1, p1;
	[sflag:s15] =	ssyncset.done $0x0  }
0x63: {  	s23 =	smov.u32 s30;
	s25 =	sadd.s32 $0x2000, s25;
	[sflag:s15] =	ssyncadd.s32 $0xFFFFC000  }
0x64: {  	[hbm4b:s29+s2] =	stream.linear.scatter [tilespmem:s11], [sflag:$0x8], $0x4000, $0x38;
	[tilespmem:$0x12800] =	vst v63  }
0x65: {  	s0 =	simm.s32 @p0 $0x5  }
0x66: {  	_ =	swait.ge @p0 [sflag:s0], $0x4000  }
0x67: {  	s1 =	simm.s32 @p0 $0x2800;
	s6 =	simm.s32 @p0 $0x6;
	[sflag:s0] =	ssyncset.done @p0 $0x0  }
0x68: {  	s7 =	simm.s32 @p0 $0x80;
	[sflag:s0] =	ssyncadd.s32 @p0 $0xFFFFC000;
	s0 =	sshra.s32 @p0 s21, $0x2  }
0x69: {  	[tilespmem:s1], [sflag:$0x1] =	stream.indirect.gather @p0 [hbm4b:s3+s7], $0x80, s0, s7, $0xb8;
	[tilespmem:$0x12800] =	vst v63  }
0x6a: {  	_ =	swait.ge @p0 [sflag:s6], $0x4000  }
0x6b: {  	s10 =	simm.s32 @p0 $0x7;
	[sflag:s6] =	ssyncset.done @p0 $0x0  }
0x6c: {  	s1 =	sadd.s32 @p0 $0x80, s0;
	[sflag:s6] =	ssyncadd.s32 @p0 $0xFFFFC000;
	s6 =	simm.s32 @p0 $0x6800  }
0x6d: {  	[tilespmem:s6], [sflag:$0x2] =	stream.indirect.gather @p0 [hbm4b:s3+s7], $0x80, s1, s7, $0xb8;
	[tilespmem:$0x12800] =	vst v63  }
0x6e: {  	_ =	swait.ge @p0 [sflag:s10], $0x4000  }
0x6f: {  	s0 =	sadd.s32 @p0 $0x100, s0;
	[sflag:s10] =	ssyncset.done @p0 $0x0  }
0x70: {  	s1 =	simm.s32 @p0 $0xA800;
	s6 =	simm.s32 @p0 $0x8;
	[sflag:s10] =	ssyncadd.s32 @p0 $0xFFFFC000  }
0x71: {  	[tilespmem:s1], [sflag:$0x3] =	stream.indirect.gather @p0 [hbm4b:s3+s7], $0x80, s0, s7, $0xb8;
	[tilespmem:$0x12800] =	vst v63  }
0x72: {  	_ =	swait.ge @p0 [sflag:s6], $0x4000  }
0x73: {  	s0 =	simm.s32 @!p0 $0x2800;
	[sflag:s6] =	ssyncset.done @p0 $0x0  }
0x74: {  	s1 =	simm.s32 @!p0 $0x80;
	[sflag:s6] =	ssyncadd.s32 @p0 $0xFFFFC000;
	s6 =	simm.s32 @!p0 $0x0  }
0x75: {  	[tilespmem:s0], [sflag:$0x1] =	stream.indirect.gather @!p0 [hbm4b:s3+s1], $0x80, s6, s1, $0xb8;
	[tilespmem:$0x12800] =	vst v63  }
0x76: {  	s0 =	simm.s32 @!p0 $0x6800  }
0x77: {  	[tilespmem:s0], [sflag:$0x2] =	stream.indirect.gather @!p0 [hbm4b:s3+s1], $0x80, s1, s1, $0xb8;
	[tilespmem:$0x12800] =	vst v63  }
0x78: {  	s30 =	sshra.s32 s21, $0x2;
	s7 =	simm.s32 @!p0 $0xA800;
	s0 =	simm.s32 @!p0 $0x100  }
0x79: {  	[tilespmem:s7], [sflag:$0x3] =	stream.indirect.gather @!p0 [hbm4b:s3+s1], $0x80, s0, s1, $0xb8;
	[tilespmem:$0x12800] =	vst v63  }
0x7a: {  	s16 =	sadd.s32 $0x180, s30;
	s31 =	rddreg [dreg:$0x2]  }
0x7b: {  	[tilespmem:s11], [sflag:$0x4] =	stream.indirect.gather [hbm4b:s3+s31], $0x80, s16, s31, $0xb8;
	[tilespmem:$0x12800] =	vst v63  }
0x7c: {  	_ =	swait.ge [sflag:s12], $0x4000  }
0x7d: {  	[sflag:s12] =	ssyncset.done $0x0  }
0x7e: {  	s17 =	rddreg [dreg:$0x3];
	[sflag:s12] =	ssyncadd.s32 $0xFFFFC000  }
0x7f: {  	[hbm4b:s25+s2] =	stream.linear.scatter [tilespmem:s17], [sflag:$0x5], $0x4000, $0x38;
	[tilespmem:$0x12800] =	vst v63  }
0x80: {  	_ =	swait.ge [sflag:s13], $0x4000  }
0x81: {  	[sflag:s13] =	ssyncset.done $0x0  }
0x82: {  	s25 =	sadd.s32 s4, s24;
	s21 =	rddreg [dreg:$0x4];
	[sflag:s13] =	ssyncadd.s32 $0xFFFFC000  }
0x83: {  	[hbm4b:s25+s2] =	stream.linear.scatter [tilespmem:s21], [sflag:$0x6], $0x4000, $0x38;
	[tilespmem:$0x12800] =	vst v63  }
0x84: {  	_ =	swait.ge [sflag:s14], $0x4000  }
0x85: {  	[sflag:s14] =	ssyncset.done $0x0  }
0x86: {  	s28 =	sadd.s32 s4, s23;
	s26 =	rddreg [dreg:$0x5];
	[sflag:s14] =	ssyncadd.s32 $0xFFFFC000  }
0x87: {  	[hbm4b:s28+s2] =	stream.linear.scatter [tilespmem:s26], [sflag:$0x7], $0x4000, $0x38;
	[tilespmem:$0x12800] =	vst v63  }
0x88: {  	_ =	swait.ge [sflag:s15], $0x4000  }
0x89: {  	[sflag:s15] =	ssyncset.done $0x0  }
0x8a: {  	s29 =	simm.s32 $0x5;
	[sflag:s15] =	ssyncadd.s32 $0xFFFFC000  }
0x8b: {  	[hbm4b:s22+s2] =	stream.linear.scatter [tilespmem:s11], [sflag:$0x8], $0x4000, $0x38;
	[tilespmem:$0x12800] =	vst v63  }
0x8c: {  	_ =	swait.ge [sflag:s29], $0x4000  }
0x8d: {  	[sflag:s29] =	ssyncset.done $0x0  }
0x8e: {  	s30 =	simm.s32 $0x6;
	[sflag:s29] =	ssyncadd.s32 $0xFFFFC000  }
0x8f: {  	_ =	swait.ge [sflag:s30], $0x4000  }
0x90: {  	[sflag:s30] =	ssyncset.done $0x0  }
0x91: {  	[sflag:s30] =	ssyncadd.s32 $0xFFFFC000  }
0x92: {  	_ =	swait.ge [sflag:s18], $0x4000  }
0x93: {  	[sflag:s18] =	ssyncset.done $0x0  }
0x94: {  	[sflag:s18] =	ssyncadd.s32 $0xFFFFC000  }
0x95: {  	_ =	swait.ge [sflag:s19], $0x4000  }
0x96: {  	s20 =	sadd.s32 $0x1, s20;
	s31 =	rddreg [dreg:$0x7]  }
0x97: {  	p0 =	sne.s32 s20, s31  }
.Ltmp1:
0x98: {  	_ = 	snop;
	(pc) =	sbr.rel @p0 .LBB2_1-.Ltmp1, $3  }
0x99: {  	_ =	sdelay $0x1  }
0x9a: {  	[sflag:s19] =	ssyncset.done $0x0  }
0x9b: {  	[sflag:s19] =	ssyncadd.s32 $0xFFFFC000  }
0x9c: {  	_ =	sfence.sel $0x180000  }
0x9d: {  	[bflag:$0x0] =	sbarrier.arrive $0xFFFF  }
0x9e: {  	_ =	strace $0x90000053  }
0x9f: {  	s0 =	stileid.u32;
	[bflag:$0x2] =	sbarrier.arrive $0xFFFF  }
0xa0: {  	p0 =	sne.s32 s0, $0x0;
	s0 =	rddreg [dreg:$0x1]  }
0xa1: {  	s0 =	sadd.s32 @!p0 $0x100000, s0  }
0xa2: {  	[sflag:s0] =	ssyncadd.tile.s32 @!p0 $0x1;
	_ =	shalt  }
.Lfunc_end2:
_tile_overlayer_lowered:
.L_overlay_start_2:
0xa3: {  	(tag) =	ssettag $0x2  }
0xa4: {  	s0 =	rddreg [dreg:$0x0];
	s2 =	stileid.u32  }
0xa5: {  	s1 =	rddreg [dreg:$0x1];
	p0 =	sne.s32 s2, $0x0  }
0xa6: {  	s3 =	rddreg [dreg:$0x2];
	[bflag:$0x3] =	sbarrier.arrive $0xFFFF;
	s2 =	simm.s32 @!p0 $0x1C09  }
0xa7: {  	[timem:s3], [sflag:s2] =	dma.local @!p0 [hbm:s0], s1  }
0xa8: {  	s0 =	simm.s32 @!p0 $0x9  }
0xa9: {  	_ =	swait.ge @!p0 [sflag:s0], s1  }
0xaa: {  	s1 =	ssub.s32 @!p0 $0x0, s1;
	[sflag:s0] =	ssyncset.done @!p0 $0x0  }
0xab: {  	[sflag:s0] =	ssyncadd.s32 @!p0 s1  }
0xac: {  	[bflag:$0x3] =	sbarrier.arrive $0xFFFF  }
0xad: {  	_ =	shalt  }

</sc_bundles>
